<compile_context>
chip_gen: v7x
topology: tpu7x:2x2x1
jax: 0.10.2.dev20260603
libtpu: 0.0.44.dev20260713+nightly
codegen_flags: <defaults>
</compile_context>

<pallas_src>
import functools
import math

import jax
import jax.numpy as jnp
from jax import lax
from jax.experimental import pallas as pl
from jax.experimental.pallas import tpu as pltpu
from jax.experimental.pallas import tpu_sc as plsc

_N = 20000
_C = 81
_IMG_W, _IMG_H = 1333, 800
_BBOX_CLIP = math.log(1000.0 / 16)

_NC, _NS, _L = 2, 16, 16
_NW = _NC * _NS
_STEP = 640
_ROWS = _STEP
_LASTBASE = 19456
_GROUPS = _ROWS // _L
_BIG = 2 ** 30

_mesh = plsc.VectorSubcoreMesh(core_axis_name="c", subcore_axis_name="s")
_mesh1 = plsc.VectorSubcoreMesh(core_axis_name="c", subcore_axis_name="s",
                                num_cores=1, num_subcores=1)


@functools.partial(
    pl.kernel,
    out_type=[
        jax.ShapeDtypeStruct((_NW * _L,), jnp.float32),
        jax.ShapeDtypeStruct((_NW * _L,), jnp.int32),
    ],
    mesh=_mesh,
    compiler_params=pltpu.CompilerParams(needs_layout_passes=False),
    scratch_types=[
        pltpu.VMEM((_C, _ROWS), jnp.float32),
        pltpu.VMEM((_L,), jnp.float32),
        pltpu.VMEM((_L,), jnp.int32),
    ],
)
def _scan_kernel(cl_hbm, out_s, out_i, buf, stage_f, stage_i):
    wid = lax.axis_index("c") * _NS + lax.axis_index("s")
    base = jnp.minimum(wid * _STEP, _LASTBASE)
    lane = lax.iota(jnp.int32, _L)

    pltpu.sync_copy(cl_hbm.at[:, pl.ds(base, _ROWS)], buf)

    def group_body(g, carry):
        bt_v, br_v, bc_v = carry
        r0 = g * _L

        def gat(c):
            return buf[c, pl.ds(r0, _L)]

        t_v = jnp.zeros((_L,), jnp.float32)
        lb_v = jnp.full((_L,), -jnp.inf, jnp.float32)
        cb_v = jnp.ones((_L,), jnp.int32)
        for k0 in range(0, _C, 16):
            k1 = min(k0 + 16, _C)
            vs = [(gat(c), c) for c in range(k0, k1)]
            cand = vs[1:] if k0 == 0 else vs
            while len(cand) > 1:
                nxt = [
                    ((lambda a, b, p: (jnp.where(p, b[0], a[0]),
                                       jnp.where(p, b[1], a[1])))
                     (cand[i], cand[i + 1], cand[i + 1][0] > cand[i][0]))
                    for i in range(0, len(cand) - 1, 2)
                ]
                if len(cand) % 2:
                    nxt.append(cand[-1])
                cand = nxt
            cmv, ccv = cand[0]
            pr2 = cmv > lb_v
            lb_new = jnp.where(pr2, cmv, lb_v)
            cb_v = jnp.where(pr2, ccv, cb_v)
            es = [jnp.exp(v - lb_new) for v, _ in vs]
            while len(es) > 1:
                tail = [es[-1]] if len(es) % 2 else []
                es = [es[i] + es[i + 1]
                      for i in range(0, len(es) - 1, 2)] + tail
            t_v = t_v * jnp.exp(lb_v - lb_new) + es[0]
            lb_v = lb_new

        row_v = base + g * _L + lane
        upd = (t_v < bt_v) & (row_v < _N)
        return (jnp.where(upd, t_v, bt_v),
                jnp.where(upd, row_v, br_v),
                jnp.where(upd, cb_v, bc_v))

    bt_v, br_v, bc_v = plsc.parallel_loop(
        0, _GROUPS, 1, unroll=2,
        carry=(jnp.full((_L,), jnp.inf, jnp.float32),
               jnp.zeros((_L,), jnp.int32),
               jnp.ones((_L,), jnp.int32)))(group_body)

    btmin = jnp.min(bt_v)
    rowc = jnp.where(bt_v == btmin, br_v, _BIG)
    brow = jnp.min(rowc)
    clsc = jnp.where(rowc == brow, bc_v, _BIG)
    bcls = jnp.min(clsc)
    sv = 1.0 / bt_v
    neginf = jnp.full((_L,), -jnp.inf, jnp.float32)
    bscore = jnp.max(jnp.where((bt_v == btmin) & (br_v == brow), sv, neginf))

    stage_f[...] = jnp.where(lane == 0, bscore, 0.0)
    stage_i[...] = jnp.where(lane == 0, brow * 128 + bcls, 0)
    pltpu.sync_copy(stage_f, out_s.at[pl.ds(wid * _L, _L)])
    pltpu.sync_copy(stage_i, out_i.at[pl.ds(wid * _L, _L)])


@functools.partial(
    pl.pallas_call,
    out_shape=[
        jax.ShapeDtypeStruct((8, 128), jnp.float32),
        jax.ShapeDtypeStruct((8, 128), jnp.float32),
        jax.ShapeDtypeStruct((8, 128), jnp.int32),
    ],
    in_specs=[
        pl.BlockSpec(memory_space=pltpu.MemorySpace.VMEM),
        pl.BlockSpec(memory_space=pltpu.MemorySpace.VMEM),
        pl.BlockSpec(memory_space=pl.ANY),
        pl.BlockSpec(memory_space=pl.ANY),
    ],
    scratch_shapes=[
        pltpu.VMEM((8, 128), jnp.float32),
        pltpu.VMEM((4, 128), jnp.float32),
        pltpu.SemaphoreType.DMA,
        pltpu.SemaphoreType.DMA,
    ],
)
def _decode_kernel(sc_ref, iv_ref, br_any, pr_any, out_b, out_s, out_c,
                   rowbuf, prbuf, sem0, sem1):
    col = lax.broadcasted_iota(jnp.int32, (4, 128), 1)
    sc = sc_ref[...].reshape(4, 128)
    iv = iv_ref[...].reshape(4, 128)
    m0 = jnp.bitwise_and(col, 15) == 0
    best = jnp.max(jnp.where(m0, sc, -jnp.inf))
    packed = jnp.min(jnp.where(m0 & (sc == best), iv, _BIG))
    row = lax.shift_right_logical(packed, 7)
    cls = jnp.bitwise_and(packed, 127)

    aligned = pl.multiple_of(jnp.bitwise_and(row, -128), 128)
    off = row - aligned
    sub0 = pl.multiple_of(jnp.bitwise_and(4 * cls, -8), 8)
    soff = 4 * cls - sub0
    cp0 = pltpu.make_async_copy(
        br_any.at[pl.ds(sub0, 8), pl.ds(aligned, 128)], rowbuf, sem0)
    cp1 = pltpu.make_async_copy(pr_any.at[:, pl.ds(aligned, 128)], prbuf, sem1)
    cp0.start()
    cp1.start()
    cp0.wait()
    cp1.wait()

    rowr = lax.broadcasted_iota(jnp.int32, (8, 128), 0)
    colr = lax.broadcasted_iota(jnp.int32, (8, 128), 1)
    rowp = lax.broadcasted_iota(jnp.int32, (4, 128), 0)
    colp = lax.broadcasted_iota(jnp.int32, (4, 128), 1)
    rv = rowbuf[...]
    pv = prbuf[...]

    def extr(k):
        return jnp.sum(jnp.where((rowr == soff + k) & (colr == off), rv, 0.0))

    def extp(k):
        return jnp.sum(jnp.where((rowp == k) & (colp == off), pv, 0.0))

    dx = extr(0) / 10.0
    dy = extr(1) / 10.0
    dw = jnp.minimum(extr(2) / 5.0, _BBOX_CLIP)
    dh = jnp.minimum(extr(3) / 5.0, _BBOX_CLIP)
    x1, y1, x2, y2 = extp(0), extp(1), extp(2), extp(3)

    w = x2 - x1 + 1.0
    h = y2 - y1 + 1.0
    cx = x1 + 0.5 * w
    cy = y1 + 0.5 * h

    pw = jnp.exp(dw) * w
    ph = jnp.exp(dh) * h
    pcx = dx * w + cx
    pcy = dy * h + cy

    def _clip(v, hi):
        return jnp.minimum(jnp.maximum(v, 0.0), hi)

    ox1 = _clip(pcx - 0.5 * pw, _IMG_W - 1.0)
    oy1 = _clip(pcy - 0.5 * ph, _IMG_H - 1.0)
    ox2 = _clip(pcx + 0.5 * pw - 1.0, _IMG_W - 1.0)
    oy2 = _clip(pcy + 0.5 * ph - 1.0, _IMG_H - 1.0)

    colo = lax.broadcasted_iota(jnp.int32, (8, 128), 1)
    out_b[...] = jnp.where(colo == 0, ox1,
                 jnp.where(colo == 1, oy1,
                 jnp.where(colo == 2, ox2,
                 jnp.where(colo == 3, oy2, 0.0))))
    out_s[...] = jnp.where(colo == 0, best, 0.0)
    out_c[...] = jnp.where(colo == 0, cls, 0)


@jax.jit
def kernel(class_logits, box_regression, proposals):
    out_s, out_i = _scan_kernel(class_logits.T)
    out_b, out_sc, out_c = _decode_kernel(out_s, out_i,
                                          box_regression.T, proposals.T)
    boxes_best = out_b[0:1, 0:4]
    max_score = out_sc[0, 0]
    cls_best = out_c[0, 0]
    return boxes_best, max_score, cls_best

# --- scband reference (transcript-rebuilt; emitter-appended) ---
"""Pipeline reference for scband-post-processor-79860621902405 (READ-ONLY COPY).

The authoritative reference and input builder live on the scoring server;
editing this copy changes nothing except your own understanding.
"""

import jax, jax.numpy as jnp
import numpy as np
import math

N = 20000
C = 81
IMG_W, IMG_H = 1333, 800
WEIGHTS = (10.0, 10.0, 5.0, 5.0)
BBOX_XFORM_CLIP = math.log(1000.0 / 16)


def setup_inputs(seed: int = 0):
    key = jax.random.key(seed)
    k1, k2, k3, k4 = jax.random.split(key, 4)
    class_logits = jax.random.normal(k1, (N, C), dtype=jnp.float32)
    box_regression = jax.random.normal(k2, (N, C * 4), dtype=jnp.float32) * 0.5
    xy = jax.random.uniform(k3, (N, 2), dtype=jnp.float32) * jnp.array([IMG_W * 0.5, IMG_H * 0.5], dtype=jnp.float32)
    wh = jax.random.uniform(k4, (N, 2), dtype=jnp.float32) * jnp.array([IMG_W * 0.45, IMG_H * 0.45], dtype=jnp.float32) + 1.0
    proposals = jnp.concatenate([xy, xy + wh], axis=1)
    return {"class_logits": class_logits, "box_regression": box_regression, "proposals": proposals}


def _decode(rel_codes, boxes):
    # maskrcnn-benchmark BoxCoder.decode, weights=(10,10,5,5)
    TO_REMOVE = 1.0
    widths = boxes[:, 2] - boxes[:, 0] + TO_REMOVE
    heights = boxes[:, 3] - boxes[:, 1] + TO_REMOVE
    ctr_x = boxes[:, 0] + 0.5 * widths
    ctr_y = boxes[:, 1] + 0.5 * heights
    wx, wy, ww, wh = WEIGHTS
    dx = rel_codes[:, 0::4] / wx
    dy = rel_codes[:, 1::4] / wy
    dw = rel_codes[:, 2::4] / ww
    dh = rel_codes[:, 3::4] / wh
    dw = jnp.minimum(dw, BBOX_XFORM_CLIP)
    dh = jnp.minimum(dh, BBOX_XFORM_CLIP)
    pred_ctr_x = dx * widths[:, None] + ctr_x[:, None]
    pred_ctr_y = dy * heights[:, None] + ctr_y[:, None]
    pred_w = jnp.exp(dw) * widths[:, None]
    pred_h = jnp.exp(dh) * heights[:, None]
    x1 = pred_ctr_x - 0.5 * pred_w
    y1 = pred_ctr_y - 0.5 * pred_h
    x2 = pred_ctr_x + 0.5 * pred_w - 1.0
    y2 = pred_ctr_y + 0.5 * pred_h - 1.0
    pred = jnp.stack([x1, y1, x2, y2], axis=2).reshape(rel_codes.shape[0], -1)
    return pred


def reference(class_logits, box_regression, proposals):
    # softmax over class logits
    class_prob = jax.nn.softmax(class_logits, axis=-1)  # (N, C)
    # decode box regression against proposals -> (N, C*4)
    decoded = _decode(box_regression, proposals)
    # clip_to_image(remove_empty=False)
    b = decoded.reshape(-1, 4)
    x1 = jnp.clip(b[:, 0], 0.0, IMG_W - 1.0)
    y1 = jnp.clip(b[:, 1], 0.0, IMG_H - 1.0)
    x2 = jnp.clip(b[:, 2], 0.0, IMG_W - 1.0)
    y2 = jnp.clip(b[:, 3], 0.0, IMG_H - 1.0)
    boxes = jnp.stack([x1, y1, x2, y2], axis=1).reshape(N, C * 4)
    # filter_results: pick single global-best non-background detection
    scores_remove_bg = class_prob[:, 1:]  # (N, C-1)
    max_scores_cls = jnp.max(scores_remove_bg, axis=1)  # (N,)
    max_cls_index = jnp.argmax(scores_remove_bg, axis=1)  # (N,)
    max_score = jnp.max(max_scores_cls)
    max_score_index = jnp.argmax(max_scores_cls)
    cls_best = max_cls_index[max_score_index] + 1
    row = boxes[max_score_index]  # (C*4,)
    boxes_best = jax.lax.dynamic_slice(row, (cls_best * 4,), (4,)).reshape(1, 4)
    return boxes_best, max_score, cls_best

if __name__ == "__main__":
    import jax
    _d = setup_inputs()
    print(jax.jit(kernel)(*tuple(_d.values())))

</pallas_src>

<mosaic_0001>
#map = affine_map<(d0, d1) -> (0, 0)>
#map1 = affine_map<(d0, d1) -> (0)>
module attributes {stable_mosaic.version = 14 : i64} {
  func.func @_scan_kernel(%arg0: i32, %arg1: i32, %arg2: memref<81x20000xf32, #tpu.memory_space<hbm>>, %arg3: memref<512xf32, #tpu.memory_space<hbm>>, %arg4: memref<512xi32, #tpu.memory_space<hbm>>, %arg5: memref<81x640xf32, #tpu.memory_space<vmem>>, %arg6: memref<16xf32, #tpu.memory_space<vmem>>, %arg7: memref<16xi32, #tpu.memory_space<vmem>>) attributes {dimension_semantics = [#tpu.dimension_semantics<core_parallel>, #tpu.dimension_semantics<subcore_parallel>], iteration_bounds = array<i64: 2, 16>, scalar_prefetch = 0 : i64, scratch_operands = 3 : i64, tpu.core_type = #tpu.core_type<sc_vector_subcore>, window_params = [{transform_indices = #map}, {transform_indices = #map1}, {transform_indices = #map1}]} {
    %mul3A = arith.constant 16 : i32
    %mul3A_0 = arith.muli %arg0, %mul3A : i32
    %add3A = arith.addi %mul3A_0, %arg1 : i32
    %mul3A_1 = arith.constant 640 : i32
    %mul3A_2 = arith.muli %add3A, %mul3A_1 : i32
    %min3A = arith.constant 19456 : i32
    %min3A_3 = arith.minsi %mul3A_2, %min3A : i32
    %iota3A = tpu.iota {dimensions = array<i32: 0>} : vector<16xi32>
    "tpu.region"() ({
      %run_scoped3A = tpu.sem_alloc : memref<!tpu.dma_semaphore, #tpu.memory_space<semaphore_mem>>
      %dma_start3A = arith.constant 0 : i32
      %dma_start3A_74 = tpu.memref_slice %arg2[%dma_start3A, %min3A_3] : memref<81x20000xf32, #tpu.memory_space<hbm>> -> memref<81x640xf32, #tpu.memory_space<hbm>>
      %dma_start3A_75 = arith.constant 0 : i32
      %dma_start3A_76 = tpu.memref_slice %arg2[%dma_start3A_75, %min3A_3] : memref<81x20000xf32, #tpu.memory_space<hbm>> -> memref<81x640xf32, #tpu.memory_space<hbm>>
      tpu.enqueue_dma source(%dma_start3A_76 : memref<81x640xf32, #tpu.memory_space<hbm>>) target(%arg5 : memref<81x640xf32, #tpu.memory_space<vmem>>) target_semaphore(%run_scoped3A : memref<!tpu.dma_semaphore, #tpu.memory_space<semaphore_mem>>)
      %dma_wait3A = arith.constant 0 : i32
      %dma_wait3A_77 = tpu.memref_slice %arg2[%dma_wait3A, %min3A_3] : memref<81x20000xf32, #tpu.memory_space<hbm>> -> memref<81x640xf32, #tpu.memory_space<hbm>>
      %dma_wait3A_78 = arith.constant 0 : i32
      %dma_wait3A_79 = tpu.memref_slice %arg2[%dma_wait3A_78, %min3A_3] : memref<81x20000xf32, #tpu.memory_space<hbm>> -> memref<81x640xf32, #tpu.memory_space<hbm>>
      tpu.wait_dma2 semaphore(%run_scoped3A : memref<!tpu.dma_semaphore, #tpu.memory_space<semaphore_mem>>) src(%dma_wait3A_79 : memref<81x640xf32, #tpu.memory_space<hbm>>) dst(%arg5 : memref<81x640xf32, #tpu.memory_space<vmem>>)
      tpu.yield
    }) : () -> ()
    %broadcast_in_dim3A = arith.constant 0x7F800000 : f32
    %broadcast_in_dim3A_4 = vector.broadcast %broadcast_in_dim3A : f32 to vector<16xf32>
    %broadcast_in_dim3A_5 = arith.constant 0 : i32
    %broadcast_in_dim3A_6 = vector.broadcast %broadcast_in_dim3A_5 : i32 to vector<16xi32>
    %broadcast_in_dim3A_7 = arith.constant 1 : i32
    %broadcast_in_dim3A_8 = vector.broadcast %broadcast_in_dim3A_7 : i32 to vector<16xi32>
    %parallel_loop3A = arith.constant 0 : i32
    %parallel_loop3A_9 = arith.constant 40 : i32
    %parallel_loop3A_10 = arith.constant 1 : i32
    %parallel_loop3A_11:3 = scf.for %parallel_loop3A_74 = %parallel_loop3A to %parallel_loop3A_9 step %parallel_loop3A_10 iter_args(%parallel_loop3A_75 = %broadcast_in_dim3A_4, %parallel_loop3A_76 = %broadcast_in_dim3A_6, %parallel_loop3A_77 = %broadcast_in_dim3A_8) -> (vector<16xf32>, vector<16xi32>, vector<16xi32>)  : i32 {
      %parallel_loop3A_78 = arith.constant 16 : i32
      %parallel_loop3A_79 = arith.muli %parallel_loop3A_74, %parallel_loop3A_78 : i32
      %parallel_loop3A_80 = arith.constant 0.000000e+00 : f32
      %parallel_loop3A_81 = vector.broadcast %parallel_loop3A_80 : f32 to vector<16xf32>
      %parallel_loop3A_82 = arith.constant 0xFF800000 : f32
      %parallel_loop3A_83 = vector.broadcast %parallel_loop3A_82 : f32 to vector<16xf32>
      %parallel_loop3A_84 = arith.constant 1 : i32
      %parallel_loop3A_85 = vector.broadcast %parallel_loop3A_84 : i32 to vector<16xi32>
      %parallel_loop3A_86 = arith.constant 0 : i32
      %parallel_loop3A_87 = arith.index_cast %parallel_loop3A_86 : i32 to index
      %parallel_loop3A_88 = arith.index_cast %parallel_loop3A_79 : i32 to index
      %parallel_loop3A_89 = tpu.vector_load %arg5[%parallel_loop3A_87, %parallel_loop3A_88] {strides = array<i32>} : memref<81x640xf32, #tpu.memory_space<vmem>>, vector<16xf32>,
      %parallel_loop3A_90 = arith.constant 1 : i32
      %parallel_loop3A_91 = arith.index_cast %parallel_loop3A_90 : i32 to index
      %parallel_loop3A_92 = arith.index_cast %parallel_loop3A_79 : i32 to index
      %parallel_loop3A_93 = tpu.vector_load %arg5[%parallel_loop3A_91, %parallel_loop3A_92] {strides = array<i32>} : memref<81x640xf32, #tpu.memory_space<vmem>>, vector<16xf32>,
      %parallel_loop3A_94 = arith.constant 2 : i32
      %parallel_loop3A_95 = arith.index_cast %parallel_loop3A_94 : i32 to index
      %parallel_loop3A_96 = arith.index_cast %parallel_loop3A_79 : i32 to index
      %parallel_loop3A_97 = tpu.vector_load %arg5[%parallel_loop3A_95, %parallel_loop3A_96] {strides = array<i32>} : memref<81x640xf32, #tpu.memory_space<vmem>>, vector<16xf32>,
      %parallel_loop3A_98 = arith.constant 3 : i32
      %parallel_loop3A_99 = arith.index_cast %parallel_loop3A_98 : i32 to index
      %parallel_loop3A_100 = arith.index_cast %parallel_loop3A_79 : i32 to index
      %parallel_loop3A_101 = tpu.vector_load %arg5[%parallel_loop3A_99, %parallel_loop3A_100] {strides = array<i32>} : memref<81x640xf32, #tpu.memory_space<vmem>>, vector<16xf32>,
      %parallel_loop3A_102 = arith.constant 4 : i32
      %parallel_loop3A_103 = arith.index_cast %parallel_loop3A_102 : i32 to index
      %parallel_loop3A_104 = arith.index_cast %parallel_loop3A_79 : i32 to index
      %parallel_loop3A_105 = tpu.vector_load %arg5[%parallel_loop3A_103, %parallel_loop3A_104] {strides = array<i32>} : memref<81x640xf32, #tpu.memory_space<vmem>>, vector<16xf32>,
      %parallel_loop3A_106 = arith.constant 5 : i32
      %parallel_loop3A_107 = arith.index_cast %parallel_loop3A_106 : i32 to index
      %parallel_loop3A_108 = arith.index_cast %parallel_loop3A_79 : i32 to index
      %parallel_loop3A_109 = tpu.vector_load %arg5[%parallel_loop3A_107, %parallel_loop3A_108] {strides = array<i32>} : memref<81x640xf32, #tpu.memory_space<vmem>>, vector<16xf32>,
      %parallel_loop3A_110 = arith.constant 6 : i32
      %parallel_loop3A_111 = arith.index_cast %parallel_loop3A_110 : i32 to index
      %parallel_loop3A_112 = arith.index_cast %parallel_loop3A_79 : i32 to index
      %parallel_loop3A_113 = tpu.vector_load %arg5[%parallel_loop3A_111, %parallel_loop3A_112] {strides = array<i32>} : memref<81x640xf32, #tpu.memory_space<vmem>>, vector<16xf32>,
      %parallel_loop3A_114 = arith.constant 7 : i32
      %parallel_loop3A_115 = arith.index_cast %parallel_loop3A_114 : i32 to index
      %parallel_loop3A_116 = arith.index_cast %parallel_loop3A_79 : i32 to index
      %parallel_loop3A_117 = tpu.vector_load %arg5[%parallel_loop3A_115, %parallel_loop3A_116] {strides = array<i32>} : memref<81x640xf32, #tpu.memory_space<vmem>>, vector<16xf32>,
      %parallel_loop3A_118 = arith.constant 8 : i32
      %parallel_loop3A_119 = arith.index_cast %parallel_loop3A_118 : i32 to index
      %parallel_loop3A_120 = arith.index_cast %parallel_loop3A_79 : i32 to index
      %parallel_loop3A_121 = tpu.vector_load %arg5[%parallel_loop3A_119, %parallel_loop3A_120] {strides = array<i32>} : memref<81x640xf32, #tpu.memory_space<vmem>>, vector<16xf32>,
      %parallel_loop3A_122 = arith.constant 9 : i32
      %parallel_loop3A_123 = arith.index_cast %parallel_loop3A_122 : i32 to index
      %parallel_loop3A_124 = arith.index_cast %parallel_loop3A_79 : i32 to index
      %parallel_loop3A_125 = tpu.vector_load %arg5[%parallel_loop3A_123, %parallel_loop3A_124] {strides = array<i32>} : memref<81x640xf32, #tpu.memory_space<vmem>>, vector<16xf32>,
      %parallel_loop3A_126 = arith.constant 10 : i32
      %parallel_loop3A_127 = arith.index_cast %parallel_loop3A_126 : i32 to index
      %parallel_loop3A_128 = arith.index_cast %parallel_loop3A_79 : i32 to index
      %parallel_loop3A_129 = tpu.vector_load %arg5[%parallel_loop3A_127, %parallel_loop3A_128] {strides = array<i32>} : memref<81x640xf32, #tpu.memory_space<vmem>>, vector<16xf32>,
      %parallel_loop3A_130 = arith.constant 11 : i32
      %parallel_loop3A_131 = arith.index_cast %parallel_loop3A_130 : i32 to index
      %parallel_loop3A_132 = arith.index_cast %parallel_loop3A_79 : i32 to index
      %parallel_loop3A_133 = tpu.vector_load %arg5[%parallel_loop3A_131, %parallel_loop3A_132] {strides = array<i32>} : memref<81x640xf32, #tpu.memory_space<vmem>>, vector<16xf32>,
      %parallel_loop3A_134 = arith.constant 12 : i32
      %parallel_loop3A_135 = arith.index_cast %parallel_loop3A_134 : i32 to index
      %parallel_loop3A_136 = arith.index_cast %parallel_loop3A_79 : i32 to index
      %parallel_loop3A_137 = tpu.vector_load %arg5[%parallel_loop3A_135, %parallel_loop3A_136] {strides = array<i32>} : memref<81x640xf32, #tpu.memory_space<vmem>>, vector<16xf32>,
      %parallel_loop3A_138 = arith.constant 13 : i32
      %parallel_loop3A_139 = arith.index_cast %parallel_loop3A_138 : i32 to index
      %parallel_loop3A_140 = arith.index_cast %parallel_loop3A_79 : i32 to index
      %parallel_loop3A_141 = tpu.vector_load %arg5[%parallel_loop3A_139, %parallel_loop3A_140] {strides = array<i32>} : memref<81x640xf32, #tpu.memory_space<vmem>>, vector<16xf32>,
      %parallel_loop3A_142 = arith.constant 14 : i32
      %parallel_loop3A_143 = arith.index_cast %parallel_loop3A_142 : i32 to index
      %parallel_loop3A_144 = arith.index_cast %parallel_loop3A_79 : i32 to index
      %parallel_loop3A_145 = tpu.vector_load %arg5[%parallel_loop3A_143, %parallel_loop3A_144] {strides = array<i32>} : memref<81x640xf32, #tpu.memory_space<vmem>>, vector<16xf32>,
      %parallel_loop3A_146 = arith.constant 15 : i32
      %parallel_loop3A_147 = arith.index_cast %parallel_loop3A_146 : i32 to index
      %parallel_loop3A_148 = arith.index_cast %parallel_loop3A_79 : i32 to index
      %parallel_loop3A_149 = tpu.vector_load %arg5[%parallel_loop3A_147, %parallel_loop3A_148] {strides = array<i32>} : memref<81x640xf32, #tpu.memory_space<vmem>>, vector<16xf32>,
      %parallel_loop3A_150 = arith.cmpf ogt, %parallel_loop3A_97, %parallel_loop3A_93 : vector<16xf32>
      %parallel_loop3A_151 = arith.select %parallel_loop3A_150, %parallel_loop3A_97, %parallel_loop3A_93 : vector<16xi1>, vector<16xf32>
      %parallel_loop3A_152 = arith.constant 2 : i32
      %parallel_loop3A_153 = arith.constant 1 : i32
      %parallel_loop3A_154 = vector.broadcast %parallel_loop3A_152 : i32 to vector<16xi32>
      %parallel_loop3A_155 = vector.broadcast %parallel_loop3A_153 : i32 to vector<16xi32>
      %parallel_loop3A_156 = arith.select %parallel_loop3A_150, %parallel_loop3A_154, %parallel_loop3A_155 : vector<16xi1>, vector<16xi32>
      %parallel_loop3A_157 = arith.cmpf ogt, %parallel_loop3A_105, %parallel_loop3A_101 : vector<16xf32>
      %parallel_loop3A_158 = arith.select %parallel_loop3A_157, %parallel_loop3A_105, %parallel_loop3A_101 : vector<16xi1>, vector<16xf32>
      %parallel_loop3A_159 = arith.constant 4 : i32
      %parallel_loop3A_160 = arith.constant 3 : i32
      %parallel_loop3A_161 = vector.broadcast %parallel_loop3A_159 : i32 to vector<16xi32>
      %parallel_loop3A_162 = vector.broadcast %parallel_loop3A_160 : i32 to vector<16xi32>
      %parallel_loop3A_163 = arith.select %parallel_loop3A_157, %parallel_loop3A_161, %parallel_loop3A_162 : vector<16xi1>, vector<16xi32>
      %parallel_loop3A_164 = arith.cmpf ogt, %parallel_loop3A_113, %parallel_loop3A_109 : vector<16xf32>
      %parallel_loop3A_165 = arith.select %parallel_loop3A_164, %parallel_loop3A_113, %parallel_loop3A_109 : vector<16xi1>, vector<16xf32>
      %parallel_loop3A_166 = arith.constant 6 : i32
      %parallel_loop3A_167 = arith.constant 5 : i32
      %parallel_loop3A_168 = vector.broadcast %parallel_loop3A_166 : i32 to vector<16xi32>
      %parallel_loop3A_169 = vector.broadcast %parallel_loop3A_167 : i32 to vector<16xi32>
      %parallel_loop3A_170 = arith.select %parallel_loop3A_164, %parallel_loop3A_168, %parallel_loop3A_169 : vector<16xi1>, vector<16xi32>
      %parallel_loop3A_171 = arith.cmpf ogt, %parallel_loop3A_121, %parallel_loop3A_117 : vector<16xf32>
      %parallel_loop3A_172 = arith.select %parallel_loop3A_171, %parallel_loop3A_121, %parallel_loop3A_117 : vector<16xi1>, vector<16xf32>
      %parallel_loop3A_173 = arith.constant 8 : i32
      %parallel_loop3A_174 = arith.constant 7 : i32
      %parallel_loop3A_175 = vector.broadcast %parallel_loop3A_173 : i32 to vector<16xi32>
      %parallel_loop3A_176 = vector.broadcast %parallel_loop3A_174 : i32 to vector<16xi32>
      %parallel_loop3A_177 = arith.select %parallel_loop3A_171, %parallel_loop3A_175, %parallel_loop3A_176 : vector<16xi1>, vector<16xi32>
      %parallel_loop3A_178 = arith.cmpf ogt, %parallel_loop3A_129, %parallel_loop3A_125 : vector<16xf32>
      %parallel_loop3A_179 = arith.select %parallel_loop3A_178, %parallel_loop3A_129, %parallel_loop3A_125 : vector<16xi1>, vector<16xf32>
      %parallel_loop3A_180 = arith.constant 10 : i32
      %parallel_loop3A_181 = arith.constant 9 : i32
      %parallel_loop3A_182 = vector.broadcast %parallel_loop3A_180 : i32 to vector<16xi32>
      %parallel_loop3A_183 = vector.broadcast %parallel_loop3A_181 : i32 to vector<16xi32>
      %parallel_loop3A_184 = arith.select %parallel_loop3A_178, %parallel_loop3A_182, %parallel_loop3A_183 : vector<16xi1>, vector<16xi32>
      %parallel_loop3A_185 = arith.cmpf ogt, %parallel_loop3A_137, %parallel_loop3A_133 : vector<16xf32>
      %parallel_loop3A_186 = arith.select %parallel_loop3A_185, %parallel_loop3A_137, %parallel_loop3A_133 : vector<16xi1>, vector<16xf32>
      %parallel_loop3A_187 = arith.constant 12 : i32
      %parallel_loop3A_188 = arith.constant 11 : i32
      %parallel_loop3A_189 = vector.broadcast %parallel_loop3A_187 : i32 to vector<16xi32>
      %parallel_loop3A_190 = vector.broadcast %parallel_loop3A_188 : i32 to vector<16xi32>
      %parallel_loop3A_191 = arith.select %parallel_loop3A_185, %parallel_loop3A_189, %parallel_loop3A_190 : vector<16xi1>, vector<16xi32>
      %parallel_loop3A_192 = arith.cmpf ogt, %parallel_loop3A_145, %parallel_loop3A_141 : vector<16xf32>
      %parallel_loop3A_193 = arith.select %parallel_loop3A_192, %parallel_loop3A_145, %parallel_loop3A_141 : vector<16xi1>, vector<16xf32>
      %parallel_loop3A_194 = arith.constant 14 : i32
      %parallel_loop3A_195 = arith.constant 13 : i32
      %parallel_loop3A_196 = vector.broadcast %parallel_loop3A_194 : i32 to vector<16xi32>
      %parallel_loop3A_197 = vector.broadcast %parallel_loop3A_195 : i32 to vector<16xi32>
      %parallel_loop3A_198 = arith.select %parallel_loop3A_192, %parallel_loop3A_196, %parallel_loop3A_197 : vector<16xi1>, vector<16xi32>
      %parallel_loop3A_199 = arith.cmpf ogt, %parallel_loop3A_158, %parallel_loop3A_151 : vector<16xf32>
      %parallel_loop3A_200 = arith.select %parallel_loop3A_199, %parallel_loop3A_158, %parallel_loop3A_151 : vector<16xi1>, vector<16xf32>
      %parallel_loop3A_201 = arith.select %parallel_loop3A_199, %parallel_loop3A_163, %parallel_loop3A_156 : vector<16xi1>, vector<16xi32>
      %parallel_loop3A_202 = arith.cmpf ogt, %parallel_loop3A_172, %parallel_loop3A_165 : vector<16xf32>
      %parallel_loop3A_203 = arith.select %parallel_loop3A_202, %parallel_loop3A_172, %parallel_loop3A_165 : vector<16xi1>, vector<16xf32>
      %parallel_loop3A_204 = arith.select %parallel_loop3A_202, %parallel_loop3A_177, %parallel_loop3A_170 : vector<16xi1>, vector<16xi32>
      %parallel_loop3A_205 = arith.cmpf ogt, %parallel_loop3A_186, %parallel_loop3A_179 : vector<16xf32>
      %parallel_loop3A_206 = arith.select %parallel_loop3A_205, %parallel_loop3A_186, %parallel_loop3A_179 : vector<16xi1>, vector<16xf32>
      %parallel_loop3A_207 = arith.select %parallel_loop3A_205, %parallel_loop3A_191, %parallel_loop3A_184 : vector<16xi1>, vector<16xi32>
      %parallel_loop3A_208 = arith.cmpf ogt, %parallel_loop3A_149, %parallel_loop3A_193 : vector<16xf32>
      %parallel_loop3A_209 = arith.select %parallel_loop3A_208, %parallel_loop3A_149, %parallel_loop3A_193 : vector<16xi1>, vector<16xf32>
      %parallel_loop3A_210 = arith.constant 15 : i32
      %parallel_loop3A_211 = vector.broadcast %parallel_loop3A_210 : i32 to vector<16xi32>
      %parallel_loop3A_212 = arith.select %parallel_loop3A_208, %parallel_loop3A_211, %parallel_loop3A_198 : vector<16xi1>, vector<16xi32>
      %parallel_loop3A_213 = arith.cmpf ogt, %parallel_loop3A_203, %parallel_loop3A_200 : vector<16xf32>
      %parallel_loop3A_214 = arith.select %parallel_loop3A_213, %parallel_loop3A_203, %parallel_loop3A_200 : vector<16xi1>, vector<16xf32>
      %parallel_loop3A_215 = arith.select %parallel_loop3A_213, %parallel_loop3A_204, %parallel_loop3A_201 : vector<16xi1>, vector<16xi32>
      %parallel_loop3A_216 = arith.cmpf ogt, %parallel_loop3A_209, %parallel_loop3A_206 : vector<16xf32>
      %parallel_loop3A_217 = arith.select %parallel_loop3A_216, %parallel_loop3A_209, %parallel_loop3A_206 : vector<16xi1>, vector<16xf32>
      %parallel_loop3A_218 = arith.select %parallel_loop3A_216, %parallel_loop3A_212, %parallel_loop3A_207 : vector<16xi1>, vector<16xi32>
      %parallel_loop3A_219 = arith.cmpf ogt, %parallel_loop3A_217, %parallel_loop3A_214 : vector<16xf32>
      %parallel_loop3A_220 = arith.select %parallel_loop3A_219, %parallel_loop3A_217, %parallel_loop3A_214 : vector<16xi1>, vector<16xf32>
      %parallel_loop3A_221 = arith.select %parallel_loop3A_219, %parallel_loop3A_218, %parallel_loop3A_215 : vector<16xi1>, vector<16xi32>
      %parallel_loop3A_222 = arith.cmpf ogt, %parallel_loop3A_220, %parallel_loop3A_83 : vector<16xf32>
      %parallel_loop3A_223 = arith.select %parallel_loop3A_222, %parallel_loop3A_220, %parallel_loop3A_83 : vector<16xi1>, vector<16xf32>
      %parallel_loop3A_224 = arith.select %parallel_loop3A_222, %parallel_loop3A_221, %parallel_loop3A_85 : vector<16xi1>, vector<16xi32>
      %parallel_loop3A_225 = arith.subf %parallel_loop3A_89, %parallel_loop3A_223 : vector<16xf32>
      %parallel_loop3A_226 = math.exp %parallel_loop3A_225 : vector<16xf32>
      %parallel_loop3A_227 = arith.subf %parallel_loop3A_93, %parallel_loop3A_223 : vector<16xf32>
      %parallel_loop3A_228 = math.exp %parallel_loop3A_227 : vector<16xf32>
      %parallel_loop3A_229 = arith.subf %parallel_loop3A_97, %parallel_loop3A_223 : vector<16xf32>
      %parallel_loop3A_230 = math.exp %parallel_loop3A_229 : vector<16xf32>
      %parallel_loop3A_231 = arith.subf %parallel_loop3A_101, %parallel_loop3A_223 : vector<16xf32>
      %parallel_loop3A_232 = math.exp %parallel_loop3A_231 : vector<16xf32>
      %parallel_loop3A_233 = arith.subf %parallel_loop3A_105, %parallel_loop3A_223 : vector<16xf32>
      %parallel_loop3A_234 = math.exp %parallel_loop3A_233 : vector<16xf32>
      %parallel_loop3A_235 = arith.subf %parallel_loop3A_109, %parallel_loop3A_223 : vector<16xf32>
      %parallel_loop3A_236 = math.exp %parallel_loop3A_235 : vector<16xf32>
      %parallel_loop3A_237 = arith.subf %parallel_loop3A_113, %parallel_loop3A_223 : vector<16xf32>
      %parallel_loop3A_238 = math.exp %parallel_loop3A_237 : vector<16xf32>
      %parallel_loop3A_239 = arith.subf %parallel_loop3A_117, %parallel_loop3A_223 : vector<16xf32>
      %parallel_loop3A_240 = math.exp %parallel_loop3A_239 : vector<16xf32>
      %parallel_loop3A_241 = arith.subf %parallel_loop3A_121, %parallel_loop3A_223 : vector<16xf32>
      %parallel_loop3A_242 = math.exp %parallel_loop3A_241 : vector<16xf32>
      %parallel_loop3A_243 = arith.subf %parallel_loop3A_125, %parallel_loop3A_223 : vector<16xf32>
      %parallel_loop3A_244 = math.exp %parallel_loop3A_243 : vector<16xf32>
      %parallel_loop3A_245 = arith.subf %parallel_loop3A_129, %parallel_loop3A_223 : vector<16xf32>
      %parallel_loop3A_246 = math.exp %parallel_loop3A_245 : vector<16xf32>
      %parallel_loop3A_247 = arith.subf %parallel_loop3A_133, %parallel_loop3A_223 : vector<16xf32>
      %parallel_loop3A_248 = math.exp %parallel_loop3A_247 : vector<16xf32>
      %parallel_loop3A_249 = arith.subf %parallel_loop3A_137, %parallel_loop3A_223 : vector<16xf32>
      %parallel_loop3A_250 = math.exp %parallel_loop3A_249 : vector<16xf32>
      %parallel_loop3A_251 = arith.subf %parallel_loop3A_141, %parallel_loop3A_223 : vector<16xf32>
      %parallel_loop3A_252 = math.exp %parallel_loop3A_251 : vector<16xf32>
      %parallel_loop3A_253 = arith.subf %parallel_loop3A_145, %parallel_loop3A_223 : vector<16xf32>
      %parallel_loop3A_254 = math.exp %parallel_loop3A_253 : vector<16xf32>
      %parallel_loop3A_255 = arith.subf %parallel_loop3A_149, %parallel_loop3A_223 : vector<16xf32>
      %parallel_loop3A_256 = math.exp %parallel_loop3A_255 : vector<16xf32>
      %parallel_loop3A_257 = arith.addf %parallel_loop3A_226, %parallel_loop3A_228 : vector<16xf32>
      %parallel_loop3A_258 = arith.addf %parallel_loop3A_230, %parallel_loop3A_232 : vector<16xf32>
      %parallel_loop3A_259 = arith.addf %parallel_loop3A_234, %parallel_loop3A_236 : vector<16xf32>
      %parallel_loop3A_260 = arith.addf %parallel_loop3A_238, %parallel_loop3A_240 : vector<16xf32>
      %parallel_loop3A_261 = arith.addf %parallel_loop3A_242, %parallel_loop3A_244 : vector<16xf32>
      %parallel_loop3A_262 = arith.addf %parallel_loop3A_246, %parallel_loop3A_248 : vector<16xf32>
      %parallel_loop3A_263 = arith.addf %parallel_loop3A_250, %parallel_loop3A_252 : vector<16xf32>
      %parallel_loop3A_264 = arith.addf %parallel_loop3A_254, %parallel_loop3A_256 : vector<16xf32>
      %parallel_loop3A_265 = arith.addf %parallel_loop3A_257, %parallel_loop3A_258 : vector<16xf32>
      %parallel_loop3A_266 = arith.addf %parallel_loop3A_259, %parallel_loop3A_260 : vector<16xf32>
      %parallel_loop3A_267 = arith.addf %parallel_loop3A_261, %parallel_loop3A_262 : vector<16xf32>
      %parallel_loop3A_268 = arith.addf %parallel_loop3A_263, %parallel_loop3A_264 : vector<16xf32>
      %parallel_loop3A_269 = arith.addf %parallel_loop3A_265, %parallel_loop3A_266 : vector<16xf32>
      %parallel_loop3A_270 = arith.addf %parallel_loop3A_267, %parallel_loop3A_268 : vector<16xf32>
      %parallel_loop3A_271 = arith.addf %parallel_loop3A_269, %parallel_loop3A_270 : vector<16xf32>
      %parallel_loop3A_272 = arith.subf %parallel_loop3A_83, %parallel_loop3A_223 : vector<16xf32>
      %parallel_loop3A_273 = math.exp %parallel_loop3A_272 : vector<16xf32>
      %parallel_loop3A_274 = arith.mulf %parallel_loop3A_81, %parallel_loop3A_273 : vector<16xf32>
      %parallel_loop3A_275 = arith.addf %parallel_loop3A_274, %parallel_loop3A_271 : vector<16xf32>
      %parallel_loop3A_276 = arith.constant 16 : i32
      %parallel_loop3A_277 = arith.index_cast %parallel_loop3A_276 : i32 to index
      %parallel_loop3A_278 = arith.index_cast %parallel_loop3A_79 : i32 to index
      %parallel_loop3A_279 = tpu.vector_load %arg5[%parallel_loop3A_277, %parallel_loop3A_278] {strides = array<i32>} : memref<81x640xf32, #tpu.memory_space<vmem>>, vector<16xf32>,
      %parallel_loop3A_280 = arith.constant 17 : i32
      %parallel_loop3A_281 = arith.index_cast %parallel_loop3A_280 : i32 to index
      %parallel_loop3A_282 = arith.index_cast %parallel_loop3A_79 : i32 to index
      %parallel_loop3A_283 = tpu.vector_load %arg5[%parallel_loop3A_281, %parallel_loop3A_282] {strides = array<i32>} : memref<81x640xf32, #tpu.memory_space<vmem>>, vector<16xf32>,
      %parallel_loop3A_284 = arith.constant 18 : i32
      %parallel_loop3A_285 = arith.index_cast %parallel_loop3A_284 : i32 to index
      %parallel_loop3A_286 = arith.index_cast %parallel_loop3A_79 : i32 to index
      %parallel_loop3A_287 = tpu.vector_load %arg5[%parallel_loop3A_285, %parallel_loop3A_286] {strides = array<i32>} : memref<81x640xf32, #tpu.memory_space<vmem>>, vector<16xf32>,
      %parallel_loop3A_288 = arith.constant 19 : i32
      %parallel_loop3A_289 = arith.index_cast %parallel_loop3A_288 : i32 to index
      %parallel_loop3A_290 = arith.index_cast %parallel_loop3A_79 : i32 to index
      %parallel_loop3A_291 = tpu.vector_load %arg5[%parallel_loop3A_289, %parallel_loop3A_290] {strides = array<i32>} : memref<81x640xf32, #tpu.memory_space<vmem>>, vector<16xf32>,
      %parallel_loop3A_292 = arith.constant 20 : i32
      %parallel_loop3A_293 = arith.index_cast %parallel_loop3A_292 : i32 to index
      %parallel_loop3A_294 = arith.index_cast %parallel_loop3A_79 : i32 to index
      %parallel_loop3A_295 = tpu.vector_load %arg5[%parallel_loop3A_293, %parallel_loop3A_294] {strides = array<i32>} : memref<81x640xf32, #tpu.memory_space<vmem>>, vector<16xf32>,
      %parallel_loop3A_296 = arith.constant 21 : i32
      %parallel_loop3A_297 = arith.index_cast %parallel_loop3A_296 : i32 to index
      %parallel_loop3A_298 = arith.index_cast %parallel_loop3A_79 : i32 to index
      %parallel_loop3A_299 = tpu.vector_load %arg5[%parallel_loop3A_297, %parallel_loop3A_298] {strides = array<i32>} : memref<81x640xf32, #tpu.memory_space<vmem>>, vector<16xf32>,
      %parallel_loop3A_300 = arith.constant 22 : i32
      %parallel_loop3A_301 = arith.index_cast %parallel_loop3A_300 : i32 to index
      %parallel_loop3A_302 = arith.index_cast %parallel_loop3A_79 : i32 to index
      %parallel_loop3A_303 = tpu.vector_load %arg5[%parallel_loop3A_301, %parallel_loop3A_302] {strides = array<i32>} : memref<81x640xf32, #tpu.memory_space<vmem>>, vector<16xf32>,
      %parallel_loop3A_304 = arith.constant 23 : i32
      %parallel_loop3A_305 = arith.index_cast %parallel_loop3A_304 : i32 to index
      %parallel_loop3A_306 = arith.index_cast %parallel_loop3A_79 : i32 to index
      %parallel_loop3A_307 = tpu.vector_load %arg5[%parallel_loop3A_305, %parallel_loop3A_306] {strides = array<i32>} : memref<81x640xf32, #tpu.memory_space<vmem>>, vector<16xf32>,
      %parallel_loop3A_308 = arith.constant 24 : i32
      %parallel_loop3A_309 = arith.index_cast %parallel_loop3A_308 : i32 to index
      %parallel_loop3A_310 = arith.index_cast %parallel_loop3A_79 : i32 to index
      %parallel_loop3A_311 = tpu.vector_load %arg5[%parallel_loop3A_309, %parallel_loop3A_310] {strides = array<i32>} : memref<81x640xf32, #tpu.memory_space<vmem>>, vector<16xf32>,
      %parallel_loop3A_312 = arith.constant 25 : i32
      %parallel_loop3A_313 = arith.index_cast %parallel_loop3A_312 : i32 to index
      %parallel_loop3A_314 = arith.index_cast %parallel_loop3A_79 : i32 to index
      %parallel_loop3A_315 = tpu.vector_load %arg5[%parallel_loop3A_313, %parallel_loop3A_314] {strides = array<i32>} : memref<81x640xf32, #tpu.memory_space<vmem>>, vector<16xf32>,
      %parallel_loop3A_316 = arith.constant 26 : i32
      %parallel_loop3A_317 = arith.index_cast %parallel_loop3A_316 : i32 to index
      %parallel_loop3A_318 = arith.index_cast %parallel_loop3A_79 : i32 to index
      %parallel_loop3A_319 = tpu.vector_load %arg5[%parallel_loop3A_317, %parallel_loop3A_318] {strides = array<i32>} : memref<81x640xf32, #tpu.memory_space<vmem>>, vector<16xf32>,
      %parallel_loop3A_320 = arith.constant 27 : i32
      %parallel_loop3A_321 = arith.index_cast %parallel_loop3A_320 : i32 to index
      %parallel_loop3A_322 = arith.index_cast %parallel_loop3A_79 : i32 to index
      %parallel_loop3A_323 = tpu.vector_load %arg5[%parallel_loop3A_321, %parallel_loop3A_322] {strides = array<i32>} : memref<81x640xf32, #tpu.memory_space<vmem>>, vector<16xf32>,
      %parallel_loop3A_324 = arith.constant 28 : i32
      %parallel_loop3A_325 = arith.index_cast %parallel_loop3A_324 : i32 to index
      %parallel_loop3A_326 = arith.index_cast %parallel_loop3A_79 : i32 to index
      %parallel_loop3A_327 = tpu.vector_load %arg5[%parallel_loop3A_325, %parallel_loop3A_326] {strides = array<i32>} : memref<81x640xf32, #tpu.memory_space<vmem>>, vector<16xf32>,
      %parallel_loop3A_328 = arith.constant 29 : i32
      %parallel_loop3A_329 = arith.index_cast %parallel_loop3A_328 : i32 to index
      %parallel_loop3A_330 = arith.index_cast %parallel_loop3A_79 : i32 to index
      %parallel_loop3A_331 = tpu.vector_load %arg5[%parallel_loop3A_329, %parallel_loop3A_330] {strides = array<i32>} : memref<81x640xf32, #tpu.memory_space<vmem>>, vector<16xf32>,
      %parallel_loop3A_332 = arith.constant 30 : i32
      %parallel_loop3A_333 = arith.index_cast %parallel_loop3A_332 : i32 to index
      %parallel_loop3A_334 = arith.index_cast %parallel_loop3A_79 : i32 to index
      %parallel_loop3A_335 = tpu.vector_load %arg5[%parallel_loop3A_333, %parallel_loop3A_334] {strides = array<i32>} : memref<81x640xf32, #tpu.memory_space<vmem>>, vector<16xf32>,
      %parallel_loop3A_336 = arith.constant 31 : i32
      %parallel_loop3A_337 = arith.index_cast %parallel_loop3A_336 : i32 to index
      %parallel_loop3A_338 = arith.index_cast %parallel_loop3A_79 : i32 to index
      %parallel_loop3A_339 = tpu.vector_load %arg5[%parallel_loop3A_337, %parallel_loop3A_338] {strides = array<i32>} : memref<81x640xf32, #tpu.memory_space<vmem>>, vector<16xf32>,
      %parallel_loop3A_340 = arith.cmpf ogt, %parallel_loop3A_283, %parallel_loop3A_279 : vector<16xf32>
      %parallel_loop3A_341 = arith.select %parallel_loop3A_340, %parallel_loop3A_283, %parallel_loop3A_279 : vector<16xi1>, vector<16xf32>
      %parallel_loop3A_342 = arith.constant 17 : i32
      %parallel_loop3A_343 = arith.constant 16 : i32
      %parallel_loop3A_344 = vector.broadcast %parallel_loop3A_342 : i32 to vector<16xi32>
      %parallel_loop3A_345 = vector.broadcast %parallel_loop3A_343 : i32 to vector<16xi32>
      %parallel_loop3A_346 = arith.select %parallel_loop3A_340, %parallel_loop3A_344, %parallel_loop3A_345 : vector<16xi1>, vector<16xi32>
      %parallel_loop3A_347 = arith.cmpf ogt, %parallel_loop3A_291, %parallel_loop3A_287 : vector<16xf32>
      %parallel_loop3A_348 = arith.select %parallel_loop3A_347, %parallel_loop3A_291, %parallel_loop3A_287 : vector<16xi1>, vector<16xf32>
      %parallel_loop3A_349 = arith.constant 19 : i32
      %parallel_loop3A_350 = arith.constant 18 : i32
      %parallel_loop3A_351 = vector.broadcast %parallel_loop3A_349 : i32 to vector<16xi32>
      %parallel_loop3A_352 = vector.broadcast %parallel_loop3A_350 : i32 to vector<16xi32>
      %parallel_loop3A_353 = arith.select %parallel_loop3A_347, %parallel_loop3A_351, %parallel_loop3A_352 : vector<16xi1>, vector<16xi32>
      %parallel_loop3A_354 = arith.cmpf ogt, %parallel_loop3A_299, %parallel_loop3A_295 : vector<16xf32>
      %parallel_loop3A_355 = arith.select %parallel_loop3A_354, %parallel_loop3A_299, %parallel_loop3A_295 : vector<16xi1>, vector<16xf32>
      %parallel_loop3A_356 = arith.constant 21 : i32
      %parallel_loop3A_357 = arith.constant 20 : i32
      %parallel_loop3A_358 = vector.broadcast %parallel_loop3A_356 : i32 to vector<16xi32>
      %parallel_loop3A_359 = vector.broadcast %parallel_loop3A_357 : i32 to vector<16xi32>
      %parallel_loop3A_360 = arith.select %parallel_loop3A_354, %parallel_loop3A_358, %parallel_loop3A_359 : vector<16xi1>, vector<16xi32>
      %parallel_loop3A_361 = arith.cmpf ogt, %parallel_loop3A_307, %parallel_loop3A_303 : vector<16xf32>
      %parallel_loop3A_362 = arith.select %parallel_loop3A_361, %parallel_loop3A_307, %parallel_loop3A_303 : vector<16xi1>, vector<16xf32>
      %parallel_loop3A_363 = arith.constant 23 : i32
      %parallel_loop3A_364 = arith.constant 22 : i32
      %parallel_loop3A_365 = vector.broadcast %parallel_loop3A_363 : i32 to vector<16xi32>
      %parallel_loop3A_366 = vector.broadcast %parallel_loop3A_364 : i32 to vector<16xi32>
      %parallel_loop3A_367 = arith.select %parallel_loop3A_361, %parallel_loop3A_365, %parallel_loop3A_366 : vector<16xi1>, vector<16xi32>
      %parallel_loop3A_368 = arith.cmpf ogt, %parallel_loop3A_315, %parallel_loop3A_311 : vector<16xf32>
      %parallel_loop3A_369 = arith.select %parallel_loop3A_368, %parallel_loop3A_315, %parallel_loop3A_311 : vector<16xi1>, vector<16xf32>
      %parallel_loop3A_370 = arith.constant 25 : i32
      %parallel_loop3A_371 = arith.constant 24 : i32
      %parallel_loop3A_372 = vector.broadcast %parallel_loop3A_370 : i32 to vector<16xi32>
      %parallel_loop3A_373 = vector.broadcast %parallel_loop3A_371 : i32 to vector<16xi32>
      %parallel_loop3A_374 = arith.select %parallel_loop3A_368, %parallel_loop3A_372, %parallel_loop3A_373 : vector<16xi1>, vector<16xi32>
      %parallel_loop3A_375 = arith.cmpf ogt, %parallel_loop3A_323, %parallel_loop3A_319 : vector<16xf32>
      %parallel_loop3A_376 = arith.select %parallel_loop3A_375, %parallel_loop3A_323, %parallel_loop3A_319 : vector<16xi1>, vector<16xf32>
      %parallel_loop3A_377 = arith.constant 27 : i32
      %parallel_loop3A_378 = arith.constant 26 : i32
      %parallel_loop3A_379 = vector.broadcast %parallel_loop3A_377 : i32 to vector<16xi32>
      %parallel_loop3A_380 = vector.broadcast %parallel_loop3A_378 : i32 to vector<16xi32>
      %parallel_loop3A_381 = arith.select %parallel_loop3A_375, %parallel_loop3A_379, %parallel_loop3A_380 : vector<16xi1>, vector<16xi32>
      %parallel_loop3A_382 = arith.cmpf ogt, %parallel_loop3A_331, %parallel_loop3A_327 : vector<16xf32>
      %parallel_loop3A_383 = arith.select %parallel_loop3A_382, %parallel_loop3A_331, %parallel_loop3A_327 : vector<16xi1>, vector<16xf32>
      %parallel_loop3A_384 = arith.constant 29 : i32
      %parallel_loop3A_385 = arith.constant 28 : i32
      %parallel_loop3A_386 = vector.broadcast %parallel_loop3A_384 : i32 to vector<16xi32>
      %parallel_loop3A_387 = vector.broadcast %parallel_loop3A_385 : i32 to vector<16xi32>
      %parallel_loop3A_388 = arith.select %parallel_loop3A_382, %parallel_loop3A_386, %parallel_loop3A_387 : vector<16xi1>, vector<16xi32>
      %parallel_loop3A_389 = arith.cmpf ogt, %parallel_loop3A_339, %parallel_loop3A_335 : vector<16xf32>
      %parallel_loop3A_390 = arith.select %parallel_loop3A_389, %parallel_loop3A_339, %parallel_loop3A_335 : vector<16xi1>, vector<16xf32>
      %parallel_loop3A_391 = arith.constant 31 : i32
      %parallel_loop3A_392 = arith.constant 30 : i32
      %parallel_loop3A_393 = vector.broadcast %parallel_loop3A_391 : i32 to vector<16xi32>
      %parallel_loop3A_394 = vector.broadcast %parallel_loop3A_392 : i32 to vector<16xi32>
      %parallel_loop3A_395 = arith.select %parallel_loop3A_389, %parallel_loop3A_393, %parallel_loop3A_394 : vector<16xi1>, vector<16xi32>
      %parallel_loop3A_396 = arith.cmpf ogt, %parallel_loop3A_348, %parallel_loop3A_341 : vector<16xf32>
      %parallel_loop3A_397 = arith.select %parallel_loop3A_396, %parallel_loop3A_348, %parallel_loop3A_341 : vector<16xi1>, vector<16xf32>
      %parallel_loop3A_398 = arith.select %parallel_loop3A_396, %parallel_loop3A_353, %parallel_loop3A_346 : vector<16xi1>, vector<16xi32>
      %parallel_loop3A_399 = arith.cmpf ogt, %parallel_loop3A_362, %parallel_loop3A_355 : vector<16xf32>
      %parallel_loop3A_400 = arith.select %parallel_loop3A_399, %parallel_loop3A_362, %parallel_loop3A_355 : vector<16xi1>, vector<16xf32>
      %parallel_loop3A_401 = arith.select %parallel_loop3A_399, %parallel_loop3A_367, %parallel_loop3A_360 : vector<16xi1>, vector<16xi32>
      %parallel_loop3A_402 = arith.cmpf ogt, %parallel_loop3A_376, %parallel_loop3A_369 : vector<16xf32>
      %parallel_loop3A_403 = arith.select %parallel_loop3A_402, %parallel_loop3A_376, %parallel_loop3A_369 : vector<16xi1>, vector<16xf32>
      %parallel_loop3A_404 = arith.select %parallel_loop3A_402, %parallel_loop3A_381, %parallel_loop3A_374 : vector<16xi1>, vector<16xi32>
      %parallel_loop3A_405 = arith.cmpf ogt, %parallel_loop3A_390, %parallel_loop3A_383 : vector<16xf32>
      %parallel_loop3A_406 = arith.select %parallel_loop3A_405, %parallel_loop3A_390, %parallel_loop3A_383 : vector<16xi1>, vector<16xf32>
      %parallel_loop3A_407 = arith.select %parallel_loop3A_405, %parallel_loop3A_395, %parallel_loop3A_388 : vector<16xi1>, vector<16xi32>
      %parallel_loop3A_408 = arith.cmpf ogt, %parallel_loop3A_400, %parallel_loop3A_397 : vector<16xf32>
      %parallel_loop3A_409 = arith.select %parallel_loop3A_408, %parallel_loop3A_400, %parallel_loop3A_397 : vector<16xi1>, vector<16xf32>
      %parallel_loop3A_410 = arith.select %parallel_loop3A_408, %parallel_loop3A_401, %parallel_loop3A_398 : vector<16xi1>, vector<16xi32>
      %parallel_loop3A_411 = arith.cmpf ogt, %parallel_loop3A_406, %parallel_loop3A_403 : vector<16xf32>
      %parallel_loop3A_412 = arith.select %parallel_loop3A_411, %parallel_loop3A_406, %parallel_loop3A_403 : vector<16xi1>, vector<16xf32>
      %parallel_loop3A_413 = arith.select %parallel_loop3A_411, %parallel_loop3A_407, %parallel_loop3A_404 : vector<16xi1>, vector<16xi32>
      %parallel_loop3A_414 = arith.cmpf ogt, %parallel_loop3A_412, %parallel_loop3A_409 : vector<16xf32>
      %parallel_loop3A_415 = arith.select %parallel_loop3A_414, %parallel_loop3A_412, %parallel_loop3A_409 : vector<16xi1>, vector<16xf32>
      %parallel_loop3A_416 = arith.select %parallel_loop3A_414, %parallel_loop3A_413, %parallel_loop3A_410 : vector<16xi1>, vector<16xi32>
      %parallel_loop3A_417 = arith.cmpf ogt, %parallel_loop3A_415, %parallel_loop3A_223 : vector<16xf32>
      %parallel_loop3A_418 = arith.select %parallel_loop3A_417, %parallel_loop3A_415, %parallel_loop3A_223 : vector<16xi1>, vector<16xf32>
      %parallel_loop3A_419 = arith.select %parallel_loop3A_417, %parallel_loop3A_416, %parallel_loop3A_224 : vector<16xi1>, vector<16xi32>
      %parallel_loop3A_420 = arith.subf %parallel_loop3A_279, %parallel_loop3A_418 : vector<16xf32>
      %parallel_loop3A_421 = math.exp %parallel_loop3A_420 : vector<16xf32>
      %parallel_loop3A_422 = arith.subf %parallel_loop3A_283, %parallel_loop3A_418 : vector<16xf32>
      %parallel_loop3A_423 = math.exp %parallel_loop3A_422 : vector<16xf32>
      %parallel_loop3A_424 = arith.subf %parallel_loop3A_287, %parallel_loop3A_418 : vector<16xf32>
      %parallel_loop3A_425 = math.exp %parallel_loop3A_424 : vector<16xf32>
      %parallel_loop3A_426 = arith.subf %parallel_loop3A_291, %parallel_loop3A_418 : vector<16xf32>
      %parallel_loop3A_427 = math.exp %parallel_loop3A_426 : vector<16xf32>
      %parallel_loop3A_428 = arith.subf %parallel_loop3A_295, %parallel_loop3A_418 : vector<16xf32>
      %parallel_loop3A_429 = math.exp %parallel_loop3A_428 : vector<16xf32>
      %parallel_loop3A_430 = arith.subf %parallel_loop3A_299, %parallel_loop3A_418 : vector<16xf32>
      %parallel_loop3A_431 = math.exp %parallel_loop3A_430 : vector<16xf32>
      %parallel_loop3A_432 = arith.subf %parallel_loop3A_303, %parallel_loop3A_418 : vector<16xf32>
      %parallel_loop3A_433 = math.exp %parallel_loop3A_432 : vector<16xf32>
      %parallel_loop3A_434 = arith.subf %parallel_loop3A_307, %parallel_loop3A_418 : vector<16xf32>
      %parallel_loop3A_435 = math.exp %parallel_loop3A_434 : vector<16xf32>
      %parallel_loop3A_436 = arith.subf %parallel_loop3A_311, %parallel_loop3A_418 : vector<16xf32>
      %parallel_loop3A_437 = math.exp %parallel_loop3A_436 : vector<16xf32>
      %parallel_loop3A_438 = arith.subf %parallel_loop3A_315, %parallel_loop3A_418 : vector<16xf32>
      %parallel_loop3A_439 = math.exp %parallel_loop3A_438 : vector<16xf32>
      %parallel_loop3A_440 = arith.subf %parallel_loop3A_319, %parallel_loop3A_418 : vector<16xf32>
      %parallel_loop3A_441 = math.exp %parallel_loop3A_440 : vector<16xf32>
      %parallel_loop3A_442 = arith.subf %parallel_loop3A_323, %parallel_loop3A_418 : vector<16xf32>
      %parallel_loop3A_443 = math.exp %parallel_loop3A_442 : vector<16xf32>
      %parallel_loop3A_444 = arith.subf %parallel_loop3A_327, %parallel_loop3A_418 : vector<16xf32>
      %parallel_loop3A_445 = math.exp %parallel_loop3A_444 : vector<16xf32>
      %parallel_loop3A_446 = arith.subf %parallel_loop3A_331, %parallel_loop3A_418 : vector<16xf32>
      %parallel_loop3A_447 = math.exp %parallel_loop3A_446 : vector<16xf32>
      %parallel_loop3A_448 = arith.subf %parallel_loop3A_335, %parallel_loop3A_418 : vector<16xf32>
      %parallel_loop3A_449 = math.exp %parallel_loop3A_448 : vector<16xf32>
      %parallel_loop3A_450 = arith.subf %parallel_loop3A_339, %parallel_loop3A_418 : vector<16xf32>
      %parallel_loop3A_451 = math.exp %parallel_loop3A_450 : vector<16xf32>
      %parallel_loop3A_452 = arith.addf %parallel_loop3A_421, %parallel_loop3A_423 : vector<16xf32>
      %parallel_loop3A_453 = arith.addf %parallel_loop3A_425, %parallel_loop3A_427 : vector<16xf32>
      %parallel_loop3A_454 = arith.addf %parallel_loop3A_429, %parallel_loop3A_431 : vector<16xf32>
      %parallel_loop3A_455 = arith.addf %parallel_loop3A_433, %parallel_loop3A_435 : vector<16xf32>
      %parallel_loop3A_456 = arith.addf %parallel_loop3A_437, %parallel_loop3A_439 : vector<16xf32>
      %parallel_loop3A_457 = arith.addf %parallel_loop3A_441, %parallel_loop3A_443 : vector<16xf32>
      %parallel_loop3A_458 = arith.addf %parallel_loop3A_445, %parallel_loop3A_447 : vector<16xf32>
      %parallel_loop3A_459 = arith.addf %parallel_loop3A_449, %parallel_loop3A_451 : vector<16xf32>
      %parallel_loop3A_460 = arith.addf %parallel_loop3A_452, %parallel_loop3A_453 : vector<16xf32>
      %parallel_loop3A_461 = arith.addf %parallel_loop3A_454, %parallel_loop3A_455 : vector<16xf32>
      %parallel_loop3A_462 = arith.addf %parallel_loop3A_456, %parallel_loop3A_457 : vector<16xf32>
      %parallel_loop3A_463 = arith.addf %parallel_loop3A_458, %parallel_loop3A_459 : vector<16xf32>
      %parallel_loop3A_464 = arith.addf %parallel_loop3A_460, %parallel_loop3A_461 : vector<16xf32>
      %parallel_loop3A_465 = arith.addf %parallel_loop3A_462, %parallel_loop3A_463 : vector<16xf32>
      %parallel_loop3A_466 = arith.addf %parallel_loop3A_464, %parallel_loop3A_465 : vector<16xf32>
      %parallel_loop3A_467 = arith.subf %parallel_loop3A_223, %parallel_loop3A_418 : vector<16xf32>
      %parallel_loop3A_468 = math.exp %parallel_loop3A_467 : vector<16xf32>
      %parallel_loop3A_469 = arith.mulf %parallel_loop3A_275, %parallel_loop3A_468 : vector<16xf32>
      %parallel_loop3A_470 = arith.addf %parallel_loop3A_469, %parallel_loop3A_466 : vector<16xf32>
      %parallel_loop3A_471 = arith.constant 32 : i32
      %parallel_loop3A_472 = arith.index_cast %parallel_loop3A_471 : i32 to index
      %parallel_loop3A_473 = arith.index_cast %parallel_loop3A_79 : i32 to index
      %parallel_loop3A_474 = tpu.vector_load %arg5[%parallel_loop3A_472, %parallel_loop3A_473] {strides = array<i32>} : memref<81x640xf32, #tpu.memory_space<vmem>>, vector<16xf32>,
      %parallel_loop3A_475 = arith.constant 33 : i32
      %parallel_loop3A_476 = arith.index_cast %parallel_loop3A_475 : i32 to index
      %parallel_loop3A_477 = arith.index_cast %parallel_loop3A_79 : i32 to index
      %parallel_loop3A_478 = tpu.vector_load %arg5[%parallel_loop3A_476, %parallel_loop3A_477] {strides = array<i32>} : memref<81x640xf32, #tpu.memory_space<vmem>>, vector<16xf32>,
      %parallel_loop3A_479 = arith.constant 34 : i32
      %parallel_loop3A_480 = arith.index_cast %parallel_loop3A_479 : i32 to index
      %parallel_loop3A_481 = arith.index_cast %parallel_loop3A_79 : i32 to index
      %parallel_loop3A_482 = tpu.vector_load %arg5[%parallel_loop3A_480, %parallel_loop3A_481] {strides = array<i32>} : memref<81x640xf32, #tpu.memory_space<vmem>>, vector<16xf32>,
      %parallel_loop3A_483 = arith.constant 35 : i32
      %parallel_loop3A_484 = arith.index_cast %parallel_loop3A_483 : i32 to index
      %parallel_loop3A_485 = arith.index_cast %parallel_loop3A_79 : i32 to index
      %parallel_loop3A_486 = tpu.vector_load %arg5[%parallel_loop3A_484, %parallel_loop3A_485] {strides = array<i32>} : memref<81x640xf32, #tpu.memory_space<vmem>>, vector<16xf32>,
      %parallel_loop3A_487 = arith.constant 36 : i32
      %parallel_loop3A_488 = arith.index_cast %parallel_loop3A_487 : i32 to index
      %parallel_loop3A_489 = arith.index_cast %parallel_loop3A_79 : i32 to index
      %parallel_loop3A_490 = tpu.vector_load %arg5[%parallel_loop3A_488, %parallel_loop3A_489] {strides = array<i32>} : memref<81x640xf32, #tpu.memory_space<vmem>>, vector<16xf32>,
      %parallel_loop3A_491 = arith.constant 37 : i32
      %parallel_loop3A_492 = arith.index_cast %parallel_loop3A_491 : i32 to index
      %parallel_loop3A_493 = arith.index_cast %parallel_loop3A_79 : i32 to index
      %parallel_loop3A_494 = tpu.vector_load %arg5[%parallel_loop3A_492, %parallel_loop3A_493] {strides = array<i32>} : memref<81x640xf32, #tpu.memory_space<vmem>>, vector<16xf32>,
      %parallel_loop3A_495 = arith.constant 38 : i32
      %parallel_loop3A_496 = arith.index_cast %parallel_loop3A_495 : i32 to index
      %parallel_loop3A_497 = arith.index_cast %parallel_loop3A_79 : i32 to index
      %parallel_loop3A_498 = tpu.vector_load %arg5[%parallel_loop3A_496, %parallel_loop3A_497] {strides = array<i32>} : memref<81x640xf32, #tpu.memory_space<vmem>>, vector<16xf32>,
      %parallel_loop3A_499 = arith.constant 39 : i32
      %parallel_loop3A_500 = arith.index_cast %parallel_loop3A_499 : i32 to index
      %parallel_loop3A_501 = arith.index_cast %parallel_loop3A_79 : i32 to index
      %parallel_loop3A_502 = tpu.vector_load %arg5[%parallel_loop3A_500, %parallel_loop3A_501] {strides = array<i32>} : memref<81x640xf32, #tpu.memory_space<vmem>>, vector<16xf32>,
      %parallel_loop3A_503 = arith.constant 40 : i32
      %parallel_loop3A_504 = arith.index_cast %parallel_loop3A_503 : i32 to index
      %parallel_loop3A_505 = arith.index_cast %parallel_loop3A_79 : i32 to index
      %parallel_loop3A_506 = tpu.vector_load %arg5[%parallel_loop3A_504, %parallel_loop3A_505] {strides = array<i32>} : memref<81x640xf32, #tpu.memory_space<vmem>>, vector<16xf32>,
      %parallel_loop3A_507 = arith.constant 41 : i32
      %parallel_loop3A_508 = arith.index_cast %parallel_loop3A_507 : i32 to index
      %parallel_loop3A_509 = arith.index_cast %parallel_loop3A_79 : i32 to index
      %parallel_loop3A_510 = tpu.vector_load %arg5[%parallel_loop3A_508, %parallel_loop3A_509] {strides = array<i32>} : memref<81x640xf32, #tpu.memory_space<vmem>>, vector<16xf32>,
      %parallel_loop3A_511 = arith.constant 42 : i32
      %parallel_loop3A_512 = arith.index_cast %parallel_loop3A_511 : i32 to index
      %parallel_loop3A_513 = arith.index_cast %parallel_loop3A_79 : i32 to index
      %parallel_loop3A_514 = tpu.vector_load %arg5[%parallel_loop3A_512, %parallel_loop3A_513] {strides = array<i32>} : memref<81x640xf32, #tpu.memory_space<vmem>>, vector<16xf32>,
      %parallel_loop3A_515 = arith.constant 43 : i32
      %parallel_loop3A_516 = arith.index_cast %parallel_loop3A_515 : i32 to index
      %parallel_loop3A_517 = arith.index_cast %parallel_loop3A_79 : i32 to index
      %parallel_loop3A_518 = tpu.vector_load %arg5[%parallel_loop3A_516, %parallel_loop3A_517] {strides = array<i32>} : memref<81x640xf32, #tpu.memory_space<vmem>>, vector<16xf32>,
      %parallel_loop3A_519 = arith.constant 44 : i32
      %parallel_loop3A_520 = arith.index_cast %parallel_loop3A_519 : i32 to index
      %parallel_loop3A_521 = arith.index_cast %parallel_loop3A_79 : i32 to index
      %parallel_loop3A_522 = tpu.vector_load %arg5[%parallel_loop3A_520, %parallel_loop3A_521] {strides = array<i32>} : memref<81x640xf32, #tpu.memory_space<vmem>>, vector<16xf32>,
      %parallel_loop3A_523 = arith.constant 45 : i32
      %parallel_loop3A_524 = arith.index_cast %parallel_loop3A_523 : i32 to index
      %parallel_loop3A_525 = arith.index_cast %parallel_loop3A_79 : i32 to index
      %parallel_loop3A_526 = tpu.vector_load %arg5[%parallel_loop3A_524, %parallel_loop3A_525] {strides = array<i32>} : memref<81x640xf32, #tpu.memory_space<vmem>>, vector<16xf32>,
      %parallel_loop3A_527 = arith.constant 46 : i32
      %parallel_loop3A_528 = arith.index_cast %parallel_loop3A_527 : i32 to index
      %parallel_loop3A_529 = arith.index_cast %parallel_loop3A_79 : i32 to index
      %parallel_loop3A_530 = tpu.vector_load %arg5[%parallel_loop3A_528, %parallel_loop3A_529] {strides = array<i32>} : memref<81x640xf32, #tpu.memory_space<vmem>>, vector<16xf32>,
      %parallel_loop3A_531 = arith.constant 47 : i32
      %parallel_loop3A_532 = arith.index_cast %parallel_loop3A_531 : i32 to index
      %parallel_loop3A_533 = arith.index_cast %parallel_loop3A_79 : i32 to index
      %parallel_loop3A_534 = tpu.vector_load %arg5[%parallel_loop3A_532, %parallel_loop3A_533] {strides = array<i32>} : memref<81x640xf32, #tpu.memory_space<vmem>>, vector<16xf32>,
      %parallel_loop3A_535 = arith.cmpf ogt, %parallel_loop3A_478, %parallel_loop3A_474 : vector<16xf32>
      %parallel_loop3A_536 = arith.select %parallel_loop3A_535, %parallel_loop3A_478, %parallel_loop3A_474 : vector<16xi1>, vector<16xf32>
      %parallel_loop3A_537 = arith.constant 33 : i32
      %parallel_loop3A_538 = arith.constant 32 : i32
      %parallel_loop3A_539 = vector.broadcast %parallel_loop3A_537 : i32 to vector<16xi32>
      %parallel_loop3A_540 = vector.broadcast %parallel_loop3A_538 : i32 to vector<16xi32>
      %parallel_loop3A_541 = arith.select %parallel_loop3A_535, %parallel_loop3A_539, %parallel_loop3A_540 : vector<16xi1>, vector<16xi32>
      %parallel_loop3A_542 = arith.cmpf ogt, %parallel_loop3A_486, %parallel_loop3A_482 : vector<16xf32>
      %parallel_loop3A_543 = arith.select %parallel_loop3A_542, %parallel_loop3A_486, %parallel_loop3A_482 : vector<16xi1>, vector<16xf32>
      %parallel_loop3A_544 = arith.constant 35 : i32
      %parallel_loop3A_545 = arith.constant 34 : i32
      %parallel_loop3A_546 = vector.broadcast %parallel_loop3A_544 : i32 to vector<16xi32>
      %parallel_loop3A_547 = vector.broadcast %parallel_loop3A_545 : i32 to vector<16xi32>
      %parallel_loop3A_548 = arith.select %parallel_loop3A_542, %parallel_loop3A_546, %parallel_loop3A_547 : vector<16xi1>, vector<16xi32>
      %parallel_loop3A_549 = arith.cmpf ogt, %parallel_loop3A_494, %parallel_loop3A_490 : vector<16xf32>
      %parallel_loop3A_550 = arith.select %parallel_loop3A_549, %parallel_loop3A_494, %parallel_loop3A_490 : vector<16xi1>, vector<16xf32>
      %parallel_loop3A_551 = arith.constant 37 : i32
      %parallel_loop3A_552 = arith.constant 36 : i32
      %parallel_loop3A_553 = vector.broadcast %parallel_loop3A_551 : i32 to vector<16xi32>
      %parallel_loop3A_554 = vector.broadcast %parallel_loop3A_552 : i32 to vector<16xi32>
      %parallel_loop3A_555 = arith.select %parallel_loop3A_549, %parallel_loop3A_553, %parallel_loop3A_554 : vector<16xi1>, vector<16xi32>
      %parallel_loop3A_556 = arith.cmpf ogt, %parallel_loop3A_502, %parallel_loop3A_498 : vector<16xf32>
      %parallel_loop3A_557 = arith.select %parallel_loop3A_556, %parallel_loop3A_502, %parallel_loop3A_498 : vector<16xi1>, vector<16xf32>
      %parallel_loop3A_558 = arith.constant 39 : i32
      %parallel_loop3A_559 = arith.constant 38 : i32
      %parallel_loop3A_560 = vector.broadcast %parallel_loop3A_558 : i32 to vector<16xi32>
      %parallel_loop3A_561 = vector.broadcast %parallel_loop3A_559 : i32 to vector<16xi32>
      %parallel_loop3A_562 = arith.select %parallel_loop3A_556, %parallel_loop3A_560, %parallel_loop3A_561 : vector<16xi1>, vector<16xi32>
      %parallel_loop3A_563 = arith.cmpf ogt, %parallel_loop3A_510, %parallel_loop3A_506 : vector<16xf32>
      %parallel_loop3A_564 = arith.select %parallel_loop3A_563, %parallel_loop3A_510, %parallel_loop3A_506 : vector<16xi1>, vector<16xf32>
      %parallel_loop3A_565 = arith.constant 41 : i32
      %parallel_loop3A_566 = arith.constant 40 : i32
      %parallel_loop3A_567 = vector.broadcast %parallel_loop3A_565 : i32 to vector<16xi32>
      %parallel_loop3A_568 = vector.broadcast %parallel_loop3A_566 : i32 to vector<16xi32>
      %parallel_loop3A_569 = arith.select %parallel_loop3A_563, %parallel_loop3A_567, %parallel_loop3A_568 : vector<16xi1>, vector<16xi32>
      %parallel_loop3A_570 = arith.cmpf ogt, %parallel_loop3A_518, %parallel_loop3A_514 : vector<16xf32>
      %parallel_loop3A_571 = arith.select %parallel_loop3A_570, %parallel_loop3A_518, %parallel_loop3A_514 : vector<16xi1>, vector<16xf32>
      %parallel_loop3A_572 = arith.constant 43 : i32
      %parallel_loop3A_573 = arith.constant 42 : i32
      %parallel_loop3A_574 = vector.broadcast %parallel_loop3A_572 : i32 to vector<16xi32>
      %parallel_loop3A_575 = vector.broadcast %parallel_loop3A_573 : i32 to vector<16xi32>
      %parallel_loop3A_576 = arith.select %parallel_loop3A_570, %parallel_loop3A_574, %parallel_loop3A_575 : vector<16xi1>, vector<16xi32>
      %parallel_loop3A_577 = arith.cmpf ogt, %parallel_loop3A_526, %parallel_loop3A_522 : vector<16xf32>
      %parallel_loop3A_578 = arith.select %parallel_loop3A_577, %parallel_loop3A_526, %parallel_loop3A_522 : vector<16xi1>, vector<16xf32>
      %parallel_loop3A_579 = arith.constant 45 : i32
      %parallel_loop3A_580 = arith.constant 44 : i32
      %parallel_loop3A_581 = vector.broadcast %parallel_loop3A_579 : i32 to vector<16xi32>
      %parallel_loop3A_582 = vector.broadcast %parallel_loop3A_580 : i32 to vector<16xi32>
      %parallel_loop3A_583 = arith.select %parallel_loop3A_577, %parallel_loop3A_581, %parallel_loop3A_582 : vector<16xi1>, vector<16xi32>
      %parallel_loop3A_584 = arith.cmpf ogt, %parallel_loop3A_534, %parallel_loop3A_530 : vector<16xf32>
      %parallel_loop3A_585 = arith.select %parallel_loop3A_584, %parallel_loop3A_534, %parallel_loop3A_530 : vector<16xi1>, vector<16xf32>
      %parallel_loop3A_586 = arith.constant 47 : i32
      %parallel_loop3A_587 = arith.constant 46 : i32
      %parallel_loop3A_588 = vector.broadcast %parallel_loop3A_586 : i32 to vector<16xi32>
      %parallel_loop3A_589 = vector.broadcast %parallel_loop3A_587 : i32 to vector<16xi32>
      %parallel_loop3A_590 = arith.select %parallel_loop3A_584, %parallel_loop3A_588, %parallel_loop3A_589 : vector<16xi1>, vector<16xi32>
      %parallel_loop3A_591 = arith.cmpf ogt, %parallel_loop3A_543, %parallel_loop3A_536 : vector<16xf32>
      %parallel_loop3A_592 = arith.select %parallel_loop3A_591, %parallel_loop3A_543, %parallel_loop3A_536 : vector<16xi1>, vector<16xf32>
      %parallel_loop3A_593 = arith.select %parallel_loop3A_591, %parallel_loop3A_548, %parallel_loop3A_541 : vector<16xi1>, vector<16xi32>
      %parallel_loop3A_594 = arith.cmpf ogt, %parallel_loop3A_557, %parallel_loop3A_550 : vector<16xf32>
      %parallel_loop3A_595 = arith.select %parallel_loop3A_594, %parallel_loop3A_557, %parallel_loop3A_550 : vector<16xi1>, vector<16xf32>
      %parallel_loop3A_596 = arith.select %parallel_loop3A_594, %parallel_loop3A_562, %parallel_loop3A_555 : vector<16xi1>, vector<16xi32>
      %parallel_loop3A_597 = arith.cmpf ogt, %parallel_loop3A_571, %parallel_loop3A_564 : vector<16xf32>
      %parallel_loop3A_598 = arith.select %parallel_loop3A_597, %parallel_loop3A_571, %parallel_loop3A_564 : vector<16xi1>, vector<16xf32>
      %parallel_loop3A_599 = arith.select %parallel_loop3A_597, %parallel_loop3A_576, %parallel_loop3A_569 : vector<16xi1>, vector<16xi32>
      %parallel_loop3A_600 = arith.cmpf ogt, %parallel_loop3A_585, %parallel_loop3A_578 : vector<16xf32>
      %parallel_loop3A_601 = arith.select %parallel_loop3A_600, %parallel_loop3A_585, %parallel_loop3A_578 : vector<16xi1>, vector<16xf32>
      %parallel_loop3A_602 = arith.select %parallel_loop3A_600, %parallel_loop3A_590, %parallel_loop3A_583 : vector<16xi1>, vector<16xi32>
      %parallel_loop3A_603 = arith.cmpf ogt, %parallel_loop3A_595, %parallel_loop3A_592 : vector<16xf32>
      %parallel_loop3A_604 = arith.select %parallel_loop3A_603, %parallel_loop3A_595, %parallel_loop3A_592 : vector<16xi1>, vector<16xf32>
      %parallel_loop3A_605 = arith.select %parallel_loop3A_603, %parallel_loop3A_596, %parallel_loop3A_593 : vector<16xi1>, vector<16xi32>
      %parallel_loop3A_606 = arith.cmpf ogt, %parallel_loop3A_601, %parallel_loop3A_598 : vector<16xf32>
      %parallel_loop3A_607 = arith.select %parallel_loop3A_606, %parallel_loop3A_601, %parallel_loop3A_598 : vector<16xi1>, vector<16xf32>
      %parallel_loop3A_608 = arith.select %parallel_loop3A_606, %parallel_loop3A_602, %parallel_loop3A_599 : vector<16xi1>, vector<16xi32>
      %parallel_loop3A_609 = arith.cmpf ogt, %parallel_loop3A_607, %parallel_loop3A_604 : vector<16xf32>
      %parallel_loop3A_610 = arith.select %parallel_loop3A_609, %parallel_loop3A_607, %parallel_loop3A_604 : vector<16xi1>, vector<16xf32>
      %parallel_loop3A_611 = arith.select %parallel_loop3A_609, %parallel_loop3A_608, %parallel_loop3A_605 : vector<16xi1>, vector<16xi32>
      %parallel_loop3A_612 = arith.cmpf ogt, %parallel_loop3A_610, %parallel_loop3A_418 : vector<16xf32>
      %parallel_loop3A_613 = arith.select %parallel_loop3A_612, %parallel_loop3A_610, %parallel_loop3A_418 : vector<16xi1>, vector<16xf32>
      %parallel_loop3A_614 = arith.select %parallel_loop3A_612, %parallel_loop3A_611, %parallel_loop3A_419 : vector<16xi1>, vector<16xi32>
      %parallel_loop3A_615 = arith.subf %parallel_loop3A_474, %parallel_loop3A_613 : vector<16xf32>
      %parallel_loop3A_616 = math.exp %parallel_loop3A_615 : vector<16xf32>
      %parallel_loop3A_617 = arith.subf %parallel_loop3A_478, %parallel_loop3A_613 : vector<16xf32>
      %parallel_loop3A_618 = math.exp %parallel_loop3A_617 : vector<16xf32>
      %parallel_loop3A_619 = arith.subf %parallel_loop3A_482, %parallel_loop3A_613 : vector<16xf32>
      %parallel_loop3A_620 = math.exp %parallel_loop3A_619 : vector<16xf32>
      %parallel_loop3A_621 = arith.subf %parallel_loop3A_486, %parallel_loop3A_613 : vector<16xf32>
      %parallel_loop3A_622 = math.exp %parallel_loop3A_621 : vector<16xf32>
      %parallel_loop3A_623 = arith.subf %parallel_loop3A_490, %parallel_loop3A_613 : vector<16xf32>
      %parallel_loop3A_624 = math.exp %parallel_loop3A_623 : vector<16xf32>
      %parallel_loop3A_625 = arith.subf %parallel_loop3A_494, %parallel_loop3A_613 : vector<16xf32>
      %parallel_loop3A_626 = math.exp %parallel_loop3A_625 : vector<16xf32>
      %parallel_loop3A_627 = arith.subf %parallel_loop3A_498, %parallel_loop3A_613 : vector<16xf32>
      %parallel_loop3A_628 = math.exp %parallel_loop3A_627 : vector<16xf32>
      %parallel_loop3A_629 = arith.subf %parallel_loop3A_502, %parallel_loop3A_613 : vector<16xf32>
      %parallel_loop3A_630 = math.exp %parallel_loop3A_629 : vector<16xf32>
      %parallel_loop3A_631 = arith.subf %parallel_loop3A_506, %parallel_loop3A_613 : vector<16xf32>
      %parallel_loop3A_632 = math.exp %parallel_loop3A_631 : vector<16xf32>
      %parallel_loop3A_633 = arith.subf %parallel_loop3A_510, %parallel_loop3A_613 : vector<16xf32>
      %parallel_loop3A_634 = math.exp %parallel_loop3A_633 : vector<16xf32>
      %parallel_loop3A_635 = arith.subf %parallel_loop3A_514, %parallel_loop3A_613 : vector<16xf32>
      %parallel_loop3A_636 = math.exp %parallel_loop3A_635 : vector<16xf32>
      %parallel_loop3A_637 = arith.subf %parallel_loop3A_518, %parallel_loop3A_613 : vector<16xf32>
      %parallel_loop3A_638 = math.exp %parallel_loop3A_637 : vector<16xf32>
      %parallel_loop3A_639 = arith.subf %parallel_loop3A_522, %parallel_loop3A_613 : vector<16xf32>
      %parallel_loop3A_640 = math.exp %parallel_loop3A_639 : vector<16xf32>
      %parallel_loop3A_641 = arith.subf %parallel_loop3A_526, %parallel_loop3A_613 : vector<16xf32>
      %parallel_loop3A_642 = math.exp %parallel_loop3A_641 : vector<16xf32>
      %parallel_loop3A_643 = arith.subf %parallel_loop3A_530, %parallel_loop3A_613 : vector<16xf32>
      %parallel_loop3A_644 = math.exp %parallel_loop3A_643 : vector<16xf32>
      %parallel_loop3A_645 = arith.subf %parallel_loop3A_534, %parallel_loop3A_613 : vector<16xf32>
      %parallel_loop3A_646 = math.exp %parallel_loop3A_645 : vector<16xf32>
      %parallel_loop3A_647 = arith.addf %parallel_loop3A_616, %parallel_loop3A_618 : vector<16xf32>
      %parallel_loop3A_648 = arith.addf %parallel_loop3A_620, %parallel_loop3A_622 : vector<16xf32>
      %parallel_loop3A_649 = arith.addf %parallel_loop3A_624, %parallel_loop3A_626 : vector<16xf32>
      %parallel_loop3A_650 = arith.addf %parallel_loop3A_628, %parallel_loop3A_630 : vector<16xf32>
      %parallel_loop3A_651 = arith.addf %parallel_loop3A_632, %parallel_loop3A_634 : vector<16xf32>
      %parallel_loop3A_652 = arith.addf %parallel_loop3A_636, %parallel_loop3A_638 : vector<16xf32>
      %parallel_loop3A_653 = arith.addf %parallel_loop3A_640, %parallel_loop3A_642 : vector<16xf32>
      %parallel_loop3A_654 = arith.addf %parallel_loop3A_644, %parallel_loop3A_646 : vector<16xf32>
      %parallel_loop3A_655 = arith.addf %parallel_loop3A_647, %parallel_loop3A_648 : vector<16xf32>
      %parallel_loop3A_656 = arith.addf %parallel_loop3A_649, %parallel_loop3A_650 : vector<16xf32>
      %parallel_loop3A_657 = arith.addf %parallel_loop3A_651, %parallel_loop3A_652 : vector<16xf32>
      %parallel_loop3A_658 = arith.addf %parallel_loop3A_653, %parallel_loop3A_654 : vector<16xf32>
      %parallel_loop3A_659 = arith.addf %parallel_loop3A_655, %parallel_loop3A_656 : vector<16xf32>
      %parallel_loop3A_660 = arith.addf %parallel_loop3A_657, %parallel_loop3A_658 : vector<16xf32>
      %parallel_loop3A_661 = arith.addf %parallel_loop3A_659, %parallel_loop3A_660 : vector<16xf32>
      %parallel_loop3A_662 = arith.subf %parallel_loop3A_418, %parallel_loop3A_613 : vector<16xf32>
      %parallel_loop3A_663 = math.exp %parallel_loop3A_662 : vector<16xf32>
      %parallel_loop3A_664 = arith.mulf %parallel_loop3A_470, %parallel_loop3A_663 : vector<16xf32>
      %parallel_loop3A_665 = arith.addf %parallel_loop3A_664, %parallel_loop3A_661 : vector<16xf32>
      %parallel_loop3A_666 = arith.constant 48 : i32
      %parallel_loop3A_667 = arith.index_cast %parallel_loop3A_666 : i32 to index
      %parallel_loop3A_668 = arith.index_cast %parallel_loop3A_79 : i32 to index
      %parallel_loop3A_669 = tpu.vector_load %arg5[%parallel_loop3A_667, %parallel_loop3A_668] {strides = array<i32>} : memref<81x640xf32, #tpu.memory_space<vmem>>, vector<16xf32>,
      %parallel_loop3A_670 = arith.constant 49 : i32
      %parallel_loop3A_671 = arith.index_cast %parallel_loop3A_670 : i32 to index
      %parallel_loop3A_672 = arith.index_cast %parallel_loop3A_79 : i32 to index
      %parallel_loop3A_673 = tpu.vector_load %arg5[%parallel_loop3A_671, %parallel_loop3A_672] {strides = array<i32>} : memref<81x640xf32, #tpu.memory_space<vmem>>, vector<16xf32>,
      %parallel_loop3A_674 = arith.constant 50 : i32
      %parallel_loop3A_675 = arith.index_cast %parallel_loop3A_674 : i32 to index
      %parallel_loop3A_676 = arith.index_cast %parallel_loop3A_79 : i32 to index
      %parallel_loop3A_677 = tpu.vector_load %arg5[%parallel_loop3A_675, %parallel_loop3A_676] {strides = array<i32>} : memref<81x640xf32, #tpu.memory_space<vmem>>, vector<16xf32>,
      %parallel_loop3A_678 = arith.constant 51 : i32
      %parallel_loop3A_679 = arith.index_cast %parallel_loop3A_678 : i32 to index
      %parallel_loop3A_680 = arith.index_cast %parallel_loop3A_79 : i32 to index
      %parallel_loop3A_681 = tpu.vector_load %arg5[%parallel_loop3A_679, %parallel_loop3A_680] {strides = array<i32>} : memref<81x640xf32, #tpu.memory_space<vmem>>, vector<16xf32>,
      %parallel_loop3A_682 = arith.constant 52 : i32
      %parallel_loop3A_683 = arith.index_cast %parallel_loop3A_682 : i32 to index
      %parallel_loop3A_684 = arith.index_cast %parallel_loop3A_79 : i32 to index
      %parallel_loop3A_685 = tpu.vector_load %arg5[%parallel_loop3A_683, %parallel_loop3A_684] {strides = array<i32>} : memref<81x640xf32, #tpu.memory_space<vmem>>, vector<16xf32>,
      %parallel_loop3A_686 = arith.constant 53 : i32
      %parallel_loop3A_687 = arith.index_cast %parallel_loop3A_686 : i32 to index
      %parallel_loop3A_688 = arith.index_cast %parallel_loop3A_79 : i32 to index
      %parallel_loop3A_689 = tpu.vector_load %arg5[%parallel_loop3A_687, %parallel_loop3A_688] {strides = array<i32>} : memref<81x640xf32, #tpu.memory_space<vmem>>, vector<16xf32>,
      %parallel_loop3A_690 = arith.constant 54 : i32
      %parallel_loop3A_691 = arith.index_cast %parallel_loop3A_690 : i32 to index
      %parallel_loop3A_692 = arith.index_cast %parallel_loop3A_79 : i32 to index
      %parallel_loop3A_693 = tpu.vector_load %arg5[%parallel_loop3A_691, %parallel_loop3A_692] {strides = array<i32>} : memref<81x640xf32, #tpu.memory_space<vmem>>, vector<16xf32>,
      %parallel_loop3A_694 = arith.constant 55 : i32
      %parallel_loop3A_695 = arith.index_cast %parallel_loop3A_694 : i32 to index
      %parallel_loop3A_696 = arith.index_cast %parallel_loop3A_79 : i32 to index
      %parallel_loop3A_697 = tpu.vector_load %arg5[%parallel_loop3A_695, %parallel_loop3A_696] {strides = array<i32>} : memref<81x640xf32, #tpu.memory_space<vmem>>, vector<16xf32>,
      %parallel_loop3A_698 = arith.constant 56 : i32
      %parallel_loop3A_699 = arith.index_cast %parallel_loop3A_698 : i32 to index
      %parallel_loop3A_700 = arith.index_cast %parallel_loop3A_79 : i32 to index
      %parallel_loop3A_701 = tpu.vector_load %arg5[%parallel_loop3A_699, %parallel_loop3A_700] {strides = array<i32>} : memref<81x640xf32, #tpu.memory_space<vmem>>, vector<16xf32>,
      %parallel_loop3A_702 = arith.constant 57 : i32
      %parallel_loop3A_703 = arith.index_cast %parallel_loop3A_702 : i32 to index
      %parallel_loop3A_704 = arith.index_cast %parallel_loop3A_79 : i32 to index
      %parallel_loop3A_705 = tpu.vector_load %arg5[%parallel_loop3A_703, %parallel_loop3A_704] {strides = array<i32>} : memref<81x640xf32, #tpu.memory_space<vmem>>, vector<16xf32>,
      %parallel_loop3A_706 = arith.constant 58 : i32
      %parallel_loop3A_707 = arith.index_cast %parallel_loop3A_706 : i32 to index
      %parallel_loop3A_708 = arith.index_cast %parallel_loop3A_79 : i32 to index
      %parallel_loop3A_709 = tpu.vector_load %arg5[%parallel_loop3A_707, %parallel_loop3A_708] {strides = array<i32>} : memref<81x640xf32, #tpu.memory_space<vmem>>, vector<16xf32>,
      %parallel_loop3A_710 = arith.constant 59 : i32
      %parallel_loop3A_711 = arith.index_cast %parallel_loop3A_710 : i32 to index
      %parallel_loop3A_712 = arith.index_cast %parallel_loop3A_79 : i32 to index
      %parallel_loop3A_713 = tpu.vector_load %arg5[%parallel_loop3A_711, %parallel_loop3A_712] {strides = array<i32>} : memref<81x640xf32, #tpu.memory_space<vmem>>, vector<16xf32>,
      %parallel_loop3A_714 = arith.constant 60 : i32
      %parallel_loop3A_715 = arith.index_cast %parallel_loop3A_714 : i32 to index
      %parallel_loop3A_716 = arith.index_cast %parallel_loop3A_79 : i32 to index
      %parallel_loop3A_717 = tpu.vector_load %arg5[%parallel_loop3A_715, %parallel_loop3A_716] {strides = array<i32>} : memref<81x640xf32, #tpu.memory_space<vmem>>, vector<16xf32>,
      %parallel_loop3A_718 = arith.constant 61 : i32
      %parallel_loop3A_719 = arith.index_cast %parallel_loop3A_718 : i32 to index
      %parallel_loop3A_720 = arith.index_cast %parallel_loop3A_79 : i32 to index
      %parallel_loop3A_721 = tpu.vector_load %arg5[%parallel_loop3A_719, %parallel_loop3A_720] {strides = array<i32>} : memref<81x640xf32, #tpu.memory_space<vmem>>, vector<16xf32>,
      %parallel_loop3A_722 = arith.constant 62 : i32
      %parallel_loop3A_723 = arith.index_cast %parallel_loop3A_722 : i32 to index
      %parallel_loop3A_724 = arith.index_cast %parallel_loop3A_79 : i32 to index
      %parallel_loop3A_725 = tpu.vector_load %arg5[%parallel_loop3A_723, %parallel_loop3A_724] {strides = array<i32>} : memref<81x640xf32, #tpu.memory_space<vmem>>, vector<16xf32>,
      %parallel_loop3A_726 = arith.constant 63 : i32
      %parallel_loop3A_727 = arith.index_cast %parallel_loop3A_726 : i32 to index
      %parallel_loop3A_728 = arith.index_cast %parallel_loop3A_79 : i32 to index
      %parallel_loop3A_729 = tpu.vector_load %arg5[%parallel_loop3A_727, %parallel_loop3A_728] {strides = array<i32>} : memref<81x640xf32, #tpu.memory_space<vmem>>, vector<16xf32>,
      %parallel_loop3A_730 = arith.cmpf ogt, %parallel_loop3A_673, %parallel_loop3A_669 : vector<16xf32>
      %parallel_loop3A_731 = arith.select %parallel_loop3A_730, %parallel_loop3A_673, %parallel_loop3A_669 : vector<16xi1>, vector<16xf32>
      %parallel_loop3A_732 = arith.constant 49 : i32
      %parallel_loop3A_733 = arith.constant 48 : i32
      %parallel_loop3A_734 = vector.broadcast %parallel_loop3A_732 : i32 to vector<16xi32>
      %parallel_loop3A_735 = vector.broadcast %parallel_loop3A_733 : i32 to vector<16xi32>
      %parallel_loop3A_736 = arith.select %parallel_loop3A_730, %parallel_loop3A_734, %parallel_loop3A_735 : vector<16xi1>, vector<16xi32>
      %parallel_loop3A_737 = arith.cmpf ogt, %parallel_loop3A_681, %parallel_loop3A_677 : vector<16xf32>
      %parallel_loop3A_738 = arith.select %parallel_loop3A_737, %parallel_loop3A_681, %parallel_loop3A_677 : vector<16xi1>, vector<16xf32>
      %parallel_loop3A_739 = arith.constant 51 : i32
      %parallel_loop3A_740 = arith.constant 50 : i32
      %parallel_loop3A_741 = vector.broadcast %parallel_loop3A_739 : i32 to vector<16xi32>
      %parallel_loop3A_742 = vector.broadcast %parallel_loop3A_740 : i32 to vector<16xi32>
      %parallel_loop3A_743 = arith.select %parallel_loop3A_737, %parallel_loop3A_741, %parallel_loop3A_742 : vector<16xi1>, vector<16xi32>
      %parallel_loop3A_744 = arith.cmpf ogt, %parallel_loop3A_689, %parallel_loop3A_685 : vector<16xf32>
      %parallel_loop3A_745 = arith.select %parallel_loop3A_744, %parallel_loop3A_689, %parallel_loop3A_685 : vector<16xi1>, vector<16xf32>
      %parallel_loop3A_746 = arith.constant 53 : i32
      %parallel_loop3A_747 = arith.constant 52 : i32
      %parallel_loop3A_748 = vector.broadcast %parallel_loop3A_746 : i32 to vector<16xi32>
      %parallel_loop3A_749 = vector.broadcast %parallel_loop3A_747 : i32 to vector<16xi32>
      %parallel_loop3A_750 = arith.select %parallel_loop3A_744, %parallel_loop3A_748, %parallel_loop3A_749 : vector<16xi1>, vector<16xi32>
      %parallel_loop3A_751 = arith.cmpf ogt, %parallel_loop3A_697, %parallel_loop3A_693 : vector<16xf32>
      %parallel_loop3A_752 = arith.select %parallel_loop3A_751, %parallel_loop3A_697, %parallel_loop3A_693 : vector<16xi1>, vector<16xf32>
      %parallel_loop3A_753 = arith.constant 55 : i32
      %parallel_loop3A_754 = arith.constant 54 : i32
      %parallel_loop3A_755 = vector.broadcast %parallel_loop3A_753 : i32 to vector<16xi32>
      %parallel_loop3A_756 = vector.broadcast %parallel_loop3A_754 : i32 to vector<16xi32>
      %parallel_loop3A_757 = arith.select %parallel_loop3A_751, %parallel_loop3A_755, %parallel_loop3A_756 : vector<16xi1>, vector<16xi32>
      %parallel_loop3A_758 = arith.cmpf ogt, %parallel_loop3A_705, %parallel_loop3A_701 : vector<16xf32>
      %parallel_loop3A_759 = arith.select %parallel_loop3A_758, %parallel_loop3A_705, %parallel_loop3A_701 : vector<16xi1>, vector<16xf32>
      %parallel_loop3A_760 = arith.constant 57 : i32
      %parallel_loop3A_761 = arith.constant 56 : i32
      %parallel_loop3A_762 = vector.broadcast %parallel_loop3A_760 : i32 to vector<16xi32>
      %parallel_loop3A_763 = vector.broadcast %parallel_loop3A_761 : i32 to vector<16xi32>
      %parallel_loop3A_764 = arith.select %parallel_loop3A_758, %parallel_loop3A_762, %parallel_loop3A_763 : vector<16xi1>, vector<16xi32>
      %parallel_loop3A_765 = arith.cmpf ogt, %parallel_loop3A_713, %parallel_loop3A_709 : vector<16xf32>
      %parallel_loop3A_766 = arith.select %parallel_loop3A_765, %parallel_loop3A_713, %parallel_loop3A_709 : vector<16xi1>, vector<16xf32>
      %parallel_loop3A_767 = arith.constant 59 : i32
      %parallel_loop3A_768 = arith.constant 58 : i32
      %parallel_loop3A_769 = vector.broadcast %parallel_loop3A_767 : i32 to vector<16xi32>
      %parallel_loop3A_770 = vector.broadcast %parallel_loop3A_768 : i32 to vector<16xi32>
      %parallel_loop3A_771 = arith.select %parallel_loop3A_765, %parallel_loop3A_769, %parallel_loop3A_770 : vector<16xi1>, vector<16xi32>
      %parallel_loop3A_772 = arith.cmpf ogt, %parallel_loop3A_721, %parallel_loop3A_717 : vector<16xf32>
      %parallel_loop3A_773 = arith.select %parallel_loop3A_772, %parallel_loop3A_721, %parallel_loop3A_717 : vector<16xi1>, vector<16xf32>
      %parallel_loop3A_774 = arith.constant 61 : i32
      %parallel_loop3A_775 = arith.constant 60 : i32
      %parallel_loop3A_776 = vector.broadcast %parallel_loop3A_774 : i32 to vector<16xi32>
      %parallel_loop3A_777 = vector.broadcast %parallel_loop3A_775 : i32 to vector<16xi32>
      %parallel_loop3A_778 = arith.select %parallel_loop3A_772, %parallel_loop3A_776, %parallel_loop3A_777 : vector<16xi1>, vector<16xi32>
      %parallel_loop3A_779 = arith.cmpf ogt, %parallel_loop3A_729, %parallel_loop3A_725 : vector<16xf32>
      %parallel_loop3A_780 = arith.select %parallel_loop3A_779, %parallel_loop3A_729, %parallel_loop3A_725 : vector<16xi1>, vector<16xf32>
      %parallel_loop3A_781 = arith.constant 63 : i32
      %parallel_loop3A_782 = arith.constant 62 : i32
      %parallel_loop3A_783 = vector.broadcast %parallel_loop3A_781 : i32 to vector<16xi32>
      %parallel_loop3A_784 = vector.broadcast %parallel_loop3A_782 : i32 to vector<16xi32>
      %parallel_loop3A_785 = arith.select %parallel_loop3A_779, %parallel_loop3A_783, %parallel_loop3A_784 : vector<16xi1>, vector<16xi32>
      %parallel_loop3A_786 = arith.cmpf ogt, %parallel_loop3A_738, %parallel_loop3A_731 : vector<16xf32>
      %parallel_loop3A_787 = arith.select %parallel_loop3A_786, %parallel_loop3A_738, %parallel_loop3A_731 : vector<16xi1>, vector<16xf32>
      %parallel_loop3A_788 = arith.select %parallel_loop3A_786, %parallel_loop3A_743, %parallel_loop3A_736 : vector<16xi1>, vector<16xi32>
      %parallel_loop3A_789 = arith.cmpf ogt, %parallel_loop3A_752, %parallel_loop3A_745 : vector<16xf32>
      %parallel_loop3A_790 = arith.select %parallel_loop3A_789, %parallel_loop3A_752, %parallel_loop3A_745 : vector<16xi1>, vector<16xf32>
      %parallel_loop3A_791 = arith.select %parallel_loop3A_789, %parallel_loop3A_757, %parallel_loop3A_750 : vector<16xi1>, vector<16xi32>
      %parallel_loop3A_792 = arith.cmpf ogt, %parallel_loop3A_766, %parallel_loop3A_759 : vector<16xf32>
      %parallel_loop3A_793 = arith.select %parallel_loop3A_792, %parallel_loop3A_766, %parallel_loop3A_759 : vector<16xi1>, vector<16xf32>
      %parallel_loop3A_794 = arith.select %parallel_loop3A_792, %parallel_loop3A_771, %parallel_loop3A_764 : vector<16xi1>, vector<16xi32>
      %parallel_loop3A_795 = arith.cmpf ogt, %parallel_loop3A_780, %parallel_loop3A_773 : vector<16xf32>
      %parallel_loop3A_796 = arith.select %parallel_loop3A_795, %parallel_loop3A_780, %parallel_loop3A_773 : vector<16xi1>, vector<16xf32>
      %parallel_loop3A_797 = arith.select %parallel_loop3A_795, %parallel_loop3A_785, %parallel_loop3A_778 : vector<16xi1>, vector<16xi32>
      %parallel_loop3A_798 = arith.cmpf ogt, %parallel_loop3A_790, %parallel_loop3A_787 : vector<16xf32>
      %parallel_loop3A_799 = arith.select %parallel_loop3A_798, %parallel_loop3A_790, %parallel_loop3A_787 : vector<16xi1>, vector<16xf32>
      %parallel_loop3A_800 = arith.select %parallel_loop3A_798, %parallel_loop3A_791, %parallel_loop3A_788 : vector<16xi1>, vector<16xi32>
      %parallel_loop3A_801 = arith.cmpf ogt, %parallel_loop3A_796, %parallel_loop3A_793 : vector<16xf32>
      %parallel_loop3A_802 = arith.select %parallel_loop3A_801, %parallel_loop3A_796, %parallel_loop3A_793 : vector<16xi1>, vector<16xf32>
      %parallel_loop3A_803 = arith.select %parallel_loop3A_801, %parallel_loop3A_797, %parallel_loop3A_794 : vector<16xi1>, vector<16xi32>
      %parallel_loop3A_804 = arith.cmpf ogt, %parallel_loop3A_802, %parallel_loop3A_799 : vector<16xf32>
      %parallel_loop3A_805 = arith.select %parallel_loop3A_804, %parallel_loop3A_802, %parallel_loop3A_799 : vector<16xi1>, vector<16xf32>
      %parallel_loop3A_806 = arith.select %parallel_loop3A_804, %parallel_loop3A_803, %parallel_loop3A_800 : vector<16xi1>, vector<16xi32>
      %parallel_loop3A_807 = arith.cmpf ogt, %parallel_loop3A_805, %parallel_loop3A_613 : vector<16xf32>
      %parallel_loop3A_808 = arith.select %parallel_loop3A_807, %parallel_loop3A_805, %parallel_loop3A_613 : vector<16xi1>, vector<16xf32>
      %parallel_loop3A_809 = arith.select %parallel_loop3A_807, %parallel_loop3A_806, %parallel_loop3A_614 : vector<16xi1>, vector<16xi32>
      %parallel_loop3A_810 = arith.subf %parallel_loop3A_669, %parallel_loop3A_808 : vector<16xf32>
      %parallel_loop3A_811 = math.exp %parallel_loop3A_810 : vector<16xf32>
      %parallel_loop3A_812 = arith.subf %parallel_loop3A_673, %parallel_loop3A_808 : vector<16xf32>
      %parallel_loop3A_813 = math.exp %parallel_loop3A_812 : vector<16xf32>
      %parallel_loop3A_814 = arith.subf %parallel_loop3A_677, %parallel_loop3A_808 : vector<16xf32>
      %parallel_loop3A_815 = math.exp %parallel_loop3A_814 : vector<16xf32>
      %parallel_loop3A_816 = arith.subf %parallel_loop3A_681, %parallel_loop3A_808 : vector<16xf32>
      %parallel_loop3A_817 = math.exp %parallel_loop3A_816 : vector<16xf32>
      %parallel_loop3A_818 = arith.subf %parallel_loop3A_685, %parallel_loop3A_808 : vector<16xf32>
      %parallel_loop3A_819 = math.exp %parallel_loop3A_818 : vector<16xf32>
      %parallel_loop3A_820 = arith.subf %parallel_loop3A_689, %parallel_loop3A_808 : vector<16xf32>
      %parallel_loop3A_821 = math.exp %parallel_loop3A_820 : vector<16xf32>
      %parallel_loop3A_822 = arith.subf %parallel_loop3A_693, %parallel_loop3A_808 : vector<16xf32>
      %parallel_loop3A_823 = math.exp %parallel_loop3A_822 : vector<16xf32>
      %parallel_loop3A_824 = arith.subf %parallel_loop3A_697, %parallel_loop3A_808 : vector<16xf32>
      %parallel_loop3A_825 = math.exp %parallel_loop3A_824 : vector<16xf32>
      %parallel_loop3A_826 = arith.subf %parallel_loop3A_701, %parallel_loop3A_808 : vector<16xf32>
      %parallel_loop3A_827 = math.exp %parallel_loop3A_826 : vector<16xf32>
      %parallel_loop3A_828 = arith.subf %parallel_loop3A_705, %parallel_loop3A_808 : vector<16xf32>
      %parallel_loop3A_829 = math.exp %parallel_loop3A_828 : vector<16xf32>
      %parallel_loop3A_830 = arith.subf %parallel_loop3A_709, %parallel_loop3A_808 : vector<16xf32>
      %parallel_loop3A_831 = math.exp %parallel_loop3A_830 : vector<16xf32>
      %parallel_loop3A_832 = arith.subf %parallel_loop3A_713, %parallel_loop3A_808 : vector<16xf32>
      %parallel_loop3A_833 = math.exp %parallel_loop3A_832 : vector<16xf32>
      %parallel_loop3A_834 = arith.subf %parallel_loop3A_717, %parallel_loop3A_808 : vector<16xf32>
      %parallel_loop3A_835 = math.exp %parallel_loop3A_834 : vector<16xf32>
      %parallel_loop3A_836 = arith.subf %parallel_loop3A_721, %parallel_loop3A_808 : vector<16xf32>
      %parallel_loop3A_837 = math.exp %parallel_loop3A_836 : vector<16xf32>
      %parallel_loop3A_838 = arith.subf %parallel_loop3A_725, %parallel_loop3A_808 : vector<16xf32>
      %parallel_loop3A_839 = math.exp %parallel_loop3A_838 : vector<16xf32>
      %parallel_loop3A_840 = arith.subf %parallel_loop3A_729, %parallel_loop3A_808 : vector<16xf32>
      %parallel_loop3A_841 = math.exp %parallel_loop3A_840 : vector<16xf32>
      %parallel_loop3A_842 = arith.addf %parallel_loop3A_811, %parallel_loop3A_813 : vector<16xf32>
      %parallel_loop3A_843 = arith.addf %parallel_loop3A_815, %parallel_loop3A_817 : vector<16xf32>
      %parallel_loop3A_844 = arith.addf %parallel_loop3A_819, %parallel_loop3A_821 : vector<16xf32>
      %parallel_loop3A_845 = arith.addf %parallel_loop3A_823, %parallel_loop3A_825 : vector<16xf32>
      %parallel_loop3A_846 = arith.addf %parallel_loop3A_827, %parallel_loop3A_829 : vector<16xf32>
      %parallel_loop3A_847 = arith.addf %parallel_loop3A_831, %parallel_loop3A_833 : vector<16xf32>
      %parallel_loop3A_848 = arith.addf %parallel_loop3A_835, %parallel_loop3A_837 : vector<16xf32>
      %parallel_loop3A_849 = arith.addf %parallel_loop3A_839, %parallel_loop3A_841 : vector<16xf32>
      %parallel_loop3A_850 = arith.addf %parallel_loop3A_842, %parallel_loop3A_843 : vector<16xf32>
      %parallel_loop3A_851 = arith.addf %parallel_loop3A_844, %parallel_loop3A_845 : vector<16xf32>
      %parallel_loop3A_852 = arith.addf %parallel_loop3A_846, %parallel_loop3A_847 : vector<16xf32>
      %parallel_loop3A_853 = arith.addf %parallel_loop3A_848, %parallel_loop3A_849 : vector<16xf32>
      %parallel_loop3A_854 = arith.addf %parallel_loop3A_850, %parallel_loop3A_851 : vector<16xf32>
      %parallel_loop3A_855 = arith.addf %parallel_loop3A_852, %parallel_loop3A_853 : vector<16xf32>
      %parallel_loop3A_856 = arith.addf %parallel_loop3A_854, %parallel_loop3A_855 : vector<16xf32>
      %parallel_loop3A_857 = arith.subf %parallel_loop3A_613, %parallel_loop3A_808 : vector<16xf32>
      %parallel_loop3A_858 = math.exp %parallel_loop3A_857 : vector<16xf32>
      %parallel_loop3A_859 = arith.mulf %parallel_loop3A_665, %parallel_loop3A_858 : vector<16xf32>
      %parallel_loop3A_860 = arith.addf %parallel_loop3A_859, %parallel_loop3A_856 : vector<16xf32>
      %parallel_loop3A_861 = arith.constant 64 : i32
      %parallel_loop3A_862 = arith.index_cast %parallel_loop3A_861 : i32 to index
      %parallel_loop3A_863 = arith.index_cast %parallel_loop3A_79 : i32 to index
      %parallel_loop3A_864 = tpu.vector_load %arg5[%parallel_loop3A_862, %parallel_loop3A_863] {strides = array<i32>} : memref<81x640xf32, #tpu.memory_space<vmem>>, vector<16xf32>,
      %parallel_loop3A_865 = arith.constant 65 : i32
      %parallel_loop3A_866 = arith.index_cast %parallel_loop3A_865 : i32 to index
      %parallel_loop3A_867 = arith.index_cast %parallel_loop3A_79 : i32 to index
      %parallel_loop3A_868 = tpu.vector_load %arg5[%parallel_loop3A_866, %parallel_loop3A_867] {strides = array<i32>} : memref<81x640xf32, #tpu.memory_space<vmem>>, vector<16xf32>,
      %parallel_loop3A_869 = arith.constant 66 : i32
      %parallel_loop3A_870 = arith.index_cast %parallel_loop3A_869 : i32 to index
      %parallel_loop3A_871 = arith.index_cast %parallel_loop3A_79 : i32 to index
      %parallel_loop3A_872 = tpu.vector_load %arg5[%parallel_loop3A_870, %parallel_loop3A_871] {strides = array<i32>} : memref<81x640xf32, #tpu.memory_space<vmem>>, vector<16xf32>,
      %parallel_loop3A_873 = arith.constant 67 : i32
      %parallel_loop3A_874 = arith.index_cast %parallel_loop3A_873 : i32 to index
      %parallel_loop3A_875 = arith.index_cast %parallel_loop3A_79 : i32 to index
      %parallel_loop3A_876 = tpu.vector_load %arg5[%parallel_loop3A_874, %parallel_loop3A_875] {strides = array<i32>} : memref<81x640xf32, #tpu.memory_space<vmem>>, vector<16xf32>,
      %parallel_loop3A_877 = arith.constant 68 : i32
      %parallel_loop3A_878 = arith.index_cast %parallel_loop3A_877 : i32 to index
      %parallel_loop3A_879 = arith.index_cast %parallel_loop3A_79 : i32 to index
      %parallel_loop3A_880 = tpu.vector_load %arg5[%parallel_loop3A_878, %parallel_loop3A_879] {strides = array<i32>} : memref<81x640xf32, #tpu.memory_space<vmem>>, vector<16xf32>,
      %parallel_loop3A_881 = arith.constant 69 : i32
      %parallel_loop3A_882 = arith.index_cast %parallel_loop3A_881 : i32 to index
      %parallel_loop3A_883 = arith.index_cast %parallel_loop3A_79 : i32 to index
      %parallel_loop3A_884 = tpu.vector_load %arg5[%parallel_loop3A_882, %parallel_loop3A_883] {strides = array<i32>} : memref<81x640xf32, #tpu.memory_space<vmem>>, vector<16xf32>,
      %parallel_loop3A_885 = arith.constant 70 : i32
      %parallel_loop3A_886 = arith.index_cast %parallel_loop3A_885 : i32 to index
      %parallel_loop3A_887 = arith.index_cast %parallel_loop3A_79 : i32 to index
      %parallel_loop3A_888 = tpu.vector_load %arg5[%parallel_loop3A_886, %parallel_loop3A_887] {strides = array<i32>} : memref<81x640xf32, #tpu.memory_space<vmem>>, vector<16xf32>,
      %parallel_loop3A_889 = arith.constant 71 : i32
      %parallel_loop3A_890 = arith.index_cast %parallel_loop3A_889 : i32 to index
      %parallel_loop3A_891 = arith.index_cast %parallel_loop3A_79 : i32 to index
      %parallel_loop3A_892 = tpu.vector_load %arg5[%parallel_loop3A_890, %parallel_loop3A_891] {strides = array<i32>} : memref<81x640xf32, #tpu.memory_space<vmem>>, vector<16xf32>,
      %parallel_loop3A_893 = arith.constant 72 : i32
      %parallel_loop3A_894 = arith.index_cast %parallel_loop3A_893 : i32 to index
      %parallel_loop3A_895 = arith.index_cast %parallel_loop3A_79 : i32 to index
      %parallel_loop3A_896 = tpu.vector_load %arg5[%parallel_loop3A_894, %parallel_loop3A_895] {strides = array<i32>} : memref<81x640xf32, #tpu.memory_space<vmem>>, vector<16xf32>,
      %parallel_loop3A_897 = arith.constant 73 : i32
      %parallel_loop3A_898 = arith.index_cast %parallel_loop3A_897 : i32 to index
      %parallel_loop3A_899 = arith.index_cast %parallel_loop3A_79 : i32 to index
      %parallel_loop3A_900 = tpu.vector_load %arg5[%parallel_loop3A_898, %parallel_loop3A_899] {strides = array<i32>} : memref<81x640xf32, #tpu.memory_space<vmem>>, vector<16xf32>,
      %parallel_loop3A_901 = arith.constant 74 : i32
      %parallel_loop3A_902 = arith.index_cast %parallel_loop3A_901 : i32 to index
      %parallel_loop3A_903 = arith.index_cast %parallel_loop3A_79 : i32 to index
      %parallel_loop3A_904 = tpu.vector_load %arg5[%parallel_loop3A_902, %parallel_loop3A_903] {strides = array<i32>} : memref<81x640xf32, #tpu.memory_space<vmem>>, vector<16xf32>,
      %parallel_loop3A_905 = arith.constant 75 : i32
      %parallel_loop3A_906 = arith.index_cast %parallel_loop3A_905 : i32 to index
      %parallel_loop3A_907 = arith.index_cast %parallel_loop3A_79 : i32 to index
      %parallel_loop3A_908 = tpu.vector_load %arg5[%parallel_loop3A_906, %parallel_loop3A_907] {strides = array<i32>} : memref<81x640xf32, #tpu.memory_space<vmem>>, vector<16xf32>,
      %parallel_loop3A_909 = arith.constant 76 : i32
      %parallel_loop3A_910 = arith.index_cast %parallel_loop3A_909 : i32 to index
      %parallel_loop3A_911 = arith.index_cast %parallel_loop3A_79 : i32 to index
      %parallel_loop3A_912 = tpu.vector_load %arg5[%parallel_loop3A_910, %parallel_loop3A_911] {strides = array<i32>} : memref<81x640xf32, #tpu.memory_space<vmem>>, vector<16xf32>,
      %parallel_loop3A_913 = arith.constant 77 : i32
      %parallel_loop3A_914 = arith.index_cast %parallel_loop3A_913 : i32 to index
      %parallel_loop3A_915 = arith.index_cast %parallel_loop3A_79 : i32 to index
      %parallel_loop3A_916 = tpu.vector_load %arg5[%parallel_loop3A_914, %parallel_loop3A_915] {strides = array<i32>} : memref<81x640xf32, #tpu.memory_space<vmem>>, vector<16xf32>,
      %parallel_loop3A_917 = arith.constant 78 : i32
      %parallel_loop3A_918 = arith.index_cast %parallel_loop3A_917 : i32 to index
      %parallel_loop3A_919 = arith.index_cast %parallel_loop3A_79 : i32 to index
      %parallel_loop3A_920 = tpu.vector_load %arg5[%parallel_loop3A_918, %parallel_loop3A_919] {strides = array<i32>} : memref<81x640xf32, #tpu.memory_space<vmem>>, vector<16xf32>,
      %parallel_loop3A_921 = arith.constant 79 : i32
      %parallel_loop3A_922 = arith.index_cast %parallel_loop3A_921 : i32 to index
      %parallel_loop3A_923 = arith.index_cast %parallel_loop3A_79 : i32 to index
      %parallel_loop3A_924 = tpu.vector_load %arg5[%parallel_loop3A_922, %parallel_loop3A_923] {strides = array<i32>} : memref<81x640xf32, #tpu.memory_space<vmem>>, vector<16xf32>,
      %parallel_loop3A_925 = arith.cmpf ogt, %parallel_loop3A_868, %parallel_loop3A_864 : vector<16xf32>
      %parallel_loop3A_926 = arith.select %parallel_loop3A_925, %parallel_loop3A_868, %parallel_loop3A_864 : vector<16xi1>, vector<16xf32>
      %parallel_loop3A_927 = arith.constant 65 : i32
      %parallel_loop3A_928 = arith.constant 64 : i32
      %parallel_loop3A_929 = vector.broadcast %parallel_loop3A_927 : i32 to vector<16xi32>
      %parallel_loop3A_930 = vector.broadcast %parallel_loop3A_928 : i32 to vector<16xi32>
      %parallel_loop3A_931 = arith.select %parallel_loop3A_925, %parallel_loop3A_929, %parallel_loop3A_930 : vector<16xi1>, vector<16xi32>
      %parallel_loop3A_932 = arith.cmpf ogt, %parallel_loop3A_876, %parallel_loop3A_872 : vector<16xf32>
      %parallel_loop3A_933 = arith.select %parallel_loop3A_932, %parallel_loop3A_876, %parallel_loop3A_872 : vector<16xi1>, vector<16xf32>
      %parallel_loop3A_934 = arith.constant 67 : i32
      %parallel_loop3A_935 = arith.constant 66 : i32
      %parallel_loop3A_936 = vector.broadcast %parallel_loop3A_934 : i32 to vector<16xi32>
      %parallel_loop3A_937 = vector.broadcast %parallel_loop3A_935 : i32 to vector<16xi32>
      %parallel_loop3A_938 = arith.select %parallel_loop3A_932, %parallel_loop3A_936, %parallel_loop3A_937 : vector<16xi1>, vector<16xi32>
      %parallel_loop3A_939 = arith.cmpf ogt, %parallel_loop3A_884, %parallel_loop3A_880 : vector<16xf32>
      %parallel_loop3A_940 = arith.select %parallel_loop3A_939, %parallel_loop3A_884, %parallel_loop3A_880 : vector<16xi1>, vector<16xf32>
      %parallel_loop3A_941 = arith.constant 69 : i32
      %parallel_loop3A_942 = arith.constant 68 : i32
      %parallel_loop3A_943 = vector.broadcast %parallel_loop3A_941 : i32 to vector<16xi32>
      %parallel_loop3A_944 = vector.broadcast %parallel_loop3A_942 : i32 to vector<16xi32>
      %parallel_loop3A_945 = arith.select %parallel_loop3A_939, %parallel_loop3A_943, %parallel_loop3A_944 : vector<16xi1>, vector<16xi32>
      %parallel_loop3A_946 = arith.cmpf ogt, %parallel_loop3A_892, %parallel_loop3A_888 : vector<16xf32>
      %parallel_loop3A_947 = arith.select %parallel_loop3A_946, %parallel_loop3A_892, %parallel_loop3A_888 : vector<16xi1>, vector<16xf32>
      %parallel_loop3A_948 = arith.constant 71 : i32
      %parallel_loop3A_949 = arith.constant 70 : i32
      %parallel_loop3A_950 = vector.broadcast %parallel_loop3A_948 : i32 to vector<16xi32>
      %parallel_loop3A_951 = vector.broadcast %parallel_loop3A_949 : i32 to vector<16xi32>
      %parallel_loop3A_952 = arith.select %parallel_loop3A_946, %parallel_loop3A_950, %parallel_loop3A_951 : vector<16xi1>, vector<16xi32>
      %parallel_loop3A_953 = arith.cmpf ogt, %parallel_loop3A_900, %parallel_loop3A_896 : vector<16xf32>
      %parallel_loop3A_954 = arith.select %parallel_loop3A_953, %parallel_loop3A_900, %parallel_loop3A_896 : vector<16xi1>, vector<16xf32>
      %parallel_loop3A_955 = arith.constant 73 : i32
      %parallel_loop3A_956 = arith.constant 72 : i32
      %parallel_loop3A_957 = vector.broadcast %parallel_loop3A_955 : i32 to vector<16xi32>
      %parallel_loop3A_958 = vector.broadcast %parallel_loop3A_956 : i32 to vector<16xi32>
      %parallel_loop3A_959 = arith.select %parallel_loop3A_953, %parallel_loop3A_957, %parallel_loop3A_958 : vector<16xi1>, vector<16xi32>
      %parallel_loop3A_960 = arith.cmpf ogt, %parallel_loop3A_908, %parallel_loop3A_904 : vector<16xf32>
      %parallel_loop3A_961 = arith.select %parallel_loop3A_960, %parallel_loop3A_908, %parallel_loop3A_904 : vector<16xi1>, vector<16xf32>
      %parallel_loop3A_962 = arith.constant 75 : i32
      %parallel_loop3A_963 = arith.constant 74 : i32
      %parallel_loop3A_964 = vector.broadcast %parallel_loop3A_962 : i32 to vector<16xi32>
      %parallel_loop3A_965 = vector.broadcast %parallel_loop3A_963 : i32 to vector<16xi32>
      %parallel_loop3A_966 = arith.select %parallel_loop3A_960, %parallel_loop3A_964, %parallel_loop3A_965 : vector<16xi1>, vector<16xi32>
      %parallel_loop3A_967 = arith.cmpf ogt, %parallel_loop3A_916, %parallel_loop3A_912 : vector<16xf32>
      %parallel_loop3A_968 = arith.select %parallel_loop3A_967, %parallel_loop3A_916, %parallel_loop3A_912 : vector<16xi1>, vector<16xf32>
      %parallel_loop3A_969 = arith.constant 77 : i32
      %parallel_loop3A_970 = arith.constant 76 : i32
      %parallel_loop3A_971 = vector.broadcast %parallel_loop3A_969 : i32 to vector<16xi32>
      %parallel_loop3A_972 = vector.broadcast %parallel_loop3A_970 : i32 to vector<16xi32>
      %parallel_loop3A_973 = arith.select %parallel_loop3A_967, %parallel_loop3A_971, %parallel_loop3A_972 : vector<16xi1>, vector<16xi32>
      %parallel_loop3A_974 = arith.cmpf ogt, %parallel_loop3A_924, %parallel_loop3A_920 : vector<16xf32>
      %parallel_loop3A_975 = arith.select %parallel_loop3A_974, %parallel_loop3A_924, %parallel_loop3A_920 : vector<16xi1>, vector<16xf32>
      %parallel_loop3A_976 = arith.constant 79 : i32
      %parallel_loop3A_977 = arith.constant 78 : i32
      %parallel_loop3A_978 = vector.broadcast %parallel_loop3A_976 : i32 to vector<16xi32>
      %parallel_loop3A_979 = vector.broadcast %parallel_loop3A_977 : i32 to vector<16xi32>
      %parallel_loop3A_980 = arith.select %parallel_loop3A_974, %parallel_loop3A_978, %parallel_loop3A_979 : vector<16xi1>, vector<16xi32>
      %parallel_loop3A_981 = arith.cmpf ogt, %parallel_loop3A_933, %parallel_loop3A_926 : vector<16xf32>
      %parallel_loop3A_982 = arith.select %parallel_loop3A_981, %parallel_loop3A_933, %parallel_loop3A_926 : vector<16xi1>, vector<16xf32>
      %parallel_loop3A_983 = arith.select %parallel_loop3A_981, %parallel_loop3A_938, %parallel_loop3A_931 : vector<16xi1>, vector<16xi32>
      %parallel_loop3A_984 = arith.cmpf ogt, %parallel_loop3A_947, %parallel_loop3A_940 : vector<16xf32>
      %parallel_loop3A_985 = arith.select %parallel_loop3A_984, %parallel_loop3A_947, %parallel_loop3A_940 : vector<16xi1>, vector<16xf32>
      %parallel_loop3A_986 = arith.select %parallel_loop3A_984, %parallel_loop3A_952, %parallel_loop3A_945 : vector<16xi1>, vector<16xi32>
      %parallel_loop3A_987 = arith.cmpf ogt, %parallel_loop3A_961, %parallel_loop3A_954 : vector<16xf32>
      %parallel_loop3A_988 = arith.select %parallel_loop3A_987, %parallel_loop3A_961, %parallel_loop3A_954 : vector<16xi1>, vector<16xf32>
      %parallel_loop3A_989 = arith.select %parallel_loop3A_987, %parallel_loop3A_966, %parallel_loop3A_959 : vector<16xi1>, vector<16xi32>
      %parallel_loop3A_990 = arith.cmpf ogt, %parallel_loop3A_975, %parallel_loop3A_968 : vector<16xf32>
      %parallel_loop3A_991 = arith.select %parallel_loop3A_990, %parallel_loop3A_975, %parallel_loop3A_968 : vector<16xi1>, vector<16xf32>
      %parallel_loop3A_992 = arith.select %parallel_loop3A_990, %parallel_loop3A_980, %parallel_loop3A_973 : vector<16xi1>, vector<16xi32>
      %parallel_loop3A_993 = arith.cmpf ogt, %parallel_loop3A_985, %parallel_loop3A_982 : vector<16xf32>
      %parallel_loop3A_994 = arith.select %parallel_loop3A_993, %parallel_loop3A_985, %parallel_loop3A_982 : vector<16xi1>, vector<16xf32>
      %parallel_loop3A_995 = arith.select %parallel_loop3A_993, %parallel_loop3A_986, %parallel_loop3A_983 : vector<16xi1>, vector<16xi32>
      %parallel_loop3A_996 = arith.cmpf ogt, %parallel_loop3A_991, %parallel_loop3A_988 : vector<16xf32>
      %parallel_loop3A_997 = arith.select %parallel_loop3A_996, %parallel_loop3A_991, %parallel_loop3A_988 : vector<16xi1>, vector<16xf32>
      %parallel_loop3A_998 = arith.select %parallel_loop3A_996, %parallel_loop3A_992, %parallel_loop3A_989 : vector<16xi1>, vector<16xi32>
      %parallel_loop3A_999 = arith.cmpf ogt, %parallel_loop3A_997, %parallel_loop3A_994 : vector<16xf32>
      %parallel_loop3A_1000 = arith.select %parallel_loop3A_999, %parallel_loop3A_997, %parallel_loop3A_994 : vector<16xi1>, vector<16xf32>
      %parallel_loop3A_1001 = arith.select %parallel_loop3A_999, %parallel_loop3A_998, %parallel_loop3A_995 : vector<16xi1>, vector<16xi32>
      %parallel_loop3A_1002 = arith.cmpf ogt, %parallel_loop3A_1000, %parallel_loop3A_808 : vector<16xf32>
      %parallel_loop3A_1003 = arith.select %parallel_loop3A_1002, %parallel_loop3A_1000, %parallel_loop3A_808 : vector<16xi1>, vector<16xf32>
      %parallel_loop3A_1004 = arith.select %parallel_loop3A_1002, %parallel_loop3A_1001, %parallel_loop3A_809 : vector<16xi1>, vector<16xi32>
      %parallel_loop3A_1005 = arith.subf %parallel_loop3A_864, %parallel_loop3A_1003 : vector<16xf32>
      %parallel_loop3A_1006 = math.exp %parallel_loop3A_1005 : vector<16xf32>
      %parallel_loop3A_1007 = arith.subf %parallel_loop3A_868, %parallel_loop3A_1003 : vector<16xf32>
      %parallel_loop3A_1008 = math.exp %parallel_loop3A_1007 : vector<16xf32>
      %parallel_loop3A_1009 = arith.subf %parallel_loop3A_872, %parallel_loop3A_1003 : vector<16xf32>
      %parallel_loop3A_1010 = math.exp %parallel_loop3A_1009 : vector<16xf32>
      %parallel_loop3A_1011 = arith.subf %parallel_loop3A_876, %parallel_loop3A_1003 : vector<16xf32>
      %parallel_loop3A_1012 = math.exp %parallel_loop3A_1011 : vector<16xf32>
      %parallel_loop3A_1013 = arith.subf %parallel_loop3A_880, %parallel_loop3A_1003 : vector<16xf32>
      %parallel_loop3A_1014 = math.exp %parallel_loop3A_1013 : vector<16xf32>
      %parallel_loop3A_1015 = arith.subf %parallel_loop3A_884, %parallel_loop3A_1003 : vector<16xf32>
      %parallel_loop3A_1016 = math.exp %parallel_loop3A_1015 : vector<16xf32>
      %parallel_loop3A_1017 = arith.subf %parallel_loop3A_888, %parallel_loop3A_1003 : vector<16xf32>
      %parallel_loop3A_1018 = math.exp %parallel_loop3A_1017 : vector<16xf32>
      %parallel_loop3A_1019 = arith.subf %parallel_loop3A_892, %parallel_loop3A_1003 : vector<16xf32>
      %parallel_loop3A_1020 = math.exp %parallel_loop3A_1019 : vector<16xf32>
      %parallel_loop3A_1021 = arith.subf %parallel_loop3A_896, %parallel_loop3A_1003 : vector<16xf32>
      %parallel_loop3A_1022 = math.exp %parallel_loop3A_1021 : vector<16xf32>
      %parallel_loop3A_1023 = arith.subf %parallel_loop3A_900, %parallel_loop3A_1003 : vector<16xf32>
      %parallel_loop3A_1024 = math.exp %parallel_loop3A_1023 : vector<16xf32>
      %parallel_loop3A_1025 = arith.subf %parallel_loop3A_904, %parallel_loop3A_1003 : vector<16xf32>
      %parallel_loop3A_1026 = math.exp %parallel_loop3A_1025 : vector<16xf32>
      %parallel_loop3A_1027 = arith.subf %parallel_loop3A_908, %parallel_loop3A_1003 : vector<16xf32>
      %parallel_loop3A_1028 = math.exp %parallel_loop3A_1027 : vector<16xf32>
      %parallel_loop3A_1029 = arith.subf %parallel_loop3A_912, %parallel_loop3A_1003 : vector<16xf32>
      %parallel_loop3A_1030 = math.exp %parallel_loop3A_1029 : vector<16xf32>
      %parallel_loop3A_1031 = arith.subf %parallel_loop3A_916, %parallel_loop3A_1003 : vector<16xf32>
      %parallel_loop3A_1032 = math.exp %parallel_loop3A_1031 : vector<16xf32>
      %parallel_loop3A_1033 = arith.subf %parallel_loop3A_920, %parallel_loop3A_1003 : vector<16xf32>
      %parallel_loop3A_1034 = math.exp %parallel_loop3A_1033 : vector<16xf32>
      %parallel_loop3A_1035 = arith.subf %parallel_loop3A_924, %parallel_loop3A_1003 : vector<16xf32>
      %parallel_loop3A_1036 = math.exp %parallel_loop3A_1035 : vector<16xf32>
      %parallel_loop3A_1037 = arith.addf %parallel_loop3A_1006, %parallel_loop3A_1008 : vector<16xf32>
      %parallel_loop3A_1038 = arith.addf %parallel_loop3A_1010, %parallel_loop3A_1012 : vector<16xf32>
      %parallel_loop3A_1039 = arith.addf %parallel_loop3A_1014, %parallel_loop3A_1016 : vector<16xf32>
      %parallel_loop3A_1040 = arith.addf %parallel_loop3A_1018, %parallel_loop3A_1020 : vector<16xf32>
      %parallel_loop3A_1041 = arith.addf %parallel_loop3A_1022, %parallel_loop3A_1024 : vector<16xf32>
      %parallel_loop3A_1042 = arith.addf %parallel_loop3A_1026, %parallel_loop3A_1028 : vector<16xf32>
      %parallel_loop3A_1043 = arith.addf %parallel_loop3A_1030, %parallel_loop3A_1032 : vector<16xf32>
      %parallel_loop3A_1044 = arith.addf %parallel_loop3A_1034, %parallel_loop3A_1036 : vector<16xf32>
      %parallel_loop3A_1045 = arith.addf %parallel_loop3A_1037, %parallel_loop3A_1038 : vector<16xf32>
      %parallel_loop3A_1046 = arith.addf %parallel_loop3A_1039, %parallel_loop3A_1040 : vector<16xf32>
      %parallel_loop3A_1047 = arith.addf %parallel_loop3A_1041, %parallel_loop3A_1042 : vector<16xf32>
      %parallel_loop3A_1048 = arith.addf %parallel_loop3A_1043, %parallel_loop3A_1044 : vector<16xf32>
      %parallel_loop3A_1049 = arith.addf %parallel_loop3A_1045, %parallel_loop3A_1046 : vector<16xf32>
      %parallel_loop3A_1050 = arith.addf %parallel_loop3A_1047, %parallel_loop3A_1048 : vector<16xf32>
      %parallel_loop3A_1051 = arith.addf %parallel_loop3A_1049, %parallel_loop3A_1050 : vector<16xf32>
      %parallel_loop3A_1052 = arith.subf %parallel_loop3A_808, %parallel_loop3A_1003 : vector<16xf32>
      %parallel_loop3A_1053 = math.exp %parallel_loop3A_1052 : vector<16xf32>
      %parallel_loop3A_1054 = arith.mulf %parallel_loop3A_860, %parallel_loop3A_1053 : vector<16xf32>
      %parallel_loop3A_1055 = arith.addf %parallel_loop3A_1054, %parallel_loop3A_1051 : vector<16xf32>
      %parallel_loop3A_1056 = arith.constant 80 : i32
      %parallel_loop3A_1057 = arith.index_cast %parallel_loop3A_1056 : i32 to index
      %parallel_loop3A_1058 = arith.index_cast %parallel_loop3A_79 : i32 to index
      %parallel_loop3A_1059 = tpu.vector_load %arg5[%parallel_loop3A_1057, %parallel_loop3A_1058] {strides = array<i32>} : memref<81x640xf32, #tpu.memory_space<vmem>>, vector<16xf32>,
      %parallel_loop3A_1060 = arith.cmpf ogt, %parallel_loop3A_1059, %parallel_loop3A_1003 : vector<16xf32>
      %parallel_loop3A_1061 = arith.select %parallel_loop3A_1060, %parallel_loop3A_1059, %parallel_loop3A_1003 : vector<16xi1>, vector<16xf32>
      %parallel_loop3A_1062 = arith.constant 80 : i32
      %parallel_loop3A_1063 = vector.broadcast %parallel_loop3A_1062 : i32 to vector<16xi32>
      %parallel_loop3A_1064 = arith.select %parallel_loop3A_1060, %parallel_loop3A_1063, %parallel_loop3A_1004 : vector<16xi1>, vector<16xi32>
      %parallel_loop3A_1065 = arith.subf %parallel_loop3A_1059, %parallel_loop3A_1061 : vector<16xf32>
      %parallel_loop3A_1066 = math.exp %parallel_loop3A_1065 : vector<16xf32>
      %parallel_loop3A_1067 = arith.subf %parallel_loop3A_1003, %parallel_loop3A_1061 : vector<16xf32>
      %parallel_loop3A_1068 = math.exp %parallel_loop3A_1067 : vector<16xf32>
      %parallel_loop3A_1069 = arith.mulf %parallel_loop3A_1055, %parallel_loop3A_1068 : vector<16xf32>
      %parallel_loop3A_1070 = arith.addf %parallel_loop3A_1069, %parallel_loop3A_1066 : vector<16xf32>
      %parallel_loop3A_1071 = arith.constant 16 : i32
      %parallel_loop3A_1072 = arith.muli %parallel_loop3A_74, %parallel_loop3A_1071 : i32
      %parallel_loop3A_1073 = arith.addi %min3A_3, %parallel_loop3A_1072 : i32
      %parallel_loop3A_1074 = vector.broadcast %parallel_loop3A_1073 : i32 to vector<16xi32>
      %parallel_loop3A_1075 = arith.addi %parallel_loop3A_1074, %iota3A : vector<16xi32>
      %parallel_loop3A_1076 = arith.cmpf olt, %parallel_loop3A_1070, %parallel_loop3A_75 : vector<16xf32>
      %parallel_loop3A_1077 = arith.constant 20000 : i32
      %parallel_loop3A_1078 = vector.broadcast %parallel_loop3A_1077 : i32 to vector<16xi32>
      %parallel_loop3A_1079 = arith.cmpi slt, %parallel_loop3A_1075, %parallel_loop3A_1078 : vector<16xi32>
      %parallel_loop3A_1080 = arith.andi %parallel_loop3A_1076, %parallel_loop3A_1079 : vector<16xi1>
      %parallel_loop3A_1081 = arith.select %parallel_loop3A_1080, %parallel_loop3A_1070, %parallel_loop3A_75 : vector<16xi1>, vector<16xf32>
      %parallel_loop3A_1082 = arith.select %parallel_loop3A_1080, %parallel_loop3A_1075, %parallel_loop3A_76 : vector<16xi1>, vector<16xi32>
      %parallel_loop3A_1083 = arith.select %parallel_loop3A_1080, %parallel_loop3A_1064, %parallel_loop3A_77 : vector<16xi1>, vector<16xi32>
      scf.yield %parallel_loop3A_1081, %parallel_loop3A_1082, %parallel_loop3A_1083 : vector<16xf32>, vector<16xi32>, vector<16xi32>
    } {sc.loop_unroll_factor = 2 : i64, sc.parallel_access}
    %reduce_min3A = arith.constant true
    %reduce_min3A_12 = vector.broadcast %reduce_min3A : i1 to vector<16xi1>
    %reduce_min3A_13 = tpu.scan <min>, %parallel_loop3A_11#0 masked %reduce_min3A_12 : vector<16xf32>, vector<16xi1> -> vector<16xf32>
    %reduce_min3A_14 = vector.extract %reduce_min3A_13[15] : f32 from vector<16xf32>
    %eq3A = vector.broadcast %reduce_min3A_14 : f32 to vector<16xf32>
    %eq3A_15 = arith.cmpf oeq, %parallel_loop3A_11#0, %eq3A : vector<16xf32>
    %jit3A = arith.constant 1073741824 : i32
    %broadcast_in_dim3A_16 = vector.broadcast %jit3A : i32 to vector<16xi32>
    %select_n3A = arith.select %eq3A_15, %parallel_loop3A_11#1, %broadcast_in_dim3A_16 : vector<16xi1>, vector<16xi32>
    %reduce_min3A_17 = arith.constant true
    %reduce_min3A_18 = vector.broadcast %reduce_min3A_17 : i1 to vector<16xi1>
    %reduce_min3A_19 = arith.constant -2147483648 : i32
    %reduce_min3A_20 = vector.broadcast %reduce_min3A_19 : i32 to vector<16xi32>
    %reduce_min3A_21 = arith.xori %select_n3A, %reduce_min3A_20 : vector<16xi32>
    %reduce_min3A_22 = tpu.scan <min>, %reduce_min3A_21 masked %reduce_min3A_18 : vector<16xi32>, vector<16xi1> -> vector<16xi32>
    %reduce_min3A_23 = arith.xori %reduce_min3A_22, %reduce_min3A_20 : vector<16xi32>
    %reduce_min3A_24 = vector.extract %reduce_min3A_23[15] : i32 from vector<16xi32>
    %eq3A_25 = vector.broadcast %reduce_min3A_24 : i32 to vector<16xi32>
    %eq3A_26 = arith.cmpi eq, %select_n3A, %eq3A_25 : vector<16xi32>
    %jit3A_27 = arith.constant 1073741824 : i32
    %broadcast_in_dim3A_28 = vector.broadcast %jit3A_27 : i32 to vector<16xi32>
    %select_n3A_29 = arith.select %eq3A_26, %parallel_loop3A_11#2, %broadcast_in_dim3A_28 : vector<16xi1>, vector<16xi32>
    %reduce_min3A_30 = arith.constant true
    %reduce_min3A_31 = vector.broadcast %reduce_min3A_30 : i1 to vector<16xi1>
    %reduce_min3A_32 = arith.constant -2147483648 : i32
    %reduce_min3A_33 = vector.broadcast %reduce_min3A_32 : i32 to vector<16xi32>
    %reduce_min3A_34 = arith.xori %select_n3A_29, %reduce_min3A_33 : vector<16xi32>
    %reduce_min3A_35 = tpu.scan <min>, %reduce_min3A_34 masked %reduce_min3A_31 : vector<16xi32>, vector<16xi1> -> vector<16xi32>
    %reduce_min3A_36 = arith.xori %reduce_min3A_35, %reduce_min3A_33 : vector<16xi32>
    %reduce_min3A_37 = vector.extract %reduce_min3A_36[15] : i32 from vector<16xi32>
    %div3A = arith.constant 1.000000e+00 : f32
    %div3A_38 = vector.broadcast %div3A : f32 to vector<16xf32>
    %div3A_39 = arith.divf %div3A_38, %parallel_loop3A_11#0 : vector<16xf32>
    %broadcast_in_dim3A_40 = arith.constant 0xFF800000 : f32
    %broadcast_in_dim3A_41 = vector.broadcast %broadcast_in_dim3A_40 : f32 to vector<16xf32>
    %eq3A_42 = vector.broadcast %reduce_min3A_14 : f32 to vector<16xf32>
    %eq3A_43 = arith.cmpf oeq, %parallel_loop3A_11#0, %eq3A_42 : vector<16xf32>
    %eq3A_44 = vector.broadcast %reduce_min3A_24 : i32 to vector<16xi32>
    %eq3A_45 = arith.cmpi eq, %parallel_loop3A_11#1, %eq3A_44 : vector<16xi32>
    %and3A = arith.andi %eq3A_43, %eq3A_45 : vector<16xi1>
    %select_n3A_46 = arith.select %and3A, %div3A_39, %broadcast_in_dim3A_41 : vector<16xi1>, vector<16xf32>
    %reduce_max3A = arith.constant true
    %reduce_max3A_47 = vector.broadcast %reduce_max3A : i1 to vector<16xi1>
    %reduce_max3A_48 = tpu.scan <max>, %select_n3A_46 masked %reduce_max3A_47 : vector<16xf32>, vector<16xi1> -> vector<16xf32>
    %reduce_max3A_49 = vector.extract %reduce_max3A_48[15] : f32 from vector<16xf32>
    %eq3A_50 = arith.constant 0 : i32
    %eq3A_51 = vector.broadcast %eq3A_50 : i32 to vector<16xi32>
    %eq3A_52 = arith.cmpi eq, %iota3A, %eq3A_51 : vector<16xi32>
    %jit3A_53 = arith.constant 0.000000e+00 : f32
    %broadcast_in_dim3A_54 = vector.broadcast %reduce_max3A_49 : f32 to vector<16xf32>
    %broadcast_in_dim3A_55 = vector.broadcast %jit3A_53 : f32 to vector<16xf32>
    %select_n3A_56 = arith.select %eq3A_52, %broadcast_in_dim3A_54, %broadcast_in_dim3A_55 : vector<16xi1>, vector<16xf32>
    %swap3A = arith.constant 0 : index
    %swap3A_57 = tpu.vector_load %arg6[%swap3A] {strides = array<i32>} : memref<16xf32, #tpu.memory_space<vmem>>, vector<16xf32>,
    tpu.vector_store %arg6[%swap3A], %select_n3A_56 {strides = array<i32>} : memref<16xf32, #tpu.memory_space<vmem>>, vector<16xf32>,
    %eq3A_58 = arith.constant 0 : i32
    %eq3A_59 = vector.broadcast %eq3A_58 : i32 to vector<16xi32>
    %eq3A_60 = arith.cmpi eq, %iota3A, %eq3A_59 : vector<16xi32>
    %mul3A_61 = arith.constant 128 : i32
    %mul3A_62 = arith.muli %reduce_min3A_24, %mul3A_61 : i32
    %add3A_63 = arith.addi %mul3A_62, %reduce_min3A_37 : i32
    %jit3A_64 = arith.constant 0 : i32
    %broadcast_in_dim3A_65 = vector.broadcast %add3A_63 : i32 to vector<16xi32>
    %broadcast_in_dim3A_66 = vector.broadcast %jit3A_64 : i32 to vector<16xi32>
    %select_n3A_67 = arith.select %eq3A_60, %broadcast_in_dim3A_65, %broadcast_in_dim3A_66 : vector<16xi1>, vector<16xi32>
    %swap3A_68 = arith.constant 0 : index
    %swap3A_69 = tpu.vector_load %arg7[%swap3A_68] {strides = array<i32>} : memref<16xi32, #tpu.memory_space<vmem>>, vector<16xi32>,
    tpu.vector_store %arg7[%swap3A_68], %select_n3A_67 {strides = array<i32>} : memref<16xi32, #tpu.memory_space<vmem>>, vector<16xi32>,
    %mul3A_70 = arith.constant 16 : i32
    %mul3A_71 = arith.muli %add3A, %mul3A_70 : i32
    "tpu.region"() ({
      %run_scoped3A = tpu.sem_alloc : memref<!tpu.dma_semaphore, #tpu.memory_space<semaphore_mem>>
      %dma_start3A = tpu.memref_slice %arg3[%mul3A_71] : memref<512xf32, #tpu.memory_space<hbm>> -> memref<16xf32, #tpu.memory_space<hbm>>
      %dma_start3A_74 = tpu.memref_slice %arg3[%mul3A_71] : memref<512xf32, #tpu.memory_space<hbm>> -> memref<16xf32, #tpu.memory_space<hbm>>
      tpu.enqueue_dma source(%arg6 : memref<16xf32, #tpu.memory_space<vmem>>) target(%dma_start3A_74 : memref<16xf32, #tpu.memory_space<hbm>>) target_semaphore(%run_scoped3A : memref<!tpu.dma_semaphore, #tpu.memory_space<semaphore_mem>>)
      %dma_wait3A = tpu.memref_slice %arg3[%mul3A_71] : memref<512xf32, #tpu.memory_space<hbm>> -> memref<16xf32, #tpu.memory_space<hbm>>
      %dma_wait3A_75 = tpu.memref_slice %arg3[%mul3A_71] : memref<512xf32, #tpu.memory_space<hbm>> -> memref<16xf32, #tpu.memory_space<hbm>>
      tpu.wait_dma2 semaphore(%run_scoped3A : memref<!tpu.dma_semaphore, #tpu.memory_space<semaphore_mem>>) src(%arg6 : memref<16xf32, #tpu.memory_space<vmem>>) dst(%dma_wait3A_75 : memref<16xf32, #tpu.memory_space<hbm>>)
      tpu.yield
    }) : () -> ()
    %mul3A_72 = arith.constant 16 : i32
    %mul3A_73 = arith.muli %add3A, %mul3A_72 : i32
    "tpu.region"() ({
      %run_scoped3A = tpu.sem_alloc : memref<!tpu.dma_semaphore, #tpu.memory_space<semaphore_mem>>
      %dma_start3A = tpu.memref_slice %arg4[%mul3A_73] : memref<512xi32, #tpu.memory_space<hbm>> -> memref<16xi32, #tpu.memory_space<hbm>>
      %dma_start3A_74 = tpu.memref_slice %arg4[%mul3A_73] : memref<512xi32, #tpu.memory_space<hbm>> -> memref<16xi32, #tpu.memory_space<hbm>>
      tpu.enqueue_dma source(%arg7 : memref<16xi32, #tpu.memory_space<vmem>>) target(%dma_start3A_74 : memref<16xi32, #tpu.memory_space<hbm>>) target_semaphore(%run_scoped3A : memref<!tpu.dma_semaphore, #tpu.memory_space<semaphore_mem>>)
      %dma_wait3A = tpu.memref_slice %arg4[%mul3A_73] : memref<512xi32, #tpu.memory_space<hbm>> -> memref<16xi32, #tpu.memory_space<hbm>>
      %dma_wait3A_75 = tpu.memref_slice %arg4[%mul3A_73] : memref<512xi32, #tpu.memory_space<hbm>> -> memref<16xi32, #tpu.memory_space<hbm>>
      tpu.wait_dma2 semaphore(%run_scoped3A : memref<!tpu.dma_semaphore, #tpu.memory_space<semaphore_mem>>) src(%arg7 : memref<16xi32, #tpu.memory_space<vmem>>) dst(%dma_wait3A_75 : memref<16xi32, #tpu.memory_space<hbm>>)
      tpu.yield
    }) : () -> ()
    return
  }
}

module attributes {stable_mosaic.version = 14 : i64} {
  func.func @_decode_kernel(%arg0: memref<512xf32, #tpu.memory_space<vmem>>, %arg1: memref<512xi32, #tpu.memory_space<vmem>>, %arg2: memref<324x20000xf32, #tpu.memory_space<any>>, %arg3: memref<4x20000xf32, #tpu.memory_space<any>>, %arg4: memref<8x128xf32, #tpu.memory_space<vmem>>, %arg5: memref<8x128xf32, #tpu.memory_space<vmem>>, %arg6: memref<8x128xi32, #tpu.memory_space<vmem>>, %arg7: memref<8x128xf32, #tpu.memory_space<vmem>>, %arg8: memref<4x128xf32, #tpu.memory_space<vmem>>, %arg9: memref<!tpu.dma_semaphore, #tpu.memory_space<semaphore_mem>>, %arg10: memref<!tpu.dma_semaphore, #tpu.memory_space<semaphore_mem>>) attributes {dimension_semantics = [], scalar_prefetch = 0 : i64, scratch_operands = 4 : i64, tpu.core_type = #tpu.core_type<tc>} {
    %iota3A = tpu.iota {dimensions = array<i32: 1>} : vector<4x128xi32>
    %get3A = arith.constant 0 : index
    %get3A_0 = vector.load %arg0[%get3A] : memref<512xf32, #tpu.memory_space<vmem>>, vector<512xf32>
    %reshape3A = vector.shape_cast %get3A_0 : vector<512xf32> to vector<4x128xf32>
    %get3A_1 = arith.constant 0 : index
    %get3A_2 = vector.load %arg1[%get3A_1] : memref<512xi32, #tpu.memory_space<vmem>>, vector<512xi32>
    %reshape3A_3 = vector.shape_cast %get3A_2 : vector<512xi32> to vector<4x128xi32>
    %and3A = arith.constant 15 : i32
    %and3A_4 = vector.broadcast %and3A : i32 to vector<4x128xi32>
    %and3A_5 = arith.andi %iota3A, %and3A_4 : vector<4x128xi32>
    %eq3A = arith.constant 0 : i32
    %eq3A_6 = vector.broadcast %eq3A : i32 to vector<4x128xi32>
    %eq3A_7 = arith.cmpi eq, %and3A_5, %eq3A_6 : vector<4x128xi32>
    %jit3A = arith.constant 0xFF800000 : f32
    %broadcast_in_dim3A = vector.broadcast %jit3A : f32 to vector<4x128xf32>
    %select_n3A = arith.select %eq3A_7, %reshape3A, %broadcast_in_dim3A : vector<4x128xi1>, vector<4x128xf32>
    %reduce_max3A = vector.shape_cast %select_n3A : vector<4x128xf32> to vector<1x4x128xf32>
    %reduce_max3A_8 = arith.constant dense<0xFF800000> : vector<1xf32>
    %reduce_max3A_9 = vector.multi_reduction <maximumf>, %reduce_max3A, %reduce_max3A_8 [1, 2] : vector<1x4x128xf32> to vector<1xf32>
    %reduce_max3A_10 = vector.shape_cast %reduce_max3A_9 : vector<1xf32> to vector<1x1x1xf32>
    %reduce_max3A_11 = vector.extract %reduce_max3A_10[0, 0, 0] : f32 from vector<1x1x1xf32>
    %eq3A_12 = vector.broadcast %reduce_max3A_11 : f32 to vector<4x128xf32>
    %eq3A_13 = arith.cmpf oeq, %reshape3A, %eq3A_12 : vector<4x128xf32>
    %and3A_14 = arith.andi %eq3A_7, %eq3A_13 : vector<4x128xi1>
    %jit3A_15 = arith.constant 1073741824 : i32
    %broadcast_in_dim3A_16 = vector.broadcast %jit3A_15 : i32 to vector<4x128xi32>
    %select_n3A_17 = arith.select %and3A_14, %reshape3A_3, %broadcast_in_dim3A_16 : vector<4x128xi1>, vector<4x128xi32>
    %reduce_min3A = vector.shape_cast %select_n3A_17 : vector<4x128xi32> to vector<1x4x128xi32>
    %reduce_min3A_18 = arith.constant dense<2147483647> : vector<1xi32>
    %reduce_min3A_19 = vector.multi_reduction <minsi>, %reduce_min3A, %reduce_min3A_18 [1, 2] : vector<1x4x128xi32> to vector<1xi32>
    %reduce_min3A_20 = vector.shape_cast %reduce_min3A_19 : vector<1xi32> to vector<1x1x1xi32>
    %reduce_min3A_21 = vector.extract %reduce_min3A_20[0, 0, 0] : i32 from vector<1x1x1xi32>
    %shift_right_logical3A = arith.constant 7 : i32
    %shift_right_logical3A_22 = arith.shrui %reduce_min3A_21, %shift_right_logical3A : i32
    %and3A_23 = arith.constant 127 : i32
    %and3A_24 = arith.andi %reduce_min3A_21, %and3A_23 : i32
    %and3A_25 = arith.constant -128 : i32
    %and3A_26 = arith.andi %shift_right_logical3A_22, %and3A_25 : i32
    %multiple_of3A = tpu.assume_multiple %and3A_26, 128 : i32
    %sub3A = arith.subi %shift_right_logical3A_22, %multiple_of3A : i32
    %mul3A = arith.constant 4 : i32
    %mul3A_27 = arith.muli %mul3A, %and3A_24 : i32
    %and3A_28 = arith.constant -8 : i32
    %and3A_29 = arith.andi %mul3A_27, %and3A_28 : i32
    %multiple_of3A_30 = tpu.assume_multiple %and3A_29, 8 : i32
    %mul3A_31 = arith.constant 4 : i32
    %mul3A_32 = arith.muli %mul3A_31, %and3A_24 : i32
    %sub3A_33 = arith.subi %mul3A_32, %multiple_of3A_30 : i32
    %dma_start3A = tpu.memref_slice %arg2[%multiple_of3A_30, %multiple_of3A] : memref<324x20000xf32, #tpu.memory_space<any>> -> memref<8x128xf32, #tpu.memory_space<any>>
    tpu.enqueue_dma source(%dma_start3A : memref<8x128xf32, #tpu.memory_space<any>>) target(%arg7 : memref<8x128xf32, #tpu.memory_space<vmem>>) target_semaphore(%arg9 : memref<!tpu.dma_semaphore, #tpu.memory_space<semaphore_mem>>)
    %dma_start3A_34 = arith.constant 0 : i32
    %dma_start3A_35 = tpu.memref_slice %arg3[%dma_start3A_34, %multiple_of3A] : memref<4x20000xf32, #tpu.memory_space<any>> -> memref<4x128xf32, #tpu.memory_space<any>>
    tpu.enqueue_dma source(%dma_start3A_35 : memref<4x128xf32, #tpu.memory_space<any>>) target(%arg8 : memref<4x128xf32, #tpu.memory_space<vmem>>) target_semaphore(%arg10 : memref<!tpu.dma_semaphore, #tpu.memory_space<semaphore_mem>>)
    %dma_wait3A = tpu.memref_slice %arg2[%multiple_of3A_30, %multiple_of3A] : memref<324x20000xf32, #tpu.memory_space<any>> -> memref<8x128xf32, #tpu.memory_space<any>>
    tpu.wait_dma2 semaphore(%arg9 : memref<!tpu.dma_semaphore, #tpu.memory_space<semaphore_mem>>) src(%dma_wait3A : memref<8x128xf32, #tpu.memory_space<any>>) dst(%arg7 : memref<8x128xf32, #tpu.memory_space<vmem>>)
    %dma_wait3A_36 = arith.constant 0 : i32
    %dma_wait3A_37 = tpu.memref_slice %arg3[%dma_wait3A_36, %multiple_of3A] : memref<4x20000xf32, #tpu.memory_space<any>> -> memref<4x128xf32, #tpu.memory_space<any>>
    tpu.wait_dma2 semaphore(%arg10 : memref<!tpu.dma_semaphore, #tpu.memory_space<semaphore_mem>>) src(%dma_wait3A_37 : memref<4x128xf32, #tpu.memory_space<any>>) dst(%arg8 : memref<4x128xf32, #tpu.memory_space<vmem>>)
    %iota3A_38 = tpu.iota {dimensions = array<i32: 0>} : vector<8x128xi32>
    %iota3A_39 = tpu.iota {dimensions = array<i32: 1>} : vector<8x128xi32>
    %iota3A_40 = tpu.iota {dimensions = array<i32: 0>} : vector<4x128xi32>
    %iota3A_41 = tpu.iota {dimensions = array<i32: 1>} : vector<4x128xi32>
    %get3A_42 = arith.constant 0 : index
    %get3A_43 = arith.constant 0 : index
    %get3A_44 = vector.load %arg7[%get3A_42, %get3A_43] : memref<8x128xf32, #tpu.memory_space<vmem>>, vector<8x128xf32>
    %get3A_45 = arith.constant 0 : index
    %get3A_46 = arith.constant 0 : index
    %get3A_47 = vector.load %arg8[%get3A_45, %get3A_46] : memref<4x128xf32, #tpu.memory_space<vmem>>, vector<4x128xf32>
    %add3A = arith.constant 0 : i32
    %add3A_48 = arith.addi %sub3A_33, %add3A : i32
    %eq3A_49 = vector.broadcast %add3A_48 : i32 to vector<8x128xi32>
    %eq3A_50 = arith.cmpi eq, %iota3A_38, %eq3A_49 : vector<8x128xi32>
    %eq3A_51 = vector.broadcast %sub3A : i32 to vector<8x128xi32>
    %eq3A_52 = arith.cmpi eq, %iota3A_39, %eq3A_51 : vector<8x128xi32>
    %and3A_53 = arith.andi %eq3A_50, %eq3A_52 : vector<8x128xi1>
    %jit3A_54 = arith.constant 0.000000e+00 : f32
    %broadcast_in_dim3A_55 = vector.broadcast %jit3A_54 : f32 to vector<8x128xf32>
    %select_n3A_56 = arith.select %and3A_53, %get3A_44, %broadcast_in_dim3A_55 : vector<8x128xi1>, vector<8x128xf32>
    %reduce_sum3A = vector.shape_cast %select_n3A_56 : vector<8x128xf32> to vector<1x8x128xf32>
    %reduce_sum3A_57 = arith.constant dense<0.000000e+00> : vector<1xf32>
    %reduce_sum3A_58 = vector.multi_reduction <add>, %reduce_sum3A, %reduce_sum3A_57 [1, 2] : vector<1x8x128xf32> to vector<1xf32>
    %reduce_sum3A_59 = vector.shape_cast %reduce_sum3A_58 : vector<1xf32> to vector<1x1x1xf32>
    %reduce_sum3A_60 = vector.extract %reduce_sum3A_59[0, 0, 0] : f32 from vector<1x1x1xf32>
    %div3A = arith.constant 1.000000e+01 : f32
    %div3A_61 = arith.divf %reduce_sum3A_60, %div3A : f32
    %add3A_62 = arith.constant 1 : i32
    %add3A_63 = arith.addi %sub3A_33, %add3A_62 : i32
    %eq3A_64 = vector.broadcast %add3A_63 : i32 to vector<8x128xi32>
    %eq3A_65 = arith.cmpi eq, %iota3A_38, %eq3A_64 : vector<8x128xi32>
    %eq3A_66 = vector.broadcast %sub3A : i32 to vector<8x128xi32>
    %eq3A_67 = arith.cmpi eq, %iota3A_39, %eq3A_66 : vector<8x128xi32>
    %and3A_68 = arith.andi %eq3A_65, %eq3A_67 : vector<8x128xi1>
    %jit3A_69 = arith.constant 0.000000e+00 : f32
    %broadcast_in_dim3A_70 = vector.broadcast %jit3A_69 : f32 to vector<8x128xf32>
    %select_n3A_71 = arith.select %and3A_68, %get3A_44, %broadcast_in_dim3A_70 : vector<8x128xi1>, vector<8x128xf32>
    %reduce_sum3A_72 = vector.shape_cast %select_n3A_71 : vector<8x128xf32> to vector<1x8x128xf32>
    %reduce_sum3A_73 = arith.constant dense<0.000000e+00> : vector<1xf32>
    %reduce_sum3A_74 = vector.multi_reduction <add>, %reduce_sum3A_72, %reduce_sum3A_73 [1, 2] : vector<1x8x128xf32> to vector<1xf32>
    %reduce_sum3A_75 = vector.shape_cast %reduce_sum3A_74 : vector<1xf32> to vector<1x1x1xf32>
    %reduce_sum3A_76 = vector.extract %reduce_sum3A_75[0, 0, 0] : f32 from vector<1x1x1xf32>
    %div3A_77 = arith.constant 1.000000e+01 : f32
    %div3A_78 = arith.divf %reduce_sum3A_76, %div3A_77 : f32
    %add3A_79 = arith.constant 2 : i32
    %add3A_80 = arith.addi %sub3A_33, %add3A_79 : i32
    %eq3A_81 = vector.broadcast %add3A_80 : i32 to vector<8x128xi32>
    %eq3A_82 = arith.cmpi eq, %iota3A_38, %eq3A_81 : vector<8x128xi32>
    %eq3A_83 = vector.broadcast %sub3A : i32 to vector<8x128xi32>
    %eq3A_84 = arith.cmpi eq, %iota3A_39, %eq3A_83 : vector<8x128xi32>
    %and3A_85 = arith.andi %eq3A_82, %eq3A_84 : vector<8x128xi1>
    %jit3A_86 = arith.constant 0.000000e+00 : f32
    %broadcast_in_dim3A_87 = vector.broadcast %jit3A_86 : f32 to vector<8x128xf32>
    %select_n3A_88 = arith.select %and3A_85, %get3A_44, %broadcast_in_dim3A_87 : vector<8x128xi1>, vector<8x128xf32>
    %reduce_sum3A_89 = vector.shape_cast %select_n3A_88 : vector<8x128xf32> to vector<1x8x128xf32>
    %reduce_sum3A_90 = arith.constant dense<0.000000e+00> : vector<1xf32>
    %reduce_sum3A_91 = vector.multi_reduction <add>, %reduce_sum3A_89, %reduce_sum3A_90 [1, 2] : vector<1x8x128xf32> to vector<1xf32>
    %reduce_sum3A_92 = vector.shape_cast %reduce_sum3A_91 : vector<1xf32> to vector<1x1x1xf32>
    %reduce_sum3A_93 = vector.extract %reduce_sum3A_92[0, 0, 0] : f32 from vector<1x1x1xf32>
    %div3A_94 = arith.constant 5.000000e+00 : f32
    %div3A_95 = arith.divf %reduce_sum3A_93, %div3A_94 : f32
    %min3A = arith.constant 4.13516665 : f32
    %min3A_96 = arith.minimumf %div3A_95, %min3A : f32
    %add3A_97 = arith.constant 3 : i32
    %add3A_98 = arith.addi %sub3A_33, %add3A_97 : i32
    %eq3A_99 = vector.broadcast %add3A_98 : i32 to vector<8x128xi32>
    %eq3A_100 = arith.cmpi eq, %iota3A_38, %eq3A_99 : vector<8x128xi32>
    %eq3A_101 = vector.broadcast %sub3A : i32 to vector<8x128xi32>
    %eq3A_102 = arith.cmpi eq, %iota3A_39, %eq3A_101 : vector<8x128xi32>
    %and3A_103 = arith.andi %eq3A_100, %eq3A_102 : vector<8x128xi1>
    %jit3A_104 = arith.constant 0.000000e+00 : f32
    %broadcast_in_dim3A_105 = vector.broadcast %jit3A_104 : f32 to vector<8x128xf32>
    %select_n3A_106 = arith.select %and3A_103, %get3A_44, %broadcast_in_dim3A_105 : vector<8x128xi1>, vector<8x128xf32>
    %reduce_sum3A_107 = vector.shape_cast %select_n3A_106 : vector<8x128xf32> to vector<1x8x128xf32>
    %reduce_sum3A_108 = arith.constant dense<0.000000e+00> : vector<1xf32>
    %reduce_sum3A_109 = vector.multi_reduction <add>, %reduce_sum3A_107, %reduce_sum3A_108 [1, 2] : vector<1x8x128xf32> to vector<1xf32>
    %reduce_sum3A_110 = vector.shape_cast %reduce_sum3A_109 : vector<1xf32> to vector<1x1x1xf32>
    %reduce_sum3A_111 = vector.extract %reduce_sum3A_110[0, 0, 0] : f32 from vector<1x1x1xf32>
    %div3A_112 = arith.constant 5.000000e+00 : f32
    %div3A_113 = arith.divf %reduce_sum3A_111, %div3A_112 : f32
    %min3A_114 = arith.constant 4.13516665 : f32
    %min3A_115 = arith.minimumf %div3A_113, %min3A_114 : f32
    %eq3A_116 = arith.constant 0 : i32
    %eq3A_117 = vector.broadcast %eq3A_116 : i32 to vector<4x128xi32>
    %eq3A_118 = arith.cmpi eq, %iota3A_40, %eq3A_117 : vector<4x128xi32>
    %eq3A_119 = vector.broadcast %sub3A : i32 to vector<4x128xi32>
    %eq3A_120 = arith.cmpi eq, %iota3A_41, %eq3A_119 : vector<4x128xi32>
    %and3A_121 = arith.andi %eq3A_118, %eq3A_120 : vector<4x128xi1>
    %jit3A_122 = arith.constant 0.000000e+00 : f32
    %broadcast_in_dim3A_123 = vector.broadcast %jit3A_122 : f32 to vector<4x128xf32>
    %select_n3A_124 = arith.select %and3A_121, %get3A_47, %broadcast_in_dim3A_123 : vector<4x128xi1>, vector<4x128xf32>
    %reduce_sum3A_125 = vector.shape_cast %select_n3A_124 : vector<4x128xf32> to vector<1x4x128xf32>
    %reduce_sum3A_126 = arith.constant dense<0.000000e+00> : vector<1xf32>
    %reduce_sum3A_127 = vector.multi_reduction <add>, %reduce_sum3A_125, %reduce_sum3A_126 [1, 2] : vector<1x4x128xf32> to vector<1xf32>
    %reduce_sum3A_128 = vector.shape_cast %reduce_sum3A_127 : vector<1xf32> to vector<1x1x1xf32>
    %reduce_sum3A_129 = vector.extract %reduce_sum3A_128[0, 0, 0] : f32 from vector<1x1x1xf32>
    %eq3A_130 = arith.constant 1 : i32
    %eq3A_131 = vector.broadcast %eq3A_130 : i32 to vector<4x128xi32>
    %eq3A_132 = arith.cmpi eq, %iota3A_40, %eq3A_131 : vector<4x128xi32>
    %eq3A_133 = vector.broadcast %sub3A : i32 to vector<4x128xi32>
    %eq3A_134 = arith.cmpi eq, %iota3A_41, %eq3A_133 : vector<4x128xi32>
    %and3A_135 = arith.andi %eq3A_132, %eq3A_134 : vector<4x128xi1>
    %jit3A_136 = arith.constant 0.000000e+00 : f32
    %broadcast_in_dim3A_137 = vector.broadcast %jit3A_136 : f32 to vector<4x128xf32>
    %select_n3A_138 = arith.select %and3A_135, %get3A_47, %broadcast_in_dim3A_137 : vector<4x128xi1>, vector<4x128xf32>
    %reduce_sum3A_139 = vector.shape_cast %select_n3A_138 : vector<4x128xf32> to vector<1x4x128xf32>
    %reduce_sum3A_140 = arith.constant dense<0.000000e+00> : vector<1xf32>
    %reduce_sum3A_141 = vector.multi_reduction <add>, %reduce_sum3A_139, %reduce_sum3A_140 [1, 2] : vector<1x4x128xf32> to vector<1xf32>
    %reduce_sum3A_142 = vector.shape_cast %reduce_sum3A_141 : vector<1xf32> to vector<1x1x1xf32>
    %reduce_sum3A_143 = vector.extract %reduce_sum3A_142[0, 0, 0] : f32 from vector<1x1x1xf32>
    %eq3A_144 = arith.constant 2 : i32
    %eq3A_145 = vector.broadcast %eq3A_144 : i32 to vector<4x128xi32>
    %eq3A_146 = arith.cmpi eq, %iota3A_40, %eq3A_145 : vector<4x128xi32>
    %eq3A_147 = vector.broadcast %sub3A : i32 to vector<4x128xi32>
    %eq3A_148 = arith.cmpi eq, %iota3A_41, %eq3A_147 : vector<4x128xi32>
    %and3A_149 = arith.andi %eq3A_146, %eq3A_148 : vector<4x128xi1>
    %jit3A_150 = arith.constant 0.000000e+00 : f32
    %broadcast_in_dim3A_151 = vector.broadcast %jit3A_150 : f32 to vector<4x128xf32>
    %select_n3A_152 = arith.select %and3A_149, %get3A_47, %broadcast_in_dim3A_151 : vector<4x128xi1>, vector<4x128xf32>
    %reduce_sum3A_153 = vector.shape_cast %select_n3A_152 : vector<4x128xf32> to vector<1x4x128xf32>
    %reduce_sum3A_154 = arith.constant dense<0.000000e+00> : vector<1xf32>
    %reduce_sum3A_155 = vector.multi_reduction <add>, %reduce_sum3A_153, %reduce_sum3A_154 [1, 2] : vector<1x4x128xf32> to vector<1xf32>
    %reduce_sum3A_156 = vector.shape_cast %reduce_sum3A_155 : vector<1xf32> to vector<1x1x1xf32>
    %reduce_sum3A_157 = vector.extract %reduce_sum3A_156[0, 0, 0] : f32 from vector<1x1x1xf32>
    %eq3A_158 = arith.constant 3 : i32
    %eq3A_159 = vector.broadcast %eq3A_158 : i32 to vector<4x128xi32>
    %eq3A_160 = arith.cmpi eq, %iota3A_40, %eq3A_159 : vector<4x128xi32>
    %eq3A_161 = vector.broadcast %sub3A : i32 to vector<4x128xi32>
    %eq3A_162 = arith.cmpi eq, %iota3A_41, %eq3A_161 : vector<4x128xi32>
    %and3A_163 = arith.andi %eq3A_160, %eq3A_162 : vector<4x128xi1>
    %jit3A_164 = arith.constant 0.000000e+00 : f32
    %broadcast_in_dim3A_165 = vector.broadcast %jit3A_164 : f32 to vector<4x128xf32>
    %select_n3A_166 = arith.select %and3A_163, %get3A_47, %broadcast_in_dim3A_165 : vector<4x128xi1>, vector<4x128xf32>
    %reduce_sum3A_167 = vector.shape_cast %select_n3A_166 : vector<4x128xf32> to vector<1x4x128xf32>
    %reduce_sum3A_168 = arith.constant dense<0.000000e+00> : vector<1xf32>
    %reduce_sum3A_169 = vector.multi_reduction <add>, %reduce_sum3A_167, %reduce_sum3A_168 [1, 2] : vector<1x4x128xf32> to vector<1xf32>
    %reduce_sum3A_170 = vector.shape_cast %reduce_sum3A_169 : vector<1xf32> to vector<1x1x1xf32>
    %reduce_sum3A_171 = vector.extract %reduce_sum3A_170[0, 0, 0] : f32 from vector<1x1x1xf32>
    %sub3A_172 = arith.subf %reduce_sum3A_157, %reduce_sum3A_129 : f32
    %add3A_173 = arith.constant 1.000000e+00 : f32
    %add3A_174 = arith.addf %sub3A_172, %add3A_173 : f32
    %sub3A_175 = arith.subf %reduce_sum3A_171, %reduce_sum3A_143 : f32
    %add3A_176 = arith.constant 1.000000e+00 : f32
    %add3A_177 = arith.addf %sub3A_175, %add3A_176 : f32
    %mul3A_178 = arith.constant 5.000000e-01 : f32
    %mul3A_179 = arith.mulf %mul3A_178, %add3A_174 : f32
    %add3A_180 = arith.addf %reduce_sum3A_129, %mul3A_179 : f32
    %mul3A_181 = arith.constant 5.000000e-01 : f32
    %mul3A_182 = arith.mulf %mul3A_181, %add3A_177 : f32
    %add3A_183 = arith.addf %reduce_sum3A_143, %mul3A_182 : f32
    %exp3A = math.exp %min3A_96 : f32
    %mul3A_184 = arith.mulf %exp3A, %add3A_174 : f32
    %exp3A_185 = math.exp %min3A_115 : f32
    %mul3A_186 = arith.mulf %exp3A_185, %add3A_177 : f32
    %mul3A_187 = arith.mulf %div3A_61, %add3A_174 : f32
    %add3A_188 = arith.addf %mul3A_187, %add3A_180 : f32
    %mul3A_189 = arith.mulf %div3A_78, %add3A_177 : f32
    %add3A_190 = arith.addf %mul3A_189, %add3A_183 : f32
    %mul3A_191 = arith.constant 5.000000e-01 : f32
    %mul3A_192 = arith.mulf %mul3A_191, %mul3A_184 : f32
    %sub3A_193 = arith.subf %add3A_188, %mul3A_192 : f32
    %max3A = arith.constant 0.000000e+00 : f32
    %max3A_194 = arith.maximumf %sub3A_193, %max3A : f32
    %min3A_195 = arith.constant 1.332000e+03 : f32
    %min3A_196 = arith.minimumf %max3A_194, %min3A_195 : f32
    %mul3A_197 = arith.constant 5.000000e-01 : f32
    %mul3A_198 = arith.mulf %mul3A_197, %mul3A_186 : f32
    %sub3A_199 = arith.subf %add3A_190, %mul3A_198 : f32
    %max3A_200 = arith.constant 0.000000e+00 : f32
    %max3A_201 = arith.maximumf %sub3A_199, %max3A_200 : f32
    %min3A_202 = arith.constant 7.990000e+02 : f32
    %min3A_203 = arith.minimumf %max3A_201, %min3A_202 : f32
    %mul3A_204 = arith.constant 5.000000e-01 : f32
    %mul3A_205 = arith.mulf %mul3A_204, %mul3A_184 : f32
    %add3A_206 = arith.addf %add3A_188, %mul3A_205 : f32
    %sub3A_207 = arith.constant 1.000000e+00 : f32
    %sub3A_208 = arith.subf %add3A_206, %sub3A_207 : f32
    %max3A_209 = arith.constant 0.000000e+00 : f32
    %max3A_210 = arith.maximumf %sub3A_208, %max3A_209 : f32
    %min3A_211 = arith.constant 1.332000e+03 : f32
    %min3A_212 = arith.minimumf %max3A_210, %min3A_211 : f32
    %mul3A_213 = arith.constant 5.000000e-01 : f32
    %mul3A_214 = arith.mulf %mul3A_213, %mul3A_186 : f32
    %add3A_215 = arith.addf %add3A_190, %mul3A_214 : f32
    %sub3A_216 = arith.constant 1.000000e+00 : f32
    %sub3A_217 = arith.subf %add3A_215, %sub3A_216 : f32
    %max3A_218 = arith.constant 0.000000e+00 : f32
    %max3A_219 = arith.maximumf %sub3A_217, %max3A_218 : f32
    %min3A_220 = arith.constant 7.990000e+02 : f32
    %min3A_221 = arith.minimumf %max3A_219, %min3A_220 : f32
    %iota3A_222 = tpu.iota {dimensions = array<i32: 1>} : vector<8x128xi32>
    %eq3A_223 = arith.constant 0 : i32
    %eq3A_224 = vector.broadcast %eq3A_223 : i32 to vector<8x128xi32>
    %eq3A_225 = arith.cmpi eq, %iota3A_222, %eq3A_224 : vector<8x128xi32>
    %eq3A_226 = arith.constant 1 : i32
    %eq3A_227 = vector.broadcast %eq3A_226 : i32 to vector<8x128xi32>
    %eq3A_228 = arith.cmpi eq, %iota3A_222, %eq3A_227 : vector<8x128xi32>
    %eq3A_229 = arith.constant 2 : i32
    %eq3A_230 = vector.broadcast %eq3A_229 : i32 to vector<8x128xi32>
    %eq3A_231 = arith.cmpi eq, %iota3A_222, %eq3A_230 : vector<8x128xi32>
    %eq3A_232 = arith.constant 3 : i32
    %eq3A_233 = vector.broadcast %eq3A_232 : i32 to vector<8x128xi32>
    %eq3A_234 = arith.cmpi eq, %iota3A_222, %eq3A_233 : vector<8x128xi32>
    %jit3A_235 = arith.constant 0.000000e+00 : f32
    %broadcast_in_dim3A_236 = vector.broadcast %min3A_221 : f32 to vector<8x128xf32>
    %broadcast_in_dim3A_237 = vector.broadcast %jit3A_235 : f32 to vector<8x128xf32>
    %select_n3A_238 = arith.select %eq3A_234, %broadcast_in_dim3A_236, %broadcast_in_dim3A_237 : vector<8x128xi1>, vector<8x128xf32>
    %broadcast_in_dim3A_239 = vector.broadcast %min3A_212 : f32 to vector<8x128xf32>
    %select_n3A_240 = arith.select %eq3A_231, %broadcast_in_dim3A_239, %select_n3A_238 : vector<8x128xi1>, vector<8x128xf32>
    %broadcast_in_dim3A_241 = vector.broadcast %min3A_203 : f32 to vector<8x128xf32>
    %select_n3A_242 = arith.select %eq3A_228, %broadcast_in_dim3A_241, %select_n3A_240 : vector<8x128xi1>, vector<8x128xf32>
    %broadcast_in_dim3A_243 = vector.broadcast %min3A_196 : f32 to vector<8x128xf32>
    %select_n3A_244 = arith.select %eq3A_225, %broadcast_in_dim3A_243, %select_n3A_242 : vector<8x128xi1>, vector<8x128xf32>
    %swap3A = arith.constant 0 : index
    %swap3A_245 = arith.constant 0 : index
    %swap3A_246 = vector.load %arg4[%swap3A, %swap3A_245] : memref<8x128xf32, #tpu.memory_space<vmem>>, vector<8x128xf32>
    tpu.vector_store %arg4[%swap3A, %swap3A_245], %select_n3A_244 {strides = array<i32>} : memref<8x128xf32, #tpu.memory_space<vmem>>, vector<8x128xf32>,
    %eq3A_247 = arith.constant 0 : i32
    %eq3A_248 = vector.broadcast %eq3A_247 : i32 to vector<8x128xi32>
    %eq3A_249 = arith.cmpi eq, %iota3A_222, %eq3A_248 : vector<8x128xi32>
    %jit3A_250 = arith.constant 0.000000e+00 : f32
    %broadcast_in_dim3A_251 = vector.broadcast %reduce_max3A_11 : f32 to vector<8x128xf32>
    %broadcast_in_dim3A_252 = vector.broadcast %jit3A_250 : f32 to vector<8x128xf32>
    %select_n3A_253 = arith.select %eq3A_249, %broadcast_in_dim3A_251, %broadcast_in_dim3A_252 : vector<8x128xi1>, vector<8x128xf32>
    %swap3A_254 = arith.constant 0 : index
    %swap3A_255 = arith.constant 0 : index
    %swap3A_256 = vector.load %arg5[%swap3A_254, %swap3A_255] : memref<8x128xf32, #tpu.memory_space<vmem>>, vector<8x128xf32>
    tpu.vector_store %arg5[%swap3A_254, %swap3A_255], %select_n3A_253 {strides = array<i32>} : memref<8x128xf32, #tpu.memory_space<vmem>>, vector<8x128xf32>,
    %eq3A_257 = arith.constant 0 : i32
    %eq3A_258 = vector.broadcast %eq3A_257 : i32 to vector<8x128xi32>
    %eq3A_259 = arith.cmpi eq, %iota3A_222, %eq3A_258 : vector<8x128xi32>
    %jit3A_260 = arith.constant 0 : i32
    %broadcast_in_dim3A_261 = vector.broadcast %and3A_24 : i32 to vector<8x128xi32>
    %broadcast_in_dim3A_262 = vector.broadcast %jit3A_260 : i32 to vector<8x128xi32>
    %select_n3A_263 = arith.select %eq3A_259, %broadcast_in_dim3A_261, %broadcast_in_dim3A_262 : vector<8x128xi1>, vector<8x128xi32>
    %swap3A_264 = arith.constant 0 : index
    %swap3A_265 = arith.constant 0 : index
    %swap3A_266 = vector.load %arg6[%swap3A_264, %swap3A_265] : memref<8x128xi32, #tpu.memory_space<vmem>>, vector<8x128xi32>
    tpu.vector_store %arg6[%swap3A_264, %swap3A_265], %select_n3A_263 {strides = array<i32>} : memref<8x128xi32, #tpu.memory_space<vmem>>, vector<8x128xi32>,
    return
  }
}

</mosaic_0001>

<sc_bundles>
// kernel: kernel.4.cloned.1.call-start
scs
__scs_entry_jumppad:
0x0: {  	(pc) =	sbr.rel $0x88, $3  }
0x1: {  	(tag) =	ssettag $0x0;
	lr =	simm.s32 $0x1  }
0x2: {  	[smem:$0x3F9E] =	sst lr;
	_ =	strace $0xD0000000  }
0x3: {  	_ = 	snop  }
0x4: {  	_ = 	snop  }
0x5: {  	_ = 	snop  }
0x6: {  	_ = 	snop  }
0x7: {  	_ = 	snop  }
__scs_overlays_trampoline_lowered:
0x8: {  	[smem:$0x3FAD] =	sst s0  }
0x9: {  	[smem:$0x3FAE] =	sst s1  }
0xa: {  	[smem:$0x3FAF] =	sst s2  }
0xb: {  	[smem:$0x3FB0] =	sst s3  }
0xc: {  	[smem:$0x3FB1] =	sst s4  }
0xd: {  	[smem:$0x3FB2] =	sst s5  }
0xe: {  	[smem:$0x3FB3] =	sst s6  }
0xf: {  	[smem:$0x3FB4] =	sst s7  }
0x10: {  	[smem:$0x3FB5] =	sst s8  }
0x11: {  	[smem:$0x3FB6] =	sst s9;
	s0 =	simm.s32 @!p0 $0x0  }
0x12: {  	s1 =	sld [smem:$0x3F9C];
	s0 =	simm.s32 @p0 $0x1  }
0x13: {  	[smem:$0x3FB7] =	sst s0;
	s0 =	simm.s32 @!p1 $0x0  }
0x14: {  	s2 =	sld [smem:$0x3F9B];
	s0 =	simm.s32 @p1 $0x1  }
0x15: {  	[smem:$0x3FB8] =	sst s0;
	s0 =	simm.s32 @!p2 $0x0  }
0x16: {  	s3 =	sld [smem:$0x3FDB];
	s0 =	simm.s32 @p2 $0x1  }
0x17: {  	s4 =	simm.s32 $0x1BF5;
	[smem:$0x3FBA] =	sst s0  }
0x18: {  	s0 =	sld [smem:$0x3F9D];
	_ =	swait.ge [sflag:s4], $0x0  }
0x19: {  	s7 =	sld [smem:$0x3F9E]  }
0x1a: {  	s8 =	sadd.s32 $0xFFFFE003, lr  }
0x1b: {  	s9 =	sadd.s32 $0xFFFFFEF7, lr;
	s5 =	simm.s32 $0xFFFFFFFF;
	p2 =	slt.u32 s8, $0xFFFFF086  }
0x1c: {  	p1 =	slt.u32 s9, $0xF7A;
	s5 =	simm.s32 @!p2 $0x0  }
0x1d: {  	s5 =	simm.s32 @p1 $0x1;
	p0 =	seq.s32 s7, s2  }
0x1e: {  	s7 =	smul.u32 @!p0 $0xF7A, s2;
	p2 =	seq.s32 @!p0 s5, $0x0  }
0x1f: {  	s9 =	smul.u32 $0xF7A, s1;
	s8 =	simm.s32 @!p0 $0x1BF5;
	p2 =	por !p2, p0  }
0x20: {  	[sflag:s8] =	ssyncset.s32 @!p0 $0xFFFFF086;
	s6 =	sadd.s32 @!p0 s3, s7;
	s7 =	simm.s32 @!p0 $0x108  }
0x21: {  	s3 =	sadd.s32 s3, s9;
	s6 =	sadd.s32 @!p0 $0x88, s6;
	s7 =	simm.s32 @p2 $0x1082  }
0x22: {  	[simem:s7], [sflag:s8] =	dma.local @!p0 [hbm:s6], $0xF7A  }
0x23: {  	s9 =	sor.u32 $0xD0000000, s2;
	s6 =	simm.s32 $0x108;
	_ =	swait.ge @!p0 [sflag:s8], $0x0  }
0x24: {  	s3 =	sadd.s32 $0x88, s3;
	s6 =	simm.s32 @!p1 $0x1082;
	[sflag:s4] =	ssyncset.s32 $0xFFFFF086  }
0x25: {  	[simem:s6], [sflag:s4] =	dma.local [hbm:s3], $0xF7A  }
0x26: {  	[smem:$0x3F9E] =	sst s1;
	(tag) =	ssettag s2;
	_ =	strace s9  }
0x27: {  	s1 =	sld [smem:$0x3FAE]  }
0x28: {  	s2 =	sld [smem:$0x3FAF]  }
0x29: {  	s4 =	sld [smem:$0x3FB1]  }
0x2a: {  	p0 =	seq.s32 s5, $0x0;
	s5 =	sld [smem:$0x3FB2]  }
0x2b: {  	s6 =	sld [smem:$0x3FB3]  }
0x2c: {  	s7 =	sld [smem:$0x3FB4]  }
0x2d: {  	s3 =	simm.s32 $0x108;
	s8 =	sld [smem:$0x3FB5]  }
0x2e: {  	s3 =	simm.s32 @!p0 $0x1082;
	s9 =	sld [smem:$0x3FB6]  }
0x2f: {  	lr =	sadd.s32 s0, s3;
	s0 =	sld [smem:$0x3FAD]  }
0x30: {  	s3 =	sld [smem:$0x3FB0]  }
0x31: {  	[smem:$0x3FB9] =	sst s10  }
0x32: {  	s10 =	sld [smem:$0x3FB7];
	_ =	sdelay $0x3  }
0x33: {  	p0 =	seq.s32 s10, $0x1;
	s10 =	sld [smem:$0x3FB9];
	_ =	sdelay $0x3  }
0x34: {  	[smem:$0x3FB9] =	sst s10  }
0x35: {  	s10 =	sld [smem:$0x3FB8];
	_ =	sdelay $0x3  }
0x36: {  	p1 =	seq.s32 s10, $0x1;
	s10 =	sld [smem:$0x3FB9];
	_ =	sdelay $0x3  }
0x37: {  	[smem:$0x3FB9] =	sst s10  }
0x38: {  	s10 =	sld [smem:$0x3FBA]  }
0x39: {  	_ = 	snop;
	(pc) =	sbr.ind lr, $3  }
0x3a: {  	_ = 	snop  }
0x3b: {  	_ = 	snop  }
0x3c: {  	p2 =	seq.s32 s10, $0x1;
	s10 =	sld [smem:$0x3FB9]  }
0x3d: {  	_ =	shalt  }
0x3e: {  	_ =	shalt  }
0x3f: {  	_ =	shalt  }
0x40: {  	_ =	shalt  }
0x41: {  	_ =	shalt  }
0x42: {  	_ =	shalt  }
0x43: {  	_ =	shalt  }
0x44: {  	_ =	shalt  }
0x45: {  	_ =	shalt  }
0x46: {  	_ =	shalt  }
0x47: {  	_ =	shalt  }
0x48: {  	_ =	shalt  }
0x49: {  	_ =	shalt  }
0x4a: {  	_ =	shalt  }
0x4b: {  	_ =	shalt  }
0x4c: {  	_ =	shalt  }
0x4d: {  	_ =	shalt  }
0x4e: {  	_ =	shalt  }
0x4f: {  	_ =	shalt  }
0x50: {  	_ =	shalt  }
0x51: {  	_ =	shalt  }
0x52: {  	_ =	shalt  }
0x53: {  	_ =	shalt  }
0x54: {  	_ =	shalt  }
0x55: {  	_ =	shalt  }
0x56: {  	_ =	shalt  }
0x57: {  	_ =	shalt  }
0x58: {  	_ =	shalt  }
0x59: {  	_ =	shalt  }
0x5a: {  	_ =	shalt  }
0x5b: {  	_ =	shalt  }
0x5c: {  	_ =	shalt  }
0x5d: {  	_ =	shalt  }
0x5e: {  	_ =	shalt  }
0x5f: {  	_ =	shalt  }
0x60: {  	_ =	shalt  }
0x61: {  	_ =	shalt  }
0x62: {  	_ =	shalt  }
0x63: {  	_ =	shalt  }
0x64: {  	_ =	shalt  }
0x65: {  	_ =	shalt  }
0x66: {  	_ =	shalt  }
0x67: {  	_ =	shalt  }
0x68: {  	_ =	shalt  }
0x69: {  	_ =	shalt  }
0x6a: {  	_ =	shalt  }
0x6b: {  	_ =	shalt  }
0x6c: {  	_ =	shalt  }
0x6d: {  	_ =	shalt  }
0x6e: {  	_ =	shalt  }
0x6f: {  	_ =	shalt  }
0x70: {  	_ =	shalt  }
0x71: {  	_ =	shalt  }
0x72: {  	_ =	shalt  }
0x73: {  	_ =	shalt  }
0x74: {  	_ =	shalt  }
0x75: {  	_ =	shalt  }
0x76: {  	_ =	shalt  }
0x77: {  	_ =	shalt  }
0x78: {  	_ =	shalt  }
0x79: {  	_ =	shalt  }
0x7a: {  	_ =	shalt  }
0x7b: {  	_ =	shalt  }
0x7c: {  	_ =	shalt  }
0x7d: {  	_ =	shalt  }
0x7e: {  	_ =	shalt  }
0x7f: {  	_ =	shalt  }
0x80: {  	_ =	shalt  }
0x81: {  	_ =	shalt  }
0x82: {  	_ =	shalt  }
0x83: {  	_ =	shalt  }
0x84: {  	_ =	shalt  }
0x85: {  	_ =	shalt  }
0x86: {  	_ =	shalt  }
0x87: {  	_ =	shalt  }
.Lfunc_end0:
.L_simem_size_0:
called_computation_lowered:
.L_overlay_start_0:
0x88: {  	s2 =	sld [smem:$0x3FD9]  }
0x89: {  	s3 =	sld [smem:$0x3FFE];
	_ =	sdelay $0x1  }
0x8a: {  	s1 =	srdreg.scid  }
0x8b: {  	s0 =	sand.u32 $0x1, s1  }
0x8c: {  	s17 =	sshll.u32 s0, $0xA;
	s2 =	sadd.s32 s3, s2  }
0x8d: {  	s2 =	sadd.s32 s2, s17  }
0x8e: {  	[smem:$0x3FC5] =	sst s2  }
0x8f: {  	_ = 	snop  }
0x90: {  	s2 =	sld [smem:$0x3FC9];
	(tm) =	ssettm $0x1  }
0x91: {  	s18 =	sld [smem:$0x3FFB];
	_ =	sdelay $0x3  }
0x92: {  	_ =	strace s18  }
0x93: {  	s3 =	sld [smem:$0x3FFC];
	_ =	sdelay $0x3  }
0x94: {  	_ =	strace s3  }
0x95: {  	s3 =	sld [smem:$0x3FFD];
	_ =	sdelay $0x3  }
0x96: {  	_ =	strace s3  }
0x97: {  	_ =	strace $0x8FFFFFFF  }
0x98: {  	s19 =	sld [smem:$0x3FDB];
	_ =	sdelay $0x1  }
0x99: {  	s4 =	simm.s32 $_scs_section_size  }
0x9a: {  	s5 =	simm.s32 $_size__tile_overlayer_lowered;
	s6 =	simm.s32 $_tile_overlayer_lowered  }
0x9b: {  	s22 =	simm.s32 $0x1BFF;
	s21 =	sshll.u32 s6, $0x1;
	s3 =	sadd.s32 s4, s19  }
0x9c: {  	s7 =	simm.s32 $0x0;
	s20 =	sshll.u32 s5, $0x1;
	s5 =	sadd.s32 s21, s3  }
0x9d: {  	[timem:s7], [sflag:s22] =	dma.local [hbm:s5], s20  }
0x9e: {  	_ =	swait.ge [sflag:s22], s20  }
0x9f: {  	s4 =	ssub.s32 $0x0, s20;
	[sflag:s22] =	ssyncset.done $0x0  }
0xa0: {  	[sflag:s22] =	ssyncadd.s32 s4;
	_ =	sdelay $0x1  }
0xa1: {  	s23 =	simm.s32 $0x1B8B  }
0xa2: {  	_ =	swait.ge [sflag:s23], $0x1  }
0xa3: {  	[sflag:s23] =	ssyncset.done $0x0  }
0xa4: {  	s25 =	simm.s32 $0x1B8E;
	s24 =	sld [smem:$0x3FFE];
	[sflag:s23] =	ssyncadd.s32 $0xFFFFFFFF  }
0xa5: {  	s26 =	simm.s32 $execute0_lowered;
	[smem:$0x3FD2] =	sst s25  }
0xa6: {  	s5 =	sshll.u32 s26, $0x1;
	_ =	strace $0x80000046;
	[dreg:$0x1] =	wrdreg $0xFFFFFFFF  }
0xa7: {  	s28 =	simm.s32 $_size_execute0_lowered;
	s3 =	sadd.s32 s3, s5;
	[dreg:$0x0] =	wrdreg $0x0  }
0xa8: {  	s5 =	sshll.u32 s28, $0x1;
	[dreg:$0x2] =	wrdreg s3  }
0xa9: {  	[dreg:$0x3] =	wrdreg s5  }
0xaa: {  	[dreg:$0x4] =	wrdreg $0xC0  }
0xab: {  	_ =	task [dreg:s7], $0x5FFFF  }
0xac: {  	[dreg:$0x1] =	wrdreg $0xFFFFFFFF  }
0xad: {  	[dreg:$0x0] =	wrdreg $0x60  }
0xae: {  	[dreg:$0x2] =	wrdreg s2  }
0xaf: {  	[dreg:$0x3] =	wrdreg s24  }
0xb0: {  	[dreg:$0x4] =	wrdreg $0x9  }
0xb1: {  	_ =	task.clear_ibuf [dreg:s7], $0x5FFFF;
	_ =	strace $0x90000046  }
0xb2: {  	s29 =	simm.s32 $0x9;
	_ =	strace $0x80000048  }
0xb3: {  	_ =	swait.ge [sflag:s29], $0x1  }
0xb4: {  	[sflag:s29] =	ssyncadd.s32 $0xFFFFFFFF  }
0xb5: {  	_ =	strace $0x90000048  }
0xb6: {  	_ =	sfence  }
0xb7: {  	s30 =	sld [smem:$0x0];
	_ =	sdelay $0x2  }
0xb8: {  	s31 =	sshll.u32 s1, $0xD;
	s1 =	sshrl.u32 s1, $0x2  }
0xb9: {  	s3 =	sand.u32 $0x4000, s31;
	s1 =	sadd.s32 s1, s30  }
0xba: {  	s0 =	sor.u32 s3, s0;
	s1 =	sshll.u32 s1, $0x11  }
0xbb: {  	s0 =	sor.u32 s1, s0  }
0xbc: {  	s0 =	sadd.s32 $0x8F2B, s0  }
0xbd: {  	[sflag:s0] =	ssyncadd.remote.s32 $0x1  }
0xbe: {  	_ =	sfence.sel $0xFFFF  }
0xbf: {  	[dreg:$0x0] =	wrdreg $0xFFFFFFFF;
	(pc) =	sbr.abs _section_cstart, $3  }
0xc0: {  	[dreg:$0x1] =	wrdreg $0xFFFFFFFF  }
0xc1: {  	_ =	task.clear_ibuf [dreg:s7], $0x2FFFF;
	_ =	strace $0x9FFFFFFF  }
0xc2: {  	(tm) =	ssettm $0x7FFFFFFF  }
0xc3: {  	_ =	shalt  }
tec
execute0_lowered:
.L_overlay_start_1:
0x0: {  	(tag) =	ssettag $0x1  }
0x1: {  	s0 =	srdreg.scid  }
0x2: {  	s1 =	rddreg [dreg:$0x0];
	s6 =	stileid.u32  }
0x3: {  	s3 =	rddreg [dreg:$0x1];
	s7 =	simm.s32 $0x0;
	s0 =	sand.u32 $0x1, s0  }
0x4: {  	v58 =	vimm.s32 $0x1;
	v59 =	vimm.s32 $0x3;
	v60 =	vimm.s32 $0x5;
	s2 =	sshll.u32 s0, $0x4;
	s5 =	smul.u32 $0x2800, s0;
	s0 =	ssub.s32 $0x2, s0  }
0x5: {  	v61 =	vimm.s32 $0x7;
	v62 =	vimm.s32 $0x9;
	v63 =	vimm.s32 $0xB;
	[smem:$0x7FF] =	sst s7;
	s2 =	sor.u32 s6, s2;
	s26 =	sshrl.u32 s0, $0x1  }
0x6: {  	v19 =	vimm.s32 $0xD;
	v35 =	vimm.s32 $0x10;
	v20 =	vimm.s32 $0x12;
	s4 =	smul.u32 $0x280, s2;
	s2 =	sshll.u32 s2, $0x1;
	s0 =	ssub.s32 s0, s26  }
0x7: {  	v36 =	vimm.s32 $0x14;
	v21 =	vimm.s32 $0x16;
	v37 =	vimm.s32 $0x18;
	s6 =	smul.u32 $0x280, s6;
	s2 =	sadd.s32 s2, s3;
	s0 =	smax.u32 s0, $0x1  }
0x8: {  	v22 =	vimm.s32 $0x1A;
	v38 =	vimm.s32 $0x1C;
	v23 =	vimm.s32 $0x1E;
	_ =	strace $0x80000047;
	s30 =	sadd.s32 $0x1000, s2;
	[dreg:$0x7] =	wrdreg s0  }
0x9: {  	v32 =	vimm.s32 $0x20;
	v33 =	vimm.s32 $0x22;
	v34 =	vimm.s32 $0x24;
	s29 =	sadd.s32 s6, s5;
	s2 =	sadd.s32 $0x1200, s2;
	[dreg:$0x5] =	wrdreg s30  }
0xa: {  	v39 =	vimm.s32 $0x26;
	v24 =	vimm.s32 $0x28;
	v25 =	vimm.s32 $0x2A;
	s28 =	smin.u32 s4, $0x4C00;
	s31 =	smin.u32 s29, $0x4C00;
	[dreg:$0x6] =	wrdreg s2  }
0xb: {  	v26 =	vimm.s32 $0x2C;
	v27 =	vimm.s32 $0x2E;
	v31 =	vimm.s32 $0x30;
	s1 =	sadd.s32 s1, s28;
	[dreg:$0x3] =	wrdreg s31  }
0xc: {  	v28 =	vimm.s32 $0x32;
	v29 =	vimm.s32 $0x34;
	v30 =	vimm.s32 $0x36;
	s3 =	simm.s32 $0x1;
	[dreg:$0x4] =	wrdreg s1;
	s1 =	simm.s32 $0x0  }
.LBB2_1:
0xd: {  	[dreg:$0x8] =	wrdreg s1  }
0xe: {  	s0 =	rddreg [dreg:$0x4];
	s31 =	simm.s32 $0x1400;
	s2 =	simm.s32 $0x27400  }
0xf: {  	[tilespmem:s7], [sflag:$0x1] =	stream.strided.gather [hbm4b:s0+s31], $0xDC00, s2, s31, $0x38;
	[tilespmem:$0xDD00] =	vst v63  }
0x10: {  	s29 =	simm.s32 $0xFFFFFFFE;
	_ =	swait.ge [sflag:s3], $0xDC00  }
0x11: {  	s14 =	simm.s32 $0x0;
	s15 =	simm.s32 $0x0;
	[sflag:s3] =	ssyncset.done $0x0  }
0x12: {  	v41 =	vimm.f32 $+Inf;
	v40 =	vimm.s32 $0x0;
	s16 =	simm.s32 $0x0;
	s17 =	simm.s32 $0x0;
	v42 =	vimm.s32 $0x1;
	[sflag:s3] =	ssyncadd.s32 $0xFFFF2400  }
.LBB2_2:
0x13: {  	s10 =	sand.u32 $0x60, s14;
	s11 =	sand.u32 $0x1C00, s17  }
0x14: {  	s0 =	sor.u32 s10, s11  }
0x15: {  	v0 =	vld [tilespmem:s0+$0x0]  }
0x16: {  	v1 =	vld [tilespmem:s0+$0x80]  }
0x17: {  	v2 =	vld [tilespmem:s0+$0x100]  }
0x18: {  	v3 =	vld [tilespmem:s0+$0x180]  }
0x19: {  	s1 =	sand.u32 $0x3, s15;
	s23 =	sor.u32 s14, s17;
	v4 =	vld [tilespmem:s0+$0x200]  }
0x1a: {  	s1 =	sshll.u32 s1, $0x5;
	s24 =	sor.u32 $0x380, s23;
	s13 =	sadd.s32 $0x1400, s11;
	v5 =	vld [tilespmem:s0+$0x280]  }
0x1b: {  	s1 =	sadd.s32 s1, s17;
	v7 =	vld [tilespmem:s24+$0x0];
	s25 =	sor.u32 s10, s13  }
0x1c: {  	s0 =	sadd.s32 $0x1480, s11;
	s22 =	sor.u32 $0x300, s1;
	v8 =	vld [tilespmem:s25+$0x0]  }
0x1d: {  	s2 =	sor.u32 s10, s0;
	s1 =	sadd.s32 $0x1500, s11;
	v6 =	vld [tilespmem:s22+$0x0]  }
0x1e: {  	v9 =	vld [tilespmem:s2+$0x0];
	s3 =	sor.u32 s10, s1;
	s2 =	sadd.s32 $0x1580, s11  }
0x1f: {  	v10 =	vld [tilespmem:s3+$0x0];
	s4 =	sor.u32 s10, s2;
	s3 =	sadd.s32 $0x1600, s11  }
0x20: {  	v11 =	vld [tilespmem:s4+$0x0];
	s5 =	sor.u32 s10, s3;
	s4 =	sadd.s32 $0x1680, s11  }
0x21: {  	v12 =	vld [tilespmem:s5+$0x0];
	s6 =	sor.u32 s10, s4;
	s5 =	sadd.s32 $0x1700, s11  }
0x22: {  	v13 =	vld [tilespmem:s6+$0x0];
	s26 =	sor.u32 s10, s5  }
0x23: {  	vm4 =	vgt.f32 v2, v1;
	s6 =	sadd.s32 $0x1780, s11;
	v14 =	vld [tilespmem:s26+$0x0]  }
0x24: {  	vm2 =	vgt.f32 v4, v3;
	v16 =	vsel vm4, v2, v1;
	s7 =	sor.u32 s10, s6  }
0x25: {  	v17 =	vsel vm2, v4, v3;
	vm0 =	vgt.f32 v8, v7;
	vm3 =	vgt.f32 v6, v5;
	v15 =	vld [tilespmem:s7+$0x0]  }
0x26: {  	vm10 =	vgt.f32 v17, v16;
	vm1 =	vgt.f32 v10, v9;
	vm6 =	vgt.f32 v12, v11  }
0x27: {  	v16 =	vsel vm10, v17, v16;
	v44 =	vsel vm1, v10, v9;
	v45 =	vsel vm6, v12, v11  }
0x28: {  	v17 =	vimm.s32 $0x0;
	vm9 =	vgt.f32 v14, v13;
	vm8 =	vgt.f32 v45, v44  }
0x29: {  	v43 =	vsel vm0, v8, v7;
	v46 =	vsel vm9, v14, v13;
	v17 =	vsel vm8, $0xFFFFFFFF, v17  }
0x2a: {  	v18 =	vsel vm3, v6, v5;
	[tilespmem:$0x1FE90] =	vst v17;
	vm5 =	vgt.f32 v15, v46;
	v17 =	vimm.s32 $0x0  }
0x2b: {  	v56 =	vimm.s32 $0x0;
	vm7 =	vgt.f32 v43, v18;
	v17 =	vsel vm5, $0xFFFFFFFF, v17  }
0x2c: {  	v55 =	vsel vm5, v15, v46;
	[tilespmem:$0x1FEA0] =	vst v17;
	v17 =	vsel vm7, v43, v18;
	v18 =	vsel vm8, v45, v44  }
0x2d: {  	v57 =	vimm.s32 $0x0;
	vm11 =	vgt.f32 v17, v16;
	vm5 =	vgt.f32 v55, v18  }
0x2e: {  	v44 =	vsel vm11, $0xFFFFFFFF, v56;
	v16 =	vsel vm11, v17, v16;
	v17 =	vsel vm5, v55, v18  }
0x2f: {  	[tilespmem:$0x1FEB0] =	vst v44;
	v44 =	vsel vm5, $0xFFFFFFFF, v57;
	vm5 =	vgt.f32 v17, v16  }
0x30: {  	v18 =	vimm.s32 $0x0;
	v16 =	vsel vm5, v17, v16  }
0x31: {  	v18 =	vsel vm5, $0xFFFFFFFF, v18;
	vm5 =	vlt.f32 v16, $-Inf;
	vm15 =	vgt.f32 v16, $-Inf  }
0x32: {  	vm5 =	vmor vm15, vm5  }
0x33: {  	v43 =	vnsel vm5, $0xFF800000, v16  }
0x34: {  	v0 =	vsub.f32 v0, v43;
	v1 =	vsub.f32 v1, v43  }
0x35: {  	s28 =	sadd.s32 $0x2800, s11;
	s31 =	sadd.s32 $0x2900, s11;
	v46 =	vsel vm2, $0x4, v59;
	v2 =	vsub.f32 v2, v43;
	v3 =	vsub.f32 v3, v43  }
0x36: {  	s8 =	sadd.s32 $0x2880, s11;
	[dreg:$0xa] =	wrdreg s31;
	s25 =	sadd.s32 $0x2B80, s11;
	v17 =	vimm.s32 $0x0;
	v4 =	vsub.f32 v4, v43;
	v5 =	vsub.f32 v5, v43  }
0x37: {  	s9 =	sor.u32 s10, s31;
	s31 =	sadd.s32 $0x3C80, s11;
	s26 =	sor.u32 s10, s25;
	v6 =	vsub.f32 v6, v43;
	v7 =	vsub.f32 v7, v43;
	v0 =	vmul.f32 $1.442695020e+00, v0  }
0x38: {  	[dreg:$0x9] =	wrdreg s8;
	s30 =	sor.u32 s10, s8;
	s8 =	sor.u32 s10, s31;
	v48 =	vsub.f32 v11, v43;
	v11 =	vld [tilespmem:s26+$0x0];
	v1 =	vmul.f32 $1.442695020e+00, v1;
	v2 =	vmul.f32 $1.442695020e+00, v2  }
0x39: {  	s7 =	sor.u32 s10, s28;
	v52 =	vsub.f32 v13, v43;
	v13 =	vld [tilespmem:s8+$0x0];
	v3 =	vmul.f32 $1.442695020e+00, v3;
	v4 =	vmul.f32 $1.442695020e+00, v4  }
0x3a: {  	v8 =	vsub.f32 v8, v43;
	v5 =	vmul.f32 $1.442695020e+00, v5;
	(erf) = vpow2.f32 v0;
	v0 =	vld [tilespmem:s7+$0x0]  }
0x3b: {  	[dreg:$0x14] =	wrdreg s28;
	s28 =	sadd.s32 $0x3C00, s11;
	v9 =	vsub.f32 v9, v43;
	v6 =	vmul.f32 $1.442695020e+00, v6;
	(erf) = vpow2.f32 v1;
	v1 =	vld [tilespmem:s30+$0x0]  }
0x3c: {  	s12 =	sadd.s32 $0x2980, s11;
	v10 =	vsub.f32 v10, v43;
	v7 =	vmul.f32 $1.442695020e+00, v7;
	s30 =	sor.u32 s10, s28;
	(erf) = vpow2.f32 v2;
	v2 =	vld [tilespmem:s9+$0x0]  }
0x3d: {  	s19 =	sadd.s32 $0x2A00, s11;
	s18 =	sor.u32 s10, s12;
	v50 =	vsub.f32 v12, v43;
	v8 =	vmul.f32 $1.442695020e+00, v8;
	v47 =	vmul.f32 $1.442695020e+00, v9;
	v12 =	vld [tilespmem:s30+$0x0]  }
0x3e: {  	s20 =	sor.u32 s10, s19;
	[tilespmem:$0x1FED0] =	vst v18;
	v18 =	vsel vm4, $0x2, v58;
	v49 =	vmul.f32 $1.442695020e+00, v10;
	s9 =	sadd.s32 $0x3D00, s11;
	(erf) = vpow2.f32 v3;
	v3 =	vld [tilespmem:s18+$0x0]  }
0x3f: {  	s21 =	sadd.s32 $0x2A80, s11;
	[dreg:$0xb] =	wrdreg s12;
	v54 =	vsub.f32 v14, v43;
	v51 =	vmul.f32 $1.442695020e+00, v48;
	s12 =	sor.u32 s10, s9;
	(erf) = vpow2.f32 v4;
	v4 =	vld [tilespmem:s20+$0x0]  }
0x40: {  	s22 =	sor.u32 s10, s21;
	v56 =	vsub.f32 v15, v43;
	v53 =	vmul.f32 $1.442695020e+00, v50;
	v55 =	vmul.f32 $1.442695020e+00, v52;
	s18 =	sadd.s32 $0x3D80, s11;
	v14 =	vld [tilespmem:s12+$0x0]  }
0x41: {  	s23 =	sadd.s32 $0x2B00, s11;
	[dreg:$0xc] =	wrdreg s19;
	v18 =	vsel vm10, v46, v18;
	v57 =	vmul.f32 $1.442695020e+00, v54;
	s19 =	sor.u32 s10, s18;
	(erf) = vpow2.f32 v5;
	v5 =	vld [tilespmem:s22+$0x0]  }
0x42: {  	s24 =	sor.u32 s10, s23;
	v17 =	vsel vm5, $0xFFFFFFFF, v17;
	v58 =	vmul.f32 $1.442695020e+00, v56;
	s20 =	sadd.s32 $0x3E00, s11;
	v15 =	vld [tilespmem:s19+$0x0];
	(erf) = vpow2.f32 v6  }
0x43: {  	[dreg:$0xd] =	wrdreg s21;
	v50 =	vsel vm1, $0xA, v62;
	v62 =	vimm.s32 $0x0;
	s21 =	sor.u32 s10, s20;
	s22 =	sadd.s32 $0x3E80, s11;
	v6 =	vld [tilespmem:s24+$0x0];
	(erf) = vpow2.f32 v7  }
0x44: {  	[dreg:$0xe] =	wrdreg s23;
	v10 =	vld [tilespmem:s21+$0x0];
	s23 =	sor.u32 s10, s22;
	s24 =	sadd.s32 $0x3F00, s11;
	vm1 =	vgt.f32 v1, v0;
	vm5 =	vgt.f32 v13, v12;
	(erf) = vpow2.f32 v8  }
0x45: {  	[dreg:$0xf] =	wrdreg s25;
	s26 =	sadd.s32 $0x3F80, s11;
	v9 =	vld [tilespmem:s23+$0x0];
	s25 =	sor.u32 s10, s24;
	vm2 =	vgt.f32 v3, v2;
	v54 =	vsel vm5, v13, v12;
	(erf) = vpow2.f32 v47  }
0x46: {  	[dreg:$0x10] =	wrdreg s28;
	s28 =	sor.u32 s10, s26;
	v45 =	vld [tilespmem:s25+$0x0];
	v47 =	vsel vm3, $0x6, v60;
	v60 =	vimm.s32 $0x0;
	(erf) = vpow2.f32 v49  }
0x47: {  	v8 =	vld [tilespmem:s28+$0x0];
	v49 =	vsel vm0, $0x8, v61;
	vm15 =	vgt.f32 v5, v4;
	v61 =	vsel vm1, v1, v0  }
0x48: {  	v16 =	vpop (erf);
	vm13 =	vgt.f32 v15, v14;
	(erf) = vpow2.f32 v51;
	v51 =	vsel vm2, v3, v2  }
0x49: {  	[tilespmem:$0x1FF00] =	vst v17;
	v17 =	vpop (erf);
	v52 =	vsel vm15, v5, v4;
	vm4 =	vgt.f32 v11, v6;
	v46 =	vsel vm7, v49, v47  }
0x4a: {  	v16 =	vadd.f32 v17, v16;
	(erf) = vpow2.f32 v53;
	v53 =	vsel vm4, v11, v6  }
0x4b: {  	[tilespmem:$0x1FEC0] =	vst v44;
	v44 =	vpop (erf);
	vm8 =	vgt.f32 v9, v10;
	vm14 =	vgt.f32 v51, v61;
	(erf) = vpow2.f32 v55  }
0x4c: {  	v48 =	vpop (erf);
	v55 =	vsel vm13, v15, v14;
	vm3 =	vgt.f32 v8, v45;
	v7 =	vsel vm14, v51, v61  }
0x4d: {  	vm12 =	vgt.f32 v53, v52;
	v17 =	vadd.f32 v48, v44;
	(erf) = vpow2.f32 v57  }
0x4e: {  	v59 =	vsel vm3, v8, v45;
	(erf) = vpow2.f32 v58;
	v58 =	vsel vm8, v9, v10  }
0x4f: {  	vm11 =	vgt.f32 v55, v54;
	v52 =	vsel vm12, v53, v52;
	vm0 =	vgt.f32 v59, v58  }
0x50: {  	v56 =	vpop (erf);
	v53 =	vsel vm11, v55, v54;
	v60 =	vsel vm0, $0xFFFFFFFF, v60;
	v54 =	vsel vm0, v59, v58  }
0x51: {  	v57 =	vpop (erf);
	v55 =	vsel vm6, $0xC, v63;
	vm6 =	vgt.f32 v52, v7;
	vm0 =	vgt.f32 v54, v53  }
0x52: {  	v51 =	vpop (erf);
	v7 =	vsel vm6, v52, v7;
	[tilespmem:$0x1FEE0] =	vst v60;
	v59 =	vsel vm0, $0xFFFFFFFF, v62;
	v63 =	vsel vm0, v54, v53  }
0x53: {  	v60 =	vpop (erf);
	[tilespmem:$0x1FEF0] =	vst v59;
	v59 =	vsel vm9, $0xE, v19;
	vm0 =	vgt.f32 v63, v7;
	v19 =	vimm.s32 $0x0  }
0x54: {  	v52 =	vadd.f32 v57, v56;
	v58 =	vpop (erf);
	v19 =	vsel vm0, $0xFFFFFFFF, v19;
	v7 =	vsel vm0, v63, v7  }
0x55: {  	v51 =	vadd.f32 v60, v51;
	v63 =	vsub.f32 $-Inf, v43;
	v60 =	vld [tilespmem:$0x1FE90];
	v61 =	vpop (erf);
	vm0 =	vgt.f32 v7, v43  }
0x56: {  	[tilespmem:$0x1FF10] =	vst v19;
	v19 =	vimm.s32 $0x0;
	v54 =	vadd.f32 v61, v58;
	v44 =	vsel vm0, v7, v43  }
0x57: {  	v47 =	vpop (erf);
	v63 =	vmul.f32 $1.442695020e+00, v63;
	v0 =	vsub.f32 v0, v44;
	v1 =	vsub.f32 v1, v44  }
0x58: {  	v19 =	vsel vm0, $0xFFFFFFFF, v19;
	v62 =	vpop (erf);
	v2 =	vsub.f32 v2, v44;
	v3 =	vsub.f32 v3, v44  }
0x59: {  	v57 =	vsub.f32 v4, v44;
	v47 =	vadd.f32 v62, v47;
	(erf) = vpow2.f32 v63  }
0x5a: {  	v48 =	vpop (erf);
	vm9 =	vnez.u8 v60;
	v0 =	vmul.f32 $1.442695020e+00, v0;
	v1 =	vmul.f32 $1.442695020e+00, v1  }
0x5b: {  	v53 =	vpop (erf);
	v56 =	vmul.f32 $1.442695020e+00, v2;
	v58 =	vmul.f32 $1.442695020e+00, v3;
	v60 =	vsub.f32 v5, v44  }
0x5c: {  	v7 =	vsel vm9, v55, v50;
	v61 =	vpop (erf);
	v48 =	vadd.f32 v53, v48;
	v50 =	vsub.f32 v12, v44  }
0x5d: {  	v55 =	vsub.f32 v13, v44;
	v62 =	vpop (erf);
	(erf) = vpow2.f32 v0;
	v63 =	vmul.f32 $1.442695020e+00, v60  }
0x5e: {  	[tilespmem:$0x1FF50] =	vst v19;
	v19 =	vld [tilespmem:$0x1FEA0];
	v49 =	vadd.f32 v62, v61;
	(erf) = vpow2.f32 v1;
	v61 =	vmul.f32 $1.442695020e+00, v57  }
0x5f: {  	v62 =	vsub.f32 v6, v44;
	v6 =	vsub.f32 v11, v44;
	(erf) = vpow2.f32 v56  }
0x60: {  	[dreg:$0x11] =	wrdreg s31;
	s31 =	sadd.s32 $0x5080, s11;
	v60 =	vsub.f32 v15, v44;
	v56 =	vmul.f32 $1.442695020e+00, v50;
	(erf) = vpow2.f32 v58  }
0x61: {  	[smem:$0x7E3] =	sst s31;
	v57 =	vsub.f32 v14, v44;
	v11 =	vmul.f32 $1.442695020e+00, v62;
	v53 =	vmul.f32 $1.442695020e+00, v6  }
0x62: {  	[dreg:$0x18] =	wrdreg s26;
	v50 =	vsub.f32 v45, v44;
	v58 =	vmul.f32 $1.442695020e+00, v55;
	(erf) = vpow2.f32 v61  }
0x63: {  	s30 =	sadd.s32 $0x5000, s11;
	[dreg:$0x12] =	wrdreg s9;
	vm10 =	vnez.u8 v19;
	v19 =	vld [tilespmem:$0x1FEB0];
	v61 =	vmul.f32 $1.442695020e+00, v57;
	(erf) = vpow2.f32 v63  }
0x64: {  	[smem:$0x7E2] =	sst s30;
	s7 =	sor.u32 s10, s30;
	v62 =	vsub.f32 v10, v44;
	v4 =	vmul.f32 $1.442695020e+00, v50;
	(erf) = vpow2.f32 v11  }
0x65: {  	s9 =	sor.u32 s10, s31;
	s31 =	sadd.s32 $0x6400, s11;
	[dreg:$0x13] =	wrdreg s18;
	v10 =	vsub.f32 v9, v44;
	v63 =	vmul.f32 $1.442695020e+00, v60;
	(erf) = vpow2.f32 v53  }
0x66: {  	[smem:$0x7EA] =	sst s31;
	s25 =	sadd.s32 $0x5300, s11;
	v0 =	vld [tilespmem:s7+$0x0];
	v55 =	vadd.f32 v17, v16;
	v2 =	vmul.f32 $1.442695020e+00, v62;
	v11 =	vpop (erf);
	(erf) = vpow2.f32 v56  }
0x67: {  	s12 =	sadd.s32 $0x5100, s11;
	[dreg:$0x15] =	wrdreg s20;
	s26 =	sor.u32 s10, s25;
	v1 =	vld [tilespmem:s9+$0x0];
	v57 =	vadd.f32 v47, v54;
	v3 =	vmul.f32 $1.442695020e+00, v10;
	v12 =	vpop (erf);
	(erf) = vpow2.f32 v58  }
0x68: {  	[smem:$0x7E4] =	sst s12;
	v6 =	vld [tilespmem:s26+$0x0];
	vm0 =	vnez.u8 v19;
	v53 =	vsub.f32 v8, v44;
	v13 =	vpop (erf);
	(erf) = vpow2.f32 v61  }
0x69: {  	s19 =	sadd.s32 $0x5180, s11;
	[dreg:$0x16] =	wrdreg s22;
	v19 =	vld [tilespmem:$0x1FEC0];
	v56 =	vadd.f32 v51, v52;
	v58 =	vadd.f32 v49, v48;
	v14 =	vpop (erf);
	(erf) = vpow2.f32 v63  }
0x6a: {  	s18 =	sor.u32 s10, s12;
	s12 =	sadd.s32 $0x6480, s11;
	[smem:$0x7E5] =	sst s19;
	v5 =	vmul.f32 $1.442695020e+00, v53;
	v61 =	vld [tilespmem:$0x1FED0];
	v15 =	vpop (erf);
	(erf) = vpow2.f32 v2  }
0x6b: {  	s20 =	sor.u32 s10, s19;
	[smem:$0x7EB] =	sst s12;
	v8 =	vadd.f32 v56, v55;
	v9 =	vadd.f32 v58, v57;
	v2 =	vld [tilespmem:s18+$0x0];
	v16 =	vpop (erf);
	(erf) = vpow2.f32 v3  }
0x6c: {  	s21 =	sadd.s32 $0x5200, s11;
	[dreg:$0x17] =	wrdreg s24;
	s9 =	sor.u32 s10, s31;
	v3 =	vld [tilespmem:s20+$0x0];
	v17 =	vpop (erf);
	(erf) = vpow2.f32 v4  }
0x6d: {  	[smem:$0x7E8] =	sst s25;
	s25 =	sadd.s32 $0x6680, s11;
	v18 =	vsel vm0, v46, v18;
	s18 =	sor.u32 s10, s12;
	v49 =	vadd.f32 v9, v8;
	v8 =	vld [tilespmem:s9+$0x0];
	v46 =	vpop (erf);
	(erf) = vpow2.f32 v5  }
0x6e: {  	s19 =	sadd.s32 $0x6500, s11;
	[smem:$0x7E6] =	sst s21;
	s26 =	sor.u32 s10, s25;
	v54 =	vsel vm5, $0x19, v37;
	v60 =	vsel vm10, $0xF, v59;
	v9 =	vld [tilespmem:s18+$0x0];
	v45 =	vpop (erf)  }
0x6f: {  	s22 =	sor.u32 s10, s21;
	s23 =	sadd.s32 $0x5280, s11;
	[smem:$0x7EC] =	sst s19;
	v62 =	vsel vm1, $0x11, v35;
	v35 =	vsel vm13, $0x1B, v22;
	v37 =	vadd.f32 v15, v14;
	v14 =	vld [tilespmem:s26+$0x0];
	v48 =	vpop (erf)  }
0x70: {  	s21 =	sadd.s32 $0x6580, s11;
	[smem:$0x7E7] =	sst s23;
	v50 =	vmul.f32 $0.0e+00, v11;
	v52 =	vsel vm15, $0x15, v36;
	v53 =	vsel vm4, $0x17, v21;
	s20 =	sor.u32 s10, s19;
	v4 =	vld [tilespmem:s22+$0x0];
	v51 =	vpop (erf)  }
0x71: {  	s24 =	sor.u32 s10, s23;
	s28 =	sadd.s32 $0x5380, s11;
	[smem:$0x7ED] =	sst s21;
	v52 =	vsel vm12, v53, v52;
	vm9 =	vnez.u8 v19;
	v63 =	vsel vm2, $0x13, v20;
	v10 =	vld [tilespmem:s20+$0x0];
	v55 =	vpop (erf)  }
0x72: {  	s23 =	sadd.s32 $0x6600, s11;
	[smem:$0x7E9] =	sst s28;
	v57 =	vsel vm8, $0x1D, v38;
	v58 =	vsel vm3, $0x1F, v23;
	v13 =	vadd.f32 v13, v12;
	s22 =	sor.u32 s10, s21;
	v5 =	vld [tilespmem:s24+$0x0];
	v36 =	vpop (erf)  }
0x73: {  	s30 =	sor.u32 s10, s28;
	[smem:$0x7EE] =	sst s23;
	v7 =	vsel vm9, v60, v7;
	v47 =	vsel vm14, v63, v62;
	vm10 =	vnez.u8 v61;
	v11 =	vld [tilespmem:s22+$0x0];
	v60 =	vpop (erf)  }
0x74: {  	s28 =	sadd.s32 $0x6700, s11;
	[smem:$0x7EF] =	sst s25;
	v16 =	vadd.f32 v17, v16;
	v17 =	vsub.f32 v43, v44;
	s24 =	sor.u32 s10, s23;
	v18 =	vsel vm10, v7, v18;
	v7 =	vld [tilespmem:s30+$0x0];
	v38 =	vpop (erf)  }
0x75: {  	[smem:$0x7F0] =	sst s28;
	s31 =	sadd.s32 $0x6780, s11;
	v43 =	vsel vm11, v35, v54;
	v53 =	vadd.f32 v37, v13;
	v12 =	vld [tilespmem:s24+$0x0];
	v45 =	vadd.f32 v45, v46;
	v62 =	vpop (erf)  }
0x76: {  	[smem:$0x7F1] =	sst s31;
	vm11 =	vgt.f32 v1, v0;
	s30 =	sor.u32 s10, s28;
	v17 =	vmul.f32 $1.442695020e+00, v17;
	vm9 =	vgt.f32 v3, v2;
	v35 =	vpop (erf)  }
0x77: {  	s8 =	sor.u32 s10, s31;
	vm7 =	vgt.f32 v9, v8;
	v63 =	vadd.f32 v51, v48;
	v16 =	vadd.f32 v45, v16;
	v15 =	vld [tilespmem:s30+$0x0]  }
0x78: {  	v46 =	vsel vm9, v3, v2;
	vm10 =	vgt.f32 v5, v4;
	vm5 =	vgt.f32 v11, v10;
	v13 =	vld [tilespmem:s8+$0x0]  }
0x79: {  	v36 =	vadd.f32 v36, v55;
	v51 =	vsel vm10, v5, v4;
	vm12 =	vgt.f32 v7, v6  }
0x7a: {  	vm4 =	vgt.f32 v14, v12;
	v37 =	vsel vm12, v7, v6;
	v54 =	vadd.f32 v38, v60;
	v19 =	vld [tilespmem:$0x1FEE0]  }
0x7b: {  	v45 =	vadd.f32 v36, v63;
	v38 =	vsel vm5, v11, v10;
	vm0 =	vgt.f32 v37, v51  }
0x7c: {  	v37 =	vsel vm0, v37, v51;
	(erf) = vpow2.f32 v17;
	v17 =	vsel vm11, v1, v0  }
0x7d: {  	v48 =	vadd.f32 v35, v62;
	vm3 =	vgt.f32 v46, v17;
	vm2 =	vgt.f32 v13, v15  }
0x7e: {  	v35 =	vsel vm4, v14, v12;
	v17 =	vsel vm3, v46, v17;
	v36 =	vsel vm2, v13, v15  }
0x7f: {  	vm14 =	vnez.u8 v19;
	v19 =	vimm.s32 $0x0;
	vm15 =	vgt.f32 v36, v35  }
0x80: {  	v55 =	vsel vm14, v58, v57;
	v57 =	vsel vm7, v9, v8;
	v19 =	vsel vm15, $0xFFFFFFFF, v19  }
0x81: {  	vm13 =	vgt.f32 v37, v17;
	vm1 =	vgt.f32 v38, v57;
	[tilespmem:$0x1FF20] =	vst v19;
	v19 =	vimm.s32 $0x0  }
0x82: {  	v38 =	vsel vm1, v38, v57;
	v61 =	vsel vm15, v36, v35;
	v19 =	vsel vm13, $0xFFFFFFFF, v19  }
0x83: {  	vm8 =	vgt.f32 v61, v38;
	[tilespmem:$0x1FF30] =	vst v19;
	v19 =	vimm.s32 $0x0  }
0x84: {  	v17 =	vsel vm13, v37, v17;
	v62 =	vsel vm8, v61, v38;
	v19 =	vsel vm8, $0xFFFFFFFF, v19  }
0x85: {  	vm13 =	vgt.f32 v62, v17;
	[tilespmem:$0x1FF40] =	vst v19;
	v19 =	vimm.s32 $0x0  }
0x86: {  	v19 =	vsel vm13, $0xFFFFFFFF, v19  }
0x87: {  	[tilespmem:$0x1FF60] =	vst v19;
	v19 =	vld [tilespmem:$0x1FEF0];
	_ =	sdelay $0x3  }
0x88: {  	v17 =	vsel vm13, v62, v17  }
0x89: {  	vm13 =	vgt.f32 v17, v44;
	vm15 =	vnez.u8 v19;
	v19 =	vimm.s32 $0x0  }
0x8a: {  	v19 =	vsel vm13, $0xFFFFFFFF, v19  }
0x8b: {  	[tilespmem:$0x1FF70] =	vst v19;
	v19 =	vld [tilespmem:$0x1FF00];
	_ =	sdelay $0x1  }
0x8c: {  	v48 =	vadd.f32 v48, v54;
	_ =	sdelay $0x1  }
0x8d: {  	v16 =	vadd.f32 v16, v53;
	v45 =	vadd.f32 v48, v45  }
0x8e: {  	vm14 =	vnez.u8 v19  }
0x8f: {  	v16 =	vadd.f32 v45, v16;
	v45 =	vnsel vm14, $0x1, v18;
	v18 =	vld [tilespmem:$0x1FF10];
	_ =	sdelay $0x2  }
0x90: {  	v49 =	vadd.f32 v49, v50  }
0x91: {  	v47 =	vsel vm6, v52, v47;
	v63 =	vpop (erf)  }
0x92: {  	v48 =	vmul.f32 v63, v49;
	v43 =	vsel vm15, v55, v43;
	vm15 =	vnez.u8 v18  }
0x93: {  	v46 =	vsel vm15, v43, v47;
	v43 =	vsel vm13, v17, v44  }
0x94: {  	v50 =	vsel vm7, $0x29, v24;
	v47 =	vadd.f32 v16, v48;
	v0 =	vsub.f32 v0, v43  }
0x95: {  	v18 =	vsel vm10, $0x25, v34;
	v1 =	vsub.f32 v1, v43;
	v2 =	vsub.f32 v2, v43  }
0x96: {  	s25 =	sadd.s32 $0x7A80, s11;
	v17 =	vsel vm11, $0x21, v32;
	v3 =	vsub.f32 v3, v43;
	v4 =	vsub.f32 v4, v43  }
0x97: {  	s31 =	sadd.s32 $0x7B80, s11;
	s26 =	sor.u32 s10, s25;
	s28 =	sadd.s32 $0x7B00, s11;
	v16 =	vsel vm9, $0x23, v33;
	v5 =	vsub.f32 v5, v43;
	v6 =	vsub.f32 v6, v43  }
0x98: {  	s12 =	sadd.s32 $0x7880, s11;
	s9 =	sadd.s32 $0x7800, s11;
	s30 =	sor.u32 s10, s28;
	v48 =	vsel vm12, $0x27, v39;
	v7 =	vsub.f32 v7, v43;
	v37 =	vsub.f32 v8, v43;
	v8 =	vld [tilespmem:s26+$0x0]  }
0x99: {  	s7 =	sor.u32 s10, s9;
	[smem:$0x7F2] =	sst s9;
	s9 =	sor.u32 s10, s31;
	v39 =	vsub.f32 v9, v43;
	v9 =	vld [tilespmem:s30+$0x0];
	v32 =	vmul.f32 $1.442695020e+00, v0;
	v33 =	vmul.f32 $1.442695020e+00, v1  }
0x9a: {  	s18 =	sor.u32 s10, s12;
	s19 =	sadd.s32 $0x7900, s11;
	v53 =	vsub.f32 v10, v43;
	v10 =	vld [tilespmem:s9+$0x0];
	v34 =	vmul.f32 $1.442695020e+00, v2;
	v3 =	vmul.f32 $1.442695020e+00, v3  }
0x9b: {  	s20 =	sor.u32 s10, s19;
	s21 =	sadd.s32 $0x7980, s11;
	v63 =	vsel vm5, $0x2B, v25;
	v1 =	vld [tilespmem:s18+$0x0];
	v35 =	vmul.f32 $1.442695020e+00, v4;
	v36 =	vmul.f32 $1.442695020e+00, v5  }
0x9c: {  	s22 =	sor.u32 s10, s21;
	s23 =	sadd.s32 $0x7A00, s11;
	v19 =	vimm.s32 $0x0;
	v2 =	vld [tilespmem:s20+$0x0];
	v6 =	vmul.f32 $1.442695020e+00, v6;
	v38 =	vmul.f32 $1.442695020e+00, v7  }
0x9d: {  	s24 =	sor.u32 s10, s23;
	[dreg:$0x19] =	wrdreg s12;
	s12 =	sadd.s32 $0x8C00, s11;
	v55 =	vsub.f32 v11, v43;
	v4 =	vld [tilespmem:s22+$0x0];
	v52 =	vmul.f32 $1.442695020e+00, v37;
	(erf) = vpow2.f32 v32  }
0x9e: {  	[dreg:$0x1a] =	wrdreg s19;
	s19 =	sadd.s32 $0x8C80, s11;
	v12 =	vsub.f32 v12, v43;
	v5 =	vld [tilespmem:s24+$0x0];
	v54 =	vmul.f32 $1.442695020e+00, v39;
	s18 =	sor.u32 s10, s12;
	(erf) = vpow2.f32 v33  }
0x9f: {  	[dreg:$0x1b] =	wrdreg s21;
	s21 =	sadd.s32 $0x8D00, s11;
	v58 =	vsub.f32 v14, v43;
	v56 =	vmul.f32 $1.442695020e+00, v53;
	s20 =	sor.u32 s10, s19;
	v11 =	vld [tilespmem:s18+$0x0];
	(erf) = vpow2.f32 v34  }
0xa0: {  	[dreg:$0x1c] =	wrdreg s23;
	s23 =	sadd.s32 $0x8D80, s11;
	v60 =	vsub.f32 v15, v43;
	v57 =	vmul.f32 $1.442695020e+00, v55;
	s22 =	sor.u32 s10, s21;
	v49 =	vld [tilespmem:s20+$0x0];
	(erf) = vpow2.f32 v3  }
0xa1: {  	[dreg:$0x1d] =	wrdreg s25;
	s25 =	sadd.s32 $0x8E00, s11;
	v62 =	vsub.f32 v13, v43;
	v59 =	vmul.f32 $1.442695020e+00, v12;
	s24 =	sor.u32 s10, s23;
	v14 =	vld [tilespmem:s22+$0x0];
	(erf) = vpow2.f32 v35  }
0xa2: {  	[dreg:$0x1e] =	wrdreg s28;
	s28 =	sadd.s32 $0x8E80, s11;
	s26 =	sor.u32 s10, s25;
	v61 =	vmul.f32 $1.442695020e+00, v58;
	v58 =	vsel vm2, $0x2F, v27;
	v15 =	vld [tilespmem:s24+$0x0];
	(erf) = vpow2.f32 v36  }
0xa3: {  	s30 =	sor.u32 s10, s28;
	v13 =	vld [tilespmem:s26+$0x0];
	v7 =	vsel vm1, v63, v50;
	v32 =	vmul.f32 $1.442695020e+00, v60;
	(erf) = vpow2.f32 v6  }
0xa4: {  	v12 =	vld [tilespmem:s30+$0x0];
	v33 =	vmul.f32 $1.442695020e+00, v62;
	vm2 =	vgt.f32 v10, v9;
	(erf) = vpow2.f32 v38  }
0xa5: {  	[dreg:$0x1f] =	wrdreg s31;
	s9 =	sadd.s32 $0x8F80, s11;
	v3 =	vsel vm3, v16, v17;
	vm8 =	vgt.f32 v8, v5;
	(erf) = vpow2.f32 v52  }
0xa6: {  	s31 =	sadd.s32 $0x8F00, s11;
	[smem:$0x7F3] =	sst s12;
	v0 =	vld [tilespmem:s7+$0x0];
	s12 =	sor.u32 s10, s9;
	vm9 =	vgt.f32 v4, v2;
	v19 =	vsel vm8, $0xFFFFFFFF, v19;
	(erf) = vpow2.f32 v54  }
0xa7: {  	s8 =	sor.u32 s10, s31;
	v17 =	vld [tilespmem:s12+$0x0];
	vm12 =	vgt.f32 v49, v11;
	vm13 =	vgt.f32 v15, v14;
	(erf) = vpow2.f32 v56  }
0xa8: {  	v62 =	vsel vm12, v49, v11;
	v63 =	vsel vm13, v15, v14;
	v51 =	vpop (erf);
	(erf) = vpow2.f32 v57;
	v57 =	vld [tilespmem:s8+$0x0]  }
0xa9: {  	v6 =	vsel vm0, v48, v18;
	vm0 =	vgt.f32 v12, v13;
	vm10 =	vgt.f32 v63, v62;
	v53 =	vpop (erf)  }
0xaa: {  	v21 =	vsel vm0, v12, v13;
	v34 =	vsel vm10, v63, v62;
	v52 =	vsel vm9, v4, v2;
	v55 =	vpop (erf)  }
0xab: {  	v54 =	vsel vm4, $0x2D, v26;
	vm4 =	vgt.f32 v1, v0;
	(erf) = vpow2.f32 v59;
	v16 =	vpop (erf)  }
0xac: {  	v50 =	vsel vm4, v1, v0;
	v56 =	vsel vm8, v8, v5;
	(erf) = vpow2.f32 v61;
	v18 =	vpop (erf)  }
0xad: {  	vm8 =	vgt.f32 v52, v50;
	(erf) = vpow2.f32 v32;
	v48 =	vpop (erf);
	vm7 =	vgt.f32 v17, v57  }
0xae: {  	v61 =	vsel vm2, v10, v9;
	(erf) = vpow2.f32 v33;
	v59 =	vpop (erf);
	v22 =	vsel vm7, v17, v57  }
0xaf: {  	v51 =	vadd.f32 v53, v51;
	vm3 =	vgt.f32 v61, v56;
	v60 =	vpop (erf);
	vm11 =	vgt.f32 v22, v21  }
0xb0: {  	[tilespmem:$0x1FF80] =	vst v19;
	v50 =	vsel vm8, v52, v50;
	v56 =	vsel vm3, v61, v56;
	v19 =	vpop (erf);
	v21 =	vsel vm11, v22, v21  }
0xb1: {  	v16 =	vadd.f32 v16, v55;
	vm1 =	vgt.f32 v56, v50;
	v20 =	vpop (erf);
	vm14 =	vgt.f32 v21, v34  }
0xb2: {  	v18 =	vadd.f32 v48, v18;
	v50 =	vsel vm1, v56, v50;
	v52 =	vpop (erf);
	v21 =	vsel vm14, v21, v34  }
0xb3: {  	v33 =	vadd.f32 v60, v59;
	v60 =	vsub.f32 v44, v43;
	v23 =	vpop (erf);
	vm15 =	vgt.f32 v21, v50  }
0xb4: {  	v19 =	vadd.f32 v20, v19;
	v22 =	vpop (erf);
	v20 =	vadd.f32 v23, v52;
	v21 =	vsel vm15, v21, v50  }
0xb5: {  	v16 =	vadd.f32 v16, v51;
	v18 =	vadd.f32 v33, v18;
	v63 =	vpop (erf);
	vm5 =	vgt.f32 v21, v43  }
0xb6: {  	v32 =	vpop (erf);
	v19 =	vadd.f32 v20, v19;
	v20 =	vmul.f32 $1.442695020e+00, v60;
	v44 =	vsel vm5, v21, v43  }
0xb7: {  	v22 =	vadd.f32 v63, v22;
	v34 =	vpop (erf);
	v0 =	vsub.f32 v0, v44  }
0xb8: {  	v23 =	vadd.f32 v34, v32;
	(erf) = vpow2.f32 v20;
	v1 =	vsub.f32 v1, v44  }
0xb9: {  	v2 =	vsub.f32 v2, v44;
	v4 =	vsub.f32 v4, v44;
	v0 =	vmul.f32 $1.442695020e+00, v0  }
0xba: {  	v62 =	vsub.f32 v5, v44;
	v8 =	vsub.f32 v8, v44;
	v1 =	vmul.f32 $1.442695020e+00, v1  }
0xbb: {  	v21 =	vld [tilespmem:$0x1FF20];
	v33 =	vsub.f32 v9, v44;
	v61 =	vmul.f32 $1.442695020e+00, v2;
	(erf) = vpow2.f32 v0  }
0xbc: {  	v48 =	vsub.f32 v10, v44;
	v63 =	vmul.f32 $1.442695020e+00, v4;
	(erf) = vpow2.f32 v1  }
0xbd: {  	v51 =	vsub.f32 v11, v44;
	v32 =	vmul.f32 $1.442695020e+00, v62;
	(erf) = vpow2.f32 v61  }
0xbe: {  	v53 =	vsub.f32 v49, v44;
	v34 =	vmul.f32 $1.442695020e+00, v8;
	(erf) = vpow2.f32 v63  }
0xbf: {  	v55 =	vsub.f32 v14, v44;
	v50 =	vmul.f32 $1.442695020e+00, v33;
	(erf) = vpow2.f32 v32  }
0xc0: {  	v52 =	vmul.f32 $1.442695020e+00, v48;
	vm6 =	vnez.u8 v21;
	(erf) = vpow2.f32 v34  }
0xc1: {  	v21 =	vsel vm6, v58, v54;
	v54 =	vmul.f32 $1.442695020e+00, v51;
	(erf) = vpow2.f32 v50  }
0xc2: {  	v56 =	vmul.f32 $1.442695020e+00, v53;
	v58 =	vsub.f32 v15, v44;
	(erf) = vpow2.f32 v52  }
0xc3: {  	v60 =	vsub.f32 v13, v44;
	v59 =	vmul.f32 $1.442695020e+00, v55;
	(erf) = vpow2.f32 v54  }
0xc4: {  	[smem:$0x7F4] =	sst s19;
	s19 =	sor.u32 $0xA080, s11;
	v62 =	vsub.f32 v12, v44;
	v61 =	vmul.f32 $1.442695020e+00, v58;
	(erf) = vpow2.f32 v56  }
0xc5: {  	s26 =	sor.u32 $0xA200, s11;
	s20 =	sor.u32 s10, s19;
	v63 =	vmul.f32 $1.442695020e+00, v60;
	(erf) = vpow2.f32 v59  }
0xc6: {  	s24 =	sor.u32 s10, s26;
	v49 =	vld [tilespmem:s20+$0x0];
	v33 =	vmul.f32 $1.442695020e+00, v62;
	v5 =	vpop (erf);
	(erf) = vpow2.f32 v61  }
0xc7: {  	v53 =	vld [tilespmem:s24+$0x0];
	v32 =	vsub.f32 v57, v44;
	v34 =	vsub.f32 v17, v44;
	v8 =	vpop (erf);
	(erf) = vpow2.f32 v63  }
0xc8: {  	[smem:$0x7F6] =	sst s23;
	v9 =	vpop (erf);
	(erf) = vpow2.f32 v33;
	v33 =	vld [tilespmem:$0x1FF30]  }
0xc9: {  	[smem:$0x7F8] =	sst s28;
	s28 =	sor.u32 $0xA180, s11;
	v51 =	vmul.f32 $1.442695020e+00, v32;
	v32 =	vmul.f32 $1.442695020e+00, v34;
	v34 =	vld [tilespmem:$0x1FF40]  }
0xca: {  	[smem:$0x7F7] =	sst s25;
	s25 =	sor.u32 $0xA280, s11;
	v37 =	vimm.s32 $0x16;
	v39 =	vimm.s32 $0x1E;
	s23 =	sor.u32 s10, s28;
	v35 =	vimm.s32 $0xD;
	v55 =	vld [tilespmem:$0x1FF60]  }
0xcb: {  	s30 =	sor.u32 s10, s25;
	v36 =	vimm.s32 $0x12;
	v22 =	vadd.f32 v23, v22;
	v23 =	vimm.s32 $0x3E;
	v52 =	vld [tilespmem:s23+$0x0];
	s23 =	sor.u32 $0xA380, s11  }
0xcc: {  	v38 =	vimm.s32 $0x1A;
	v10 =	vadd.f32 v18, v16;
	s24 =	sor.u32 $0xA300, s11;
	v23 =	vsel vm7, $0x3F, v23;
	s8 =	sor.u32 s10, s23;
	v56 =	vld [tilespmem:s30+$0x0];
	v11 =	vpop (erf)  }
0xcd: {  	[smem:$0x7F9] =	sst s31;
	s31 =	sor.u32 s10, s24;
	v60 =	vsel vm9, $0x33, v28;
	v62 =	vld [tilespmem:s8+$0x0];
	v59 =	vadd.f32 v22, v19;
	v12 =	vpop (erf);
	vm6 =	vnez.u8 v33  }
0xce: {  	v5 =	vmul.f32 v5, v47;
	v61 =	vld [tilespmem:s31+$0x0];
	v13 =	vpop (erf);
	v3 =	vsel vm6, v6, v3;
	vm6 =	vnez.u8 v34  }
0xcf: {  	v2 =	vadd.f32 v59, v10;
	v4 =	vsel vm6, v21, v7;
	v7 =	vpop (erf);
	(erf) = vpow2.f32 v51;
	v51 =	vld [tilespmem:$0x1FF50]  }
0xd0: {  	[smem:$0x7F5] =	sst s21;
	s21 =	sor.u32 $0xA100, s11;
	v58 =	vld [tilespmem:$0x1FF70];
	v17 =	vsel vm2, $0x37, v30;
	v59 =	vsel vm4, $0x31, v31;
	v24 =	vadd.f32 v12, v11  }
0xd1: {  	[smem:$0x7FD] =	sst s21;
	s22 =	sor.u32 s10, s21;
	s21 =	sadd.s32 $0xB480, s11;
	v47 =	vadd.f32 v2, v5;
	v5 =	vsel vm8, v60, v59;
	v14 =	vpop (erf);
	(erf) = vpow2.f32 v32;
	v32 =	vld [tilespmem:$0x1FF80]  }
0xd2: {  	s12 =	sor.u32 s10, s21;
	v50 =	vld [tilespmem:s22+$0x0];
	s22 =	sadd.s32 $0xB400, s11;
	v59 =	vimm.s32 $0x42;
	vm7 =	vgt.f32 v56, v53;
	v34 =	vimm.s32 $0x38;
	v57 =	vpop (erf)  }
0xd3: {  	[smem:$0x7FA] =	sst s9;
	s18 =	sor.u32 $0xA000, s11;
	v0 =	vld [tilespmem:s12+$0x0];
	s9 =	sor.u32 s10, s22;
	v60 =	vimm.s32 $0x44;
	vm8 =	vgt.f32 v62, v61;
	v19 =	vsel vm12, $0x39, v34;
	v16 =	vpop (erf)  }
0xd4: {  	[smem:$0x7FC] =	sst s19;
	s19 =	sadd.s32 $0xB580, s11;
	s20 =	sadd.s32 $0xB500, s11;
	v63 =	vld [tilespmem:s9+$0x0];
	v34 =	vimm.s32 $0x4A;
	v25 =	vadd.f32 v57, v14;
	v18 =	vpop (erf);
	vm6 =	vnez.u8 v51  }
0xd5: {  	[smem:$0x7FB] =	sst s18;
	s7 =	sor.u32 s10, s18;
	s18 =	sor.u32 s10, s20;
	v26 =	vadd.f32 v18, v16;
	v54 =	vsel vm6, v46, v45;
	vm6 =	vnez.u8 v55  }
0xd6: {  	v1 =	vld [tilespmem:s18+$0x0];
	s30 =	sor.u32 s10, s19;
	vm9 =	vnez.u8 v32;
	v45 =	vimm.s32 $0x3A;
	v46 =	vimm.s32 $0x3C  }
0xd7: {  	v2 =	vld [tilespmem:s30+$0x0];
	v32 =	vimm.s32 $0x46;
	v3 =	vsel vm6, v4, v3;
	vm6 =	vnez.u8 v58  }
0xd8: {  	s31 =	sand.u32 $0x7, s16;
	v33 =	vsel vm9, $0x35, v29;
	v20 =	vsel vm13, $0x3B, v45;
	v21 =	vsel vm0, $0x3D, v46  }
0xd9: {  	v48 =	vld [tilespmem:s7+$0x0];
	s12 =	sadd.s32 $0xB680, s11;
	s7 =	sshll.u32 s31, $0x4;
	v58 =	vimm.s32 $0x40;
	vm9 =	vgt.f32 v0, v63;
	v3 =	vsel vm6, v3, v54  }
0xda: {  	s18 =	sadd.s32 $0xB600, s11;
	s31 =	sadd.s32 s17, s7;
	s30 =	sor.u32 s10, s12;
	v10 =	vsel vm3, v17, v33;
	v19 =	vsel vm10, v20, v19;
	v20 =	vsel vm11, v23, v21  }
0xdb: {  	s9 =	sor.u32 s10, s18;
	s8 =	sadd.s32 $0x10, s31;
	v6 =	vld [tilespmem:s30+$0x0];
	v22 =	vpop (erf);
	v23 =	vadd.f32 v9, v8;
	vm6 =	vgt.f32 v52, v50;
	v9 =	vsel vm7, v56, v53  }
0xdc: {  	s31 =	sadd.s32 $0x10, s14;
	s8 =	sor.u32 $0x300, s8;
	v4 =	vld [tilespmem:s9+$0x0];
	s9 =	sadd.s32 $0xB700, s11;
	v17 =	vpop (erf);
	v54 =	vsel vm9, v0, v63;
	v33 =	vimm.s32 $0x48;
	vm10 =	vgt.f32 v2, v1  }
0xdd: {  	v45 =	vld [tilespmem:s8+$0x0];
	s8 =	sand.u32 $0x70, s31;
	s30 =	sor.u32 s10, s9;
	v5 =	vsel vm1, v10, v5;
	v19 =	vsel vm14, v20, v19;
	v22 =	vadd.f32 v17, v22  }
0xde: {  	s7 =	sadd.s32 $0xB780, s11;
	s1 =	sor.u32 s8, s1;
	v10 =	vld [tilespmem:s30+$0x0];
	v8 =	vsel vm6, $0x43, v59;
	v27 =	vsel vm9, $0x49, v33;
	v28 =	vsel vm10, v2, v1  }
0xdf: {  	s30 =	sor.u32 s10, s7;
	v59 =	vld [tilespmem:s1+$0x0];
	v29 =	vsel vm10, $0x4B, v34;
	v33 =	vimm.s32 $0x4E;
	v5 =	vsel vm15, v19, v5  }
0xe0: {  	s1 =	sor.u32 s8, s11;
	v21 =	vpop (erf);
	v11 =	vld [tilespmem:s30+$0x0];
	v19 =	vadd.f32 v7, v13;
	v7 =	vsel vm6, v52, v50;
	vm15 =	vgt.f32 v28, v54  }
0xe1: {  	v12 =	vld [tilespmem:s1+$0x80];
	v23 =	vadd.f32 v24, v23;
	v20 =	vpop (erf);
	v46 =	vsel vm5, v5, v3;
	vm5 =	vgt.f32 v49, v48  }
0xe2: {  	v13 =	vld [tilespmem:s1+$0x100];
	v22 =	vadd.f32 v22, v26;
	v17 =	vadd.f32 v20, v21;
	v3 =	vsel vm5, v49, v48  }
0xe3: {  	v14 =	vld [tilespmem:s1+$0x180];
	v51 =	vpop (erf);
	v5 =	vsel vm5, $0x41, v58;
	v20 =	vsel vm7, $0x45, v60;
	vm11 =	vgt.f32 v6, v4  }
0xe4: {  	s30 =	sor.u32 s31, s17;
	v15 =	vld [tilespmem:s1+$0x200];
	v21 =	vsel vm8, v62, v61;
	v19 =	vadd.f32 v25, v19;
	v57 =	vpop (erf);
	v30 =	vsel vm11, v6, v4  }
0xe5: {  	v16 =	vld [tilespmem:s1+$0x280];
	s30 =	sor.u32 $0x380, s30;
	vm13 =	vgt.f32 v7, v3;
	vm14 =	vgt.f32 v21, v9;
	v18 =	vadd.f32 v57, v51  }
0xe6: {  	s0 =	sor.u32 s8, s0;
	v55 =	vld [tilespmem:s30+$0x0];
	v51 =	vsel vm8, $0x47, v32;
	v32 =	vimm.s32 $0x4C;
	v3 =	vsel vm13, v7, v3  }
0xe7: {  	s2 =	sor.u32 s8, s2;
	v58 =	vld [tilespmem:s0+$0x0];
	v34 =	vsel vm13, v8, v5;
	v9 =	vsel vm14, v21, v9;
	v21 =	vsel vm15, v28, v54  }
0xe8: {  	s13 =	sor.u32 s8, s13;
	v60 =	vld [tilespmem:s2+$0x0];
	v31 =	vsel vm11, $0x4D, v32;
	vm12 =	vgt.f32 v11, v10;
	v20 =	vsel vm14, v51, v20  }
0xe9: {  	s3 =	sor.u32 s8, s3;
	v57 =	vld [tilespmem:s13+$0x0];
	v51 =	vsel vm15, v29, v27;
	vm1 =	vgt.f32 v9, v3;
	vm7 =	vgt.f32 v13, v12  }
0xea: {  	s4 =	sor.u32 s8, s4;
	v5 =	vld [tilespmem:s3+$0x0];
	vm8 =	vgt.f32 v15, v14;
	vm14 =	vgt.f32 v45, v16;
	v32 =	vsel vm12, v11, v10  }
0xeb: {  	v7 =	vld [tilespmem:s4+$0x0];
	s13 =	sor.u32 s8, s5;
	v33 =	vsel vm12, $0x4F, v33;
	v28 =	vsel vm1, v9, v3;
	v3 =	vsel vm7, v13, v12  }
0xec: {  	v8 =	vld [tilespmem:s13+$0x0];
	v29 =	vsel vm8, v15, v14;
	v17 =	vadd.f32 v18, v17;
	vm4 =	vgt.f32 v32, v30  }
0xed: {  	s30 =	sor.u32 s8, s6;
	vm10 =	vgt.f32 v59, v58;
	vm12 =	vgt.f32 v29, v3;
	v27 =	vsel vm4, v32, v30  }
0xee: {  	v9 =	vld [tilespmem:s30+$0x0];
	v54 =	vsel vm4, v33, v31;
	v30 =	vsel vm14, v45, v16;
	v32 =	vsel vm10, v59, v58  }
0xef: {  	v3 =	vsel vm12, v29, v3;
	vm9 =	vgt.f32 v57, v55;
	vm15 =	vgt.f32 v5, v60  }
0xf0: {  	vm3 =	vgt.f32 v27, v21;
	v31 =	vsel vm9, v57, v55;
	v33 =	vsel vm15, v5, v60  }
0xf1: {  	vm11 =	vgt.f32 v8, v7;
	v21 =	vsel vm3, v27, v21;
	vm4 =	vgt.f32 v31, v30  }
0xf2: {  	v27 =	vimm.s32 $0x0;
	v29 =	vsel vm11, v8, v7;
	v30 =	vsel vm4, v31, v30  }
0xf3: {  	vm13 =	vgt.f32 v33, v32;
	vm6 =	vgt.f32 v9, v29;
	vm2 =	vgt.f32 v30, v3  }
0xf4: {  	v31 =	vsel vm13, v33, v32;
	v29 =	vsel vm6, v9, v29;
	v27 =	vsel vm2, $0xFFFFFFFF, v27  }
0xf5: {  	v51 =	vsel vm3, v54, v51;
	vm5 =	vgt.f32 v29, v31;
	[tilespmem:$0x1FF90] =	vst v27;
	v27 =	vimm.s32 $0x0  }
0xf6: {  	v32 =	vimm.s32 $0x0;
	v29 =	vsel vm5, v29, v31;
	v27 =	vsel vm5, $0xFFFFFFFF, v27  }
0xf7: {  	[tilespmem:$0x1FFA0] =	vst v27;
	v27 =	vsel vm2, v30, v3;
	vm2 =	vgt.f32 v21, v28;
	v3 =	vsel vm1, v20, v34  }
0xf8: {  	v20 =	vsel vm2, v21, v28;
	vm0 =	vgt.f32 v29, v27;
	v21 =	vimm.s32 $0x0  }
0xf9: {  	v28 =	vimm.s32 $0x0;
	v21 =	vsel vm0, $0xFFFFFFFF, v21;
	v27 =	vsel vm0, v29, v27  }
0xfa: {  	vm1 =	vgt.f32 v20, v44;
	v29 =	vsel vm11, $0xE, v35;
	v35 =	vimm.s32 $0x10  }
0xfb: {  	[tilespmem:$0x1FFB0] =	vst v21;
	v21 =	vsub.f32 v43, v44;
	v20 =	vsel vm1, v20, v44;
	vm0 =	vlt.f32 v27, $-Inf  }
0xfc: {  	vm5 =	vgt.f32 v27, $-Inf;
	v24 =	vsub.f32 v48, v20;
	v25 =	vsub.f32 v49, v20  }
0xfd: {  	vm5 =	vmor vm5, vm0;
	v26 =	vsub.f32 v50, v20;
	v0 =	vsub.f32 v0, v20  }
0xfe: {  	v1 =	vsub.f32 v1, v20;
	v2 =	vsub.f32 v2, v20;
	v21 =	vmul.f32 $1.442695020e+00, v21  }
0xff: {  	v4 =	vsub.f32 v4, v20;
	v49 =	vsub.f32 v6, v20;
	v24 =	vmul.f32 $1.442695020e+00, v24  }
0x100: {  	(erf) = vpow2.f32 v21;
	v21 =	vmul.f32 $1.442695020e+00, v25;
	v25 =	vsub.f32 v52, v20  }
0x101: {  	(erf) = vpow2.f32 v24;
	v24 =	vmul.f32 $1.442695020e+00, v26;
	v26 =	vsub.f32 v53, v20  }
0x102: {  	(erf) = vpow2.f32 v21;
	v21 =	vmul.f32 $1.442695020e+00, v25;
	v25 =	vsub.f32 v56, v20  }
0x103: {  	(erf) = vpow2.f32 v24;
	v24 =	vmul.f32 $1.442695020e+00, v26;
	v26 =	vsub.f32 v61, v20  }
0x104: {  	(erf) = vpow2.f32 v21;
	v21 =	vmul.f32 $1.442695020e+00, v25;
	v25 =	vsub.f32 v62, v20  }
0x105: {  	v6 =	vadd.f32 v19, v23;
	(erf) = vpow2.f32 v24;
	v24 =	vmul.f32 $1.442695020e+00, v26  }
0x106: {  	s0 =	sadd.s32 $0xC800, s11;
	v50 =	vsub.f32 v10, v20;
	(erf) = vpow2.f32 v21;
	v21 =	vmul.f32 $1.442695020e+00, v25  }
0x107: {  	s31 =	sor.u32 s10, s0;
	v0 =	vmul.f32 $1.442695020e+00, v0;
	v26 =	vsub.f32 v63, v20;
	(erf) = vpow2.f32 v24  }
0x108: {  	v10 =	vadd.f32 v17, v22;
	v1 =	vmul.f32 $1.442695020e+00, v1;
	(erf) = vpow2.f32 v21;
	v21 =	vld [tilespmem:s31+$0x0]  }
0x109: {  	v33 =	vsub.f32 v44, v20;
	v34 =	vmul.f32 $1.442695020e+00, v2;
	v24 =	vmul.f32 $1.442695020e+00, v26  }
0x10a: {  	v28 =	vsel vm5, $0xFFFFFFFF, v28;
	v43 =	vmul.f32 $1.442695020e+00, v4;
	v52 =	vld [tilespmem:s1+$0x0];
	v53 =	vmul.f32 $1.442695020e+00, v49  }
0x10b: {  	v56 =	vsub.f32 v11, v20;
	v61 =	vimm.s32 $0x7;
	(erf) = vpow2.f32 v24  }
0x10c: {  	v62 =	vimm.s32 $0x9;
	v63 =	vimm.s32 $0xB;
	(erf) = vpow2.f32 v0  }
0x10d: {  	v48 =	vpop (erf);
	v0 =	vmul.f32 $1.442695020e+00, v50;
	(erf) = vpow2.f32 v1;
	vm0 =	vgt.f32 v21, v20  }
0x10e: {  	v18 =	vpop (erf);
	v50 =	vnsel vm5, $0xFF800000, v27;
	(erf) = vpow2.f32 v34;
	v11 =	vsel vm0, $0xFFFFFFFF, v32  }
0x10f: {  	v17 =	vpop (erf);
	v1 =	vmul.f32 $1.442695020e+00, v33;
	v49 =	vsub.f32 v52, v50;
	(erf) = vpow2.f32 v43  }
0x110: {  	s3 =	rddreg [dreg:$0x14];
	v19 =	vpop (erf);
	(erf) = vpow2.f32 v53;
	v22 =	vsel vm0, v21, v20;
	v53 =	vsub.f32 v12, v50  }
0x111: {  	s4 =	rddreg [dreg:$0x9];
	s1 =	sor.u32 s8, s3;
	v9 =	vsub.f32 v9, v50;
	v34 =	vmul.f32 $1.442695020e+00, v56;
	[tilespmem:$0x1FFF0] =	vst v11;
	v43 =	vsub.f32 v21, v22;
	v11 =	vpop (erf)  }
0x112: {  	v2 =	vld [tilespmem:s1+$0x0];
	s1 =	sor.u32 s8, s4;
	v56 =	vmul.f32 $1.442695020e+00, v49;
	v20 =	vsub.f32 v20, v22;
	v33 =	vmul.f32 $1.442695020e+00, v53;
	v23 =	vpop (erf)  }
0x113: {  	v4 =	vld [tilespmem:s1+$0x0];
	v32 =	vsub.f32 v13, v50;
	(erf) = vpow2.f32 v0;
	v44 =	vmul.f32 $1.442695020e+00, v43;
	v21 =	vpop (erf)  }
0x114: {  	v52 =	vmul.f32 $1.442695020e+00, v20;
	(erf) = vpow2.f32 v34;
	v34 =	vsub.f32 v14, v50;
	v22 =	vpop (erf)  }
0x115: {  	v43 =	vmul.f32 $1.442695020e+00, v32;
	v11 =	vadd.f32 v11, v19;
	(erf) = vpow2.f32 v1;
	v24 =	vpop (erf)  }
0x116: {  	v1 =	vsel vm2, v51, v3;
	v49 =	vmul.f32 $1.442695020e+00, v34;
	v12 =	vpop (erf);
	(erf) = vpow2.f32 v44  }
0x117: {  	v46 =	vsel vm1, v1, v46;
	v44 =	vsub.f32 v15, v50;
	v13 =	vpop (erf);
	(erf) = vpow2.f32 v52  }
0x118: {  	vm1 =	vgt.f32 v4, v2;
	v52 =	vsub.f32 v16, v50;
	v14 =	vpop (erf);
	(erf) = vpow2.f32 v56  }
0x119: {  	v53 =	vmul.f32 $1.442695020e+00, v44;
	v56 =	vsub.f32 v45, v50;
	v12 =	vadd.f32 v13, v12  }
0x11a: {  	v15 =	vpop (erf);
	(erf) = vpow2.f32 v33;
	v32 =	vmul.f32 $1.442695020e+00, v52;
	v33 =	vsub.f32 v55, v50  }
0x11b: {  	v52 =	vsub.f32 v58, v50;
	v58 =	vimm.s32 $0x1;
	v55 =	vsub.f32 v59, v50  }
0x11c: {  	v59 =	vimm.s32 $0x3;
	(erf) = vpow2.f32 v43;
	v34 =	vmul.f32 $1.442695020e+00, v56  }
0x11d: {  	v16 =	vpop (erf);
	v43 =	vsub.f32 v57, v50;
	v14 =	vadd.f32 v15, v14;
	(erf) = vpow2.f32 v49  }
0x11e: {  	v1 =	vsel vm7, $0x2, v58;
	v20 =	vpop (erf);
	v49 =	vmul.f32 $1.442695020e+00, v33;
	v57 =	vmul.f32 $1.442695020e+00, v52  }
0x11f: {  	v54 =	vsel vm8, $0x4, v59;
	v33 =	vmul.f32 $1.442695020e+00, v55;
	v25 =	vpop (erf);
	(erf) = vpow2.f32 v53  }
0x120: {  	v52 =	vsub.f32 v7, v50;
	v26 =	vpop (erf);
	(erf) = vpow2.f32 v32;
	v32 =	vsub.f32 v60, v50  }
0x121: {  	s5 =	rddreg [dreg:$0xa];
	v53 =	vmul.f32 $1.442695020e+00, v43;
	v45 =	vpop (erf);
	(erf) = vpow2.f32 v34;
	v34 =	vsub.f32 v5, v50  }
0x122: {  	s1 =	sor.u32 s8, s5;
	v43 =	vpop (erf);
	(erf) = vpow2.f32 v49;
	v49 =	vmul.f32 $1.442695020e+00, v32;
	v32 =	vadd.f32 v17, v18  }
0x123: {  	s6 =	rddreg [dreg:$0xb];
	v55 =	vsub.f32 v8, v50;
	v1 =	vsel vm12, v54, v1;
	v5 =	vld [tilespmem:s1+$0x0];
	v44 =	vpop (erf);
	(erf) = vpow2.f32 v53  }
0x124: {  	s10 =	rddreg [dreg:$0xc];
	s1 =	sor.u32 s8, s6;
	v53 =	vmul.f32 $1.442695020e+00, v34;
	v27 =	vpop (erf);
	(erf) = vpow2.f32 v57;
	v51 =	vadd.f32 v11, v32;
	v32 =	vld [tilespmem:$0x1FFA0]  }
0x125: {  	s11 =	rddreg [dreg:$0xd];
	v54 =	vsel vm6, $0xF, v29;
	v7 =	vpop (erf);
	(erf) = vpow2.f32 v33;
	v33 =	vmul.f32 $1.442695020e+00, v9;
	v9 =	vld [tilespmem:s1+$0x0];
	s1 =	sor.u32 s8, s10  }
0x126: {  	s13 =	rddreg [dreg:$0xe];
	v56 =	vmul.f32 $1.442695020e+00, v52;
	v18 =	vadd.f32 v21, v23;
	v8 =	vpop (erf);
	(erf) = vpow2.f32 v49;
	v21 =	vld [tilespmem:s1+$0x0];
	s1 =	sor.u32 s8, s11  }
0x127: {  	s30 =	rddreg [dreg:$0xf];
	v34 =	vadd.f32 v24, v22;
	v49 =	vadd.f32 v10, v6;
	v6 =	vpop (erf);
	(erf) = vpow2.f32 v53;
	v22 =	vld [tilespmem:s1+$0x0];
	s1 =	sor.u32 s8, s13  }
0x128: {  	s31 =	rddreg [dreg:$0x10];
	v57 =	vmul.f32 $1.442695020e+00, v55;
	v55 =	vadd.f32 v20, v16;
	v17 =	vpop (erf);
	(erf) = vpow2.f32 v56;
	v16 =	vld [tilespmem:s1+$0x0];
	s1 =	sor.u32 s8, s30  }
0x129: {  	v60 =	vimm.s32 $0x5;
	v23 =	vsel vm9, $0x8, v61;
	v24 =	vsel vm10, $0xA, v62;
	v19 =	vpop (erf);
	v10 =	vld [tilespmem:s1+$0x0];
	s1 =	sor.u32 s8, s31  }
0x12a: {  	s2 =	rddreg [dreg:$0x11];
	v52 =	vadd.f32 v34, v18;
	v7 =	vadd.f32 v7, v27;
	(erf) = vpow2.f32 v57;
	v13 =	vpop (erf);
	v11 =	vld [tilespmem:s1+$0x0]  }
0x12b: {  	s3 =	rddreg [dreg:$0x12];
	v53 =	vadd.f32 v14, v12;
	(erf) = vpow2.f32 v33;
	s1 =	sor.u32 s8, s2;
	v17 =	vadd.f32 v19, v17;
	v19 =	vld [tilespmem:$0x1FF90];
	v15 =	vpop (erf)  }
0x12c: {  	s4 =	rddreg [dreg:$0x13];
	v56 =	vadd.f32 v26, v25;
	v25 =	vsel vm15, $0xC, v63;
	v6 =	vadd.f32 v6, v8;
	v20 =	vld [tilespmem:s1+$0x0];
	s1 =	sor.u32 s8, s3;
	v3 =	vpop (erf)  }
0x12d: {  	[tilespmem:$0x1FFC0] =	vst v28;
	v57 =	vsel vm14, $0x6, v60;
	v24 =	vsel vm13, v25, v24;
	vm12 =	vnez.u8 v32;
	v28 =	vld [tilespmem:s1+$0x0];
	s1 =	sor.u32 s8, s4;
	v0 =	vpop (erf)  }
0x12e: {  	v32 =	vsel vm1, $0x11, v35;
	v33 =	vsel vm4, v23, v57;
	vm9 =	vgt.f32 v9, v5;
	v23 =	vld [tilespmem:s1+$0x0];
	v18 =	vpop (erf)  }
0x12f: {  	s5 =	rddreg [dreg:$0x15];
	v13 =	vadd.f32 v15, v13;
	v3 =	vadd.f32 v0, v3;
	v0 =	vsel vm12, v54, v24;
	v24 =	vld [tilespmem:$0x1FFB0];
	v26 =	vpop (erf)  }
0x130: {  	s6 =	rddreg [dreg:$0x16];
	vm6 =	vgt.f32 v22, v21;
	s1 =	sor.u32 s8, s5;
	vm10 =	vgt.f32 v10, v16;
	vm11 =	vnez.u8 v19;
	v34 =	vpop (erf)  }
0x131: {  	v27 =	vld [tilespmem:s1+$0x0];
	s1 =	sor.u32 s8, s6;
	v1 =	vsel vm11, v33, v1;
	v18 =	vadd.f32 v26, v18;
	v33 =	vsel vm1, v4, v2;
	v25 =	vpop (erf)  }
0x132: {  	s10 =	rddreg [dreg:$0x17];
	v15 =	vld [tilespmem:s1+$0x0];
	vm11 =	vgt.f32 v20, v11;
	v8 =	vadd.f32 v25, v34;
	v34 =	vsel vm9, v9, v5  }
0x133: {  	s11 =	rddreg [dreg:$0x18];
	s1 =	sor.u32 s8, s10;
	v29 =	vpop (erf);
	vm7 =	vgt.f32 v23, v28;
	v25 =	vsel vm11, v20, v11;
	v3 =	vadd.f32 v18, v3  }
0x134: {  	v19 =	vld [tilespmem:s1+$0x0];
	s1 =	sor.u32 s8, s11;
	v18 =	vsub.f32 $-Inf, v50;
	v57 =	vpop (erf);
	vm13 =	vnez.u8 v24;
	v24 =	vsel vm10, v10, v16  }
0x135: {  	v14 =	vld [tilespmem:s1+$0x0];
	v26 =	vsel vm7, v23, v28;
	vm8 =	vgt.f32 v34, v33;
	v12 =	vadd.f32 v57, v29  }
0x136: {  	v0 =	vsel vm13, v0, v1;
	v1 =	vadd.f32 v6, v7;
	v6 =	vadd.f32 v13, v17  }
0x137: {  	v17 =	vsel vm6, v22, v21;
	vm13 =	vgt.f32 v15, v27;
	v7 =	vsel vm8, v34, v33  }
0x138: {  	vm4 =	vgt.f32 v26, v25;
	v33 =	vmul.f32 $1.442695020e+00, v18;
	v34 =	vsel vm9, $0x13, v36  }
0x139: {  	v36 =	vimm.s32 $0x14;
	v29 =	vsel vm13, v15, v27;
	vm5 =	vgt.f32 v24, v17  }
0x13a: {  	vm12 =	vgt.f32 v14, v19;
	v54 =	vsel vm5, v24, v17;
	v17 =	vsel vm4, v26, v25  }
0x13b: {  	v8 =	vadd.f32 v12, v8;
	v1 =	vadd.f32 v6, v1;
	v30 =	vsel vm12, v14, v19  }
0x13c: {  	(erf) = vpow2.f32 v33;
	v12 =	vsel vm8, v34, v32;
	vm0 =	vgt.f32 v30, v29  }
0x13d: {  	vm3 =	vgt.f32 v54, v7;
	v26 =	vsel vm12, $0x1F, v39;
	v24 =	vsel vm0, v30, v29  }
0x13e: {  	v39 =	vimm.s32 $0x26;
	v3 =	vadd.f32 v8, v3;
	vm14 =	vgt.f32 v24, v17  }
0x13f: {  	v7 =	vsel vm3, v54, v7;
	v54 =	vimm.s32 $0x0;
	v57 =	vsel vm14, v24, v17  }
0x140: {  	v1 =	vadd.f32 v3, v1;
	v17 =	vsel vm10, $0x17, v37;
	vm1 =	vgt.f32 v57, v7  }
0x141: {  	v37 =	vimm.s32 $0x18;
	v24 =	vsel vm7, $0x1B, v38;
	v7 =	vsel vm1, v57, v7  }
0x142: {  	v38 =	vimm.s32 $0x1C;
	v18 =	vsel vm11, $0x19, v37;
	vm15 =	vgt.f32 v7, v50  }
0x143: {  	s13 =	sld [smem:$0x7E2];
	v25 =	vsel vm13, $0x1D, v38;
	v13 =	vsel vm15, $0xFFFFFFFF, v54;
	v54 =	vsel vm15, v7, v50  }
0x144: {  	s30 =	sld [smem:$0x7E3];
	v18 =	vsel vm4, v24, v18;
	v25 =	vsel vm0, v26, v25;
	v2 =	vsub.f32 v2, v54  }
0x145: {  	s31 =	sld [smem:$0x7E4];
	v18 =	vsel vm14, v25, v18;
	[tilespmem:$0x1FFD0] =	vst v13;
	v13 =	vsel vm6, $0x15, v36;
	v4 =	vsub.f32 v4, v54  }
0x146: {  	s2 =	sld [smem:$0x7E5];
	s1 =	sor.u32 s8, s13;
	v5 =	vsub.f32 v5, v54;
	v7 =	vsub.f32 v9, v54;
	v2 =	vmul.f32 $1.442695020e+00, v2  }
0x147: {  	s3 =	sld [smem:$0x7E6];
	v33 =	vsub.f32 v21, v54;
	v21 =	vsub.f32 v22, v54;
	v57 =	vmul.f32 $1.442695020e+00, v4;
	v4 =	vld [tilespmem:s1+$0x0];
	s1 =	sor.u32 s8, s30  }
0x148: {  	s4 =	sld [smem:$0x7E7];
	v10 =	vsub.f32 v10, v54;
	v32 =	vmul.f32 $1.442695020e+00, v5;
	(erf) = vpow2.f32 v2;
	v2 =	vld [tilespmem:s1+$0x0];
	s1 =	sor.u32 s8, s31  }
0x149: {  	s5 =	sld [smem:$0x7E8];
	v11 =	vsub.f32 v11, v54;
	v7 =	vmul.f32 $1.442695020e+00, v7;
	(erf) = vpow2.f32 v57;
	v5 =	vld [tilespmem:s1+$0x0];
	s1 =	sor.u32 s8, s2  }
0x14a: {  	s6 =	sld [smem:$0x7E9];
	v34 =	vmul.f32 $1.442695020e+00, v33;
	v57 =	vsub.f32 v16, v54;
	(erf) = vpow2.f32 v32;
	v6 =	vld [tilespmem:s1+$0x0];
	s1 =	sor.u32 s8, s3  }
0x14b: {  	s10 =	sld [smem:$0x7EA];
	v20 =	vsub.f32 v20, v54;
	v16 =	vmul.f32 $1.442695020e+00, v21;
	(erf) = vpow2.f32 v7;
	v7 =	vld [tilespmem:s1+$0x0];
	s1 =	sor.u32 s8, s4  }
0x14c: {  	s11 =	sld [smem:$0x7EB];
	v15 =	vsub.f32 v15, v54;
	v21 =	vmul.f32 $1.442695020e+00, v57;
	(erf) = vpow2.f32 v34;
	v8 =	vld [tilespmem:s1+$0x0];
	s1 =	sor.u32 s8, s5  }
0x14d: {  	s13 =	sld [smem:$0x7EC];
	v19 =	vsub.f32 v19, v54;
	(erf) = vpow2.f32 v16;
	v16 =	vmul.f32 $1.442695020e+00, v10;
	v9 =	vld [tilespmem:s1+$0x0];
	s1 =	sor.u32 s8, s6  }
0x14e: {  	v11 =	vmul.f32 $1.442695020e+00, v11;
	s30 =	sld [smem:$0x7ED];
	(erf) = vpow2.f32 v21;
	v21 =	vsub.f32 v28, v54;
	v10 =	vld [tilespmem:s1+$0x0];
	s1 =	sor.u32 s8, s10  }
0x14f: {  	(erf) = vpow2.f32 v16;
	v16 =	vmul.f32 $1.442695020e+00, v20;
	v20 =	vsub.f32 v23, v54;
	v22 =	vld [tilespmem:s1+$0x0];
	s1 =	sor.u32 s8, s11  }
0x150: {  	s31 =	sld [smem:$0x7EE];
	(erf) = vpow2.f32 v11;
	v32 =	vmul.f32 $1.442695020e+00, v21;
	v21 =	vsub.f32 v27, v54;
	v23 =	vld [tilespmem:s1+$0x0];
	s1 =	sor.u32 s8, s13  }
0x151: {  	v14 =	vsub.f32 v14, v54;
	s2 =	sld [smem:$0x7EF];
	(erf) = vpow2.f32 v16;
	v16 =	vmul.f32 $1.442695020e+00, v20;
	v20 =	vld [tilespmem:s1+$0x0];
	s1 =	sor.u32 s8, s30  }
0x152: {  	v13 =	vsel vm5, v17, v13;
	v15 =	vmul.f32 $1.442695020e+00, v15;
	s3 =	sld [smem:$0x7F0];
	v33 =	vmul.f32 $1.442695020e+00, v21;
	v21 =	vld [tilespmem:s1+$0x0]  }
0x153: {  	v14 =	vmul.f32 $1.442695020e+00, v14;
	v12 =	vsel vm3, v13, v12;
	s4 =	sld [smem:$0x7F1];
	(erf) = vpow2.f32 v32;
	s1 =	sor.u32 s8, s31  }
0x154: {  	v12 =	vsel vm1, v18, v12;
	v34 =	vmul.f32 $1.442695020e+00, v19;
	v27 =	vpop (erf);
	(erf) = vpow2.f32 v16;
	v16 =	vld [tilespmem:s1+$0x0];
	s1 =	sor.u32 s8, s2  }
0x155: {  	vm0 =	vgt.f32 v2, v4;
	v28 =	vpop (erf);
	vm5 =	vgt.f32 v8, v7;
	(erf) = vpow2.f32 v33;
	v19 =	vld [tilespmem:s1+$0x0];
	s1 =	sor.u32 s8, s3  }
0x156: {  	vm4 =	vgt.f32 v6, v5;
	v17 =	vpop (erf);
	v26 =	vsel vm5, v8, v7;
	(erf) = vpow2.f32 v15;
	v15 =	vld [tilespmem:s1+$0x0];
	s1 =	sor.u32 s8, s4  }
0x157: {  	vm2 =	vgt.f32 v10, v9;
	vm6 =	vgt.f32 v23, v22;
	v11 =	vld [tilespmem:s1+$0x0];
	vm7 =	vgt.f32 v21, v20  }
0x158: {  	v24 =	vpop (erf);
	v29 =	vsel vm2, v10, v9;
	v31 =	vsel vm6, v23, v22;
	v32 =	vsel vm7, v21, v20  }
0x159: {  	v25 =	vsel vm4, v6, v5;
	v13 =	vpop (erf);
	vm14 =	vgt.f32 v29, v26;
	vm15 =	vgt.f32 v32, v31  }
0x15a: {  	v13 =	vadd.f32 v13, v24;
	(erf) = vpow2.f32 v34;
	v31 =	vsel vm15, v32, v31;
	v32 =	vld [tilespmem:$0x1FFC0]  }
0x15b: {  	v26 =	vsel vm14, v29, v26;
	(erf) = vpow2.f32 v14;
	v14 =	vsel vm0, v2, v4  }
0x15c: {  	v30 =	vpop (erf);
	vm13 =	vgt.f32 v25, v14;
	vm8 =	vgt.f32 v19, v16;
	vm12 =	vgt.f32 v11, v15  }
0x15d: {  	v33 =	vpop (erf);
	v14 =	vsel vm13, v25, v14;
	v34 =	vsel vm8, v19, v16;
	v25 =	vsel vm12, v11, v15  }
0x15e: {  	v57 =	vpop (erf);
	v24 =	vadd.f32 v33, v30;
	v33 =	vimm.s32 $0x22;
	vm9 =	vgt.f32 v25, v34  }
0x15f: {  	v30 =	vsub.f32 v50, v54;
	v29 =	vpop (erf);
	v25 =	vsel vm9, v25, v34;
	vm10 =	vnez.u8 v32  }
0x160: {  	v34 =	vimm.s32 $0x0;
	v32 =	vpop (erf);
	vm11 =	vgt.f32 v25, v31;
	v0 =	vnsel vm10, $0x1, v0  }
0x161: {  	v18 =	vpop (erf);
	vm10 =	vgt.f32 v26, v14;
	v34 =	vsel vm11, $0xFFFFFFFF, v34;
	v25 =	vsel vm11, v25, v31  }
0x162: {  	[tilespmem:$0x1FFE0] =	vst v34;
	v34 =	vadd.f32 v56, v55;
	v14 =	vsel vm10, v26, v14;
	v26 =	vpop (erf);
	v56 =	vadd.f32 v17, v28  }
0x163: {  	v28 =	vadd.f32 v29, v57;
	v18 =	vadd.f32 v18, v32;
	v17 =	vpop (erf);
	vm1 =	vgt.f32 v25, v14  }
0x164: {  	v32 =	vimm.s32 $0x20;
	v14 =	vsel vm1, v25, v14;
	v17 =	vadd.f32 v17, v26  }
0x165: {  	v25 =	vpop (erf);
	v24 =	vadd.f32 v28, v24;
	v28 =	vimm.s32 $0x2C;
	vm11 =	vgt.f32 v14, v54  }
0x166: {  	v13 =	vadd.f32 v13, v56;
	v29 =	vpop (erf);
	v28 =	vsel vm8, $0x2D, v28;
	v50 =	vsel vm11, v14, v54  }
0x167: {  	v14 =	vmul.f32 v48, v47;
	v25 =	vadd.f32 v29, v25;
	v17 =	vadd.f32 v17, v18  }
0x168: {  	v48 =	vmul.f32 $1.442695020e+00, v30;
	v13 =	vadd.f32 v24, v13;
	v4 =	vsub.f32 v4, v50  }
0x169: {  	v24 =	vimm.s32 $0x28;
	v2 =	vsub.f32 v2, v50;
	v55 =	vsub.f32 v5, v50  }
0x16a: {  	v26 =	vpop (erf);
	v56 =	vsub.f32 v6, v50;
	v5 =	vmul.f32 $0.0e+00, v27;
	v57 =	vsub.f32 v7, v50  }
0x16b: {  	v29 =	vpop (erf);
	v15 =	vsub.f32 v15, v50;
	v24 =	vsel vm6, $0x29, v24;
	v54 =	vsub.f32 v54, v50  }
0x16c: {  	v26 =	vadd.f32 v29, v26;
	(erf) = vpow2.f32 v48;
	v4 =	vmul.f32 $1.442695020e+00, v4  }
0x16d: {  	v48 =	vsub.f32 v8, v50;
	v2 =	vmul.f32 $1.442695020e+00, v2;
	v3 =	vmul.f32 $1.442695020e+00, v55  }
0x16e: {  	v29 =	vimm.s32 $0x2E;
	v47 =	vmul.f32 $1.442695020e+00, v56;
	v55 =	vmul.f32 $1.442695020e+00, v57  }
0x16f: {  	v56 =	vsub.f32 v9, v50;
	v9 =	vsub.f32 v10, v50;
	(erf) = vpow2.f32 v4  }
0x170: {  	v1 =	vadd.f32 v1, v5;
	v57 =	vmul.f32 $1.442695020e+00, v48;
	(erf) = vpow2.f32 v2  }
0x171: {  	v29 =	vsel vm12, $0x2F, v29;
	v10 =	vmul.f32 $1.442695020e+00, v56;
	(erf) = vpow2.f32 v3  }
0x172: {  	v48 =	vmul.f32 $1.442695020e+00, v9;
	(erf) = vpow2.f32 v47;
	v47 =	vsub.f32 v22, v50  }
0x173: {  	v22 =	vadd.f32 v34, v53;
	v53 =	vimm.s32 $0x3C;
	(erf) = vpow2.f32 v55  }
0x174: {  	v34 =	vimm.s32 $0x24;
	v55 =	vsub.f32 v23, v50;
	(erf) = vpow2.f32 v57  }
0x175: {  	v56 =	vmul.f32 $1.442695020e+00, v47;
	v57 =	vsub.f32 v20, v50;
	(erf) = vpow2.f32 v10  }
0x176: {  	s5 =	sld [smem:$0x7F2];
	v47 =	vmul.f32 $1.442695020e+00, v55;
	v10 =	vsub.f32 v19, v50;
	(erf) = vpow2.f32 v48  }
0x177: {  	v48 =	vsub.f32 v21, v50;
	v55 =	vmul.f32 $1.442695020e+00, v57;
	v21 =	vadd.f32 v52, v51  }
0x178: {  	v9 =	vpop (erf);
	v52 =	vimm.s32 $0x3A;
	v51 =	vimm.s32 $0x38;
	(erf) = vpow2.f32 v56  }
0x179: {  	s6 =	rddreg [dreg:$0x19];
	s1 =	sor.u32 s8, s5;
	v1 =	vmul.f32 v9, v1;
	v56 =	vsub.f32 v16, v50;
	(erf) = vpow2.f32 v47  }
0x17a: {  	s10 =	rddreg [dreg:$0x1a];
	v3 =	vld [tilespmem:s1+$0x0];
	s1 =	sor.u32 s8, s6;
	v16 =	vpop (erf);
	v57 =	vmul.f32 $1.442695020e+00, v48;
	v47 =	vmul.f32 $1.442695020e+00, v10;
	v48 =	vsub.f32 v11, v50  }
0x17b: {  	s11 =	rddreg [dreg:$0x1b];
	v4 =	vld [tilespmem:s1+$0x0];
	v18 =	vpop (erf);
	(erf) = vpow2.f32 v55;
	v6 =	vmul.f32 $1.442695020e+00, v56;
	v55 =	vadd.f32 v26, v25  }
0x17c: {  	s13 =	rddreg [dreg:$0x1c];
	s1 =	sor.u32 s8, s10;
	v25 =	vimm.s32 $0x2A;
	v19 =	vpop (erf);
	(erf) = vpow2.f32 v57;
	v57 =	vmul.f32 $1.442695020e+00, v48;
	v48 =	vld [tilespmem:$0x1FFD0]  }
0x17d: {  	s30 =	rddreg [dreg:$0x1d];
	v56 =	vmul.f32 $1.442695020e+00, v15;
	v25 =	vsel vm7, $0x2B, v25;
	v20 =	vpop (erf);
	(erf) = vpow2.f32 v6;
	v6 =	vld [tilespmem:s1+$0x0];
	s1 =	sor.u32 s8, s11  }
0x17e: {  	s31 =	rddreg [dreg:$0x1e];
	v16 =	vadd.f32 v18, v16;
	v5 =	vpop (erf);
	(erf) = vpow2.f32 v47;
	v7 =	vld [tilespmem:s1+$0x0];
	v47 =	vadd.f32 v55, v17;
	s1 =	sor.u32 s8, s13  }
0x17f: {  	s2 =	rddreg [dreg:$0x1f];
	v19 =	vadd.f32 v20, v19;
	v17 =	vpop (erf);
	(erf) = vpow2.f32 v56;
	v8 =	vld [tilespmem:s1+$0x0];
	s1 =	sor.u32 s8, s30;
	v56 =	vsel vm0, $0x21, v32  }
0x180: {  	s3 =	sld [smem:$0x7F3];
	v23 =	vpop (erf);
	(erf) = vpow2.f32 v57;
	v10 =	vld [tilespmem:s1+$0x0];
	v55 =	vadd.f32 v47, v13;
	s1 =	sor.u32 s8, s31;
	v47 =	vadd.f32 v22, v21  }
0x181: {  	s4 =	sld [smem:$0x7F4];
	v57 =	vsel vm4, $0x23, v33;
	v22 =	vsel vm2, $0x27, v39;
	v5 =	vadd.f32 v17, v5;
	v2 =	vpop (erf);
	v11 =	vld [tilespmem:s1+$0x0];
	s1 =	sor.u32 s8, s2  }
0x182: {  	s5 =	sld [smem:$0x7F5];
	v16 =	vadd.f32 v19, v16;
	vm3 =	vnez.u8 v48;
	v48 =	vadd.f32 v49, v14;
	v14 =	vpop (erf);
	v13 =	vld [tilespmem:s1+$0x0]  }
0x183: {  	s6 =	sld [smem:$0x7F6];
	v12 =	vsel vm3, v12, v0;
	v49 =	vadd.f32 v55, v1;
	s1 =	sor.u32 s8, s3;
	v0 =	vsel vm13, v57, v56;
	v57 =	vld [tilespmem:$0x1FFE0];
	v21 =	vpop (erf)  }
0x184: {  	s10 =	sld [smem:$0x7F7];
	v55 =	vsel vm5, $0x25, v34;
	v23 =	vadd.f32 v2, v23;
	vm5 =	vgt.f32 v4, v3;
	v15 =	vld [tilespmem:s1+$0x0];
	s1 =	sor.u32 s8, s4;
	v26 =	vpop (erf)  }
0x185: {  	s11 =	sld [smem:$0x7F8];
	v1 =	vsel vm14, v22, v55;
	v22 =	vsel vm15, v25, v24;
	v25 =	vsel vm9, v29, v28;
	v27 =	vld [tilespmem:s1+$0x0];
	s1 =	sor.u32 s8, s5;
	v56 =	vpop (erf)  }
0x186: {  	s13 =	sld [smem:$0x7F9];
	vm6 =	vgt.f32 v7, v6;
	v55 =	vsel vm5, v4, v3;
	v1 =	vsel vm10, v1, v0;
	v30 =	vld [tilespmem:s1+$0x0];
	s1 =	sor.u32 s8, s6;
	v24 =	vpop (erf)  }
0x187: {  	s30 =	sld [smem:$0x7FA];
	v14 =	vadd.f32 v21, v14;
	vm2 =	vgt.f32 v10, v8;
	v18 =	vld [tilespmem:s1+$0x0];
	s1 =	sor.u32 s8, s10;
	v9 =	vadd.f32 v56, v26;
	v28 =	vpop (erf)  }
0x188: {  	v17 =	vld [tilespmem:s1+$0x0];
	s1 =	sor.u32 s8, s11;
	vm14 =	vnez.u8 v57;
	vm9 =	vgt.f32 v13, v11;
	v57 =	vimm.s32 $0x34;
	v20 =	vpop (erf)  }
0x189: {  	v0 =	vld [tilespmem:s1+$0x0];
	v21 =	vsel vm14, v25, v22;
	v24 =	vadd.f32 v28, v24;
	s1 =	sor.u32 s8, s13;
	v25 =	vsel vm9, v13, v11;
	v22 =	vpop (erf)  }
0x18a: {  	v2 =	vld [tilespmem:s1+$0x0];
	v21 =	vsel vm1, v21, v1;
	s1 =	sor.u32 s8, s30;
	vm10 =	vgt.f32 v27, v15;
	v20 =	vadd.f32 v22, v20  }
0x18b: {  	v1 =	vld [tilespmem:s1+$0x0];
	v19 =	vsel vm11, v21, v12;
	v21 =	vadd.f32 v23, v5;
	v22 =	vsel vm6, v7, v6  }
0x18c: {  	v23 =	vsel vm2, v10, v8;
	v26 =	vsel vm10, v27, v15;
	v5 =	vadd.f32 v9, v14  }
0x18d: {  	v14 =	vsel vm2, $0x35, v57;
	vm11 =	vgt.f32 v18, v30;
	vm7 =	vgt.f32 v22, v55  }
0x18e: {  	vm14 =	vgt.f32 v25, v23;
	v28 =	vsel vm11, v18, v30;
	v12 =	vsel vm7, v22, v55  }
0x18f: {  	v22 =	vsel vm14, v25, v23;
	v9 =	vadd.f32 v20, v24;
	v24 =	vsel vm10, $0x39, v51  }
0x190: {  	vm12 =	vgt.f32 v0, v17;
	vm8 =	vgt.f32 v28, v26;
	vm13 =	vgt.f32 v1, v2  }
0x191: {  	vm3 =	vgt.f32 v22, v12;
	v29 =	vsel vm12, v0, v17;
	v31 =	vsel vm13, v1, v2  }
0x192: {  	v23 =	vsel vm8, v28, v26;
	v26 =	vmul.f32 $1.442695020e+00, v54;
	vm4 =	vgt.f32 v31, v29  }
0x193: {  	v12 =	vsel vm3, v22, v12;
	v22 =	vimm.s32 $0x32;
	v25 =	vsel vm4, v31, v29  }
0x194: {  	v5 =	vadd.f32 v9, v5;
	v22 =	vsel vm6, $0x33, v22;
	vm0 =	vgt.f32 v25, v23  }
0x195: {  	(erf) = vpow2.f32 v26;
	v31 =	vimm.s32 $0x30;
	v56 =	vsel vm0, v25, v23  }
0x196: {  	v26 =	vsel vm12, $0x3D, v53;
	v20 =	vsel vm5, $0x31, v31;
	vm15 =	vgt.f32 v56, v12  }
0x197: {  	v23 =	vimm.s32 $0x36;
	v25 =	vsel vm11, $0x3B, v52;
	v12 =	vsel vm15, v56, v12  }
0x198: {  	v52 =	vimm.s32 $0x3E;
	v20 =	vsel vm7, v22, v20;
	vm6 =	vgt.f32 v12, v50  }
0x199: {  	v23 =	vsel vm9, $0x37, v23;
	v28 =	vsel vm13, $0x3F, v52;
	v51 =	vsel vm6, v12, v50  }
0x19a: {  	v22 =	vsel vm14, v23, v14;
	v23 =	vsel vm8, v25, v24;
	v3 =	vsub.f32 v3, v51  }
0x19b: {  	s6 =	sor.u32 s8, s25;
	s25 =	sor.u32 s8, s18;
	v25 =	vsel vm4, v28, v26;
	v4 =	vsub.f32 v4, v51;
	v6 =	vsub.f32 v6, v51  }
0x19c: {  	s31 =	sld [smem:$0x7FB];
	s4 =	sor.u32 s8, s28;
	v29 =	vld [tilespmem:s25+$0x0];
	v20 =	vsel vm3, v22, v20;
	v7 =	vsub.f32 v7, v51;
	v54 =	vsub.f32 v8, v51  }
0x19d: {  	s2 =	sld [smem:$0x7FC];
	s5 =	sor.u32 s8, s26;
	s26 =	sor.u32 s8, s12;
	v26 =	vld [tilespmem:s4+$0x0];
	v23 =	vsel vm0, v25, v23;
	v56 =	vsub.f32 v10, v51;
	v52 =	vsub.f32 v11, v51  }
0x19e: {  	s11 =	sor.u32 s8, s23;
	s23 =	sor.u32 s8, s20;
	v22 =	vld [tilespmem:s26+$0x0];
	v17 =	vsub.f32 v17, v51;
	v3 =	vmul.f32 $1.442695020e+00, v3;
	v4 =	vmul.f32 $1.442695020e+00, v4  }
0x19f: {  	s1 =	sor.u32 s8, s31;
	v28 =	vld [tilespmem:s23+$0x0];
	v0 =	vsub.f32 v0, v51;
	v53 =	vmul.f32 $1.442695020e+00, v6;
	v55 =	vmul.f32 $1.442695020e+00, v7  }
0x1a0: {  	v12 =	vld [tilespmem:s1+$0x0];
	s1 =	sor.u32 s8, s2;
	v2 =	vsub.f32 v2, v51;
	v57 =	vmul.f32 $1.442695020e+00, v54;
	(erf) = vpow2.f32 v3  }
0x1a1: {  	s3 =	sld [smem:$0x7FD];
	v14 =	vld [tilespmem:s1+$0x0];
	v1 =	vsub.f32 v1, v51;
	v0 =	vmul.f32 $1.442695020e+00, v0;
	(erf) = vpow2.f32 v4  }
0x1a2: {  	v8 =	vld [tilespmem:s5+$0x0];
	v54 =	vsub.f32 v13, v51;
	v2 =	vmul.f32 $1.442695020e+00, v2;
	(erf) = vpow2.f32 v53  }
0x1a3: {  	s10 =	sor.u32 s8, s24;
	v10 =	vld [tilespmem:s6+$0x0];
	vm4 =	vgt.f32 v22, v29;
	v53 =	vmul.f32 $1.442695020e+00, v56;
	(erf) = vpow2.f32 v55  }
0x1a4: {  	s1 =	sor.u32 s8, s3;
	v11 =	vld [tilespmem:s10+$0x0];
	v56 =	vsub.f32 v15, v51;
	v55 =	vmul.f32 $1.442695020e+00, v52;
	(erf) = vpow2.f32 v57  }
0x1a5: {  	v24 =	vld [tilespmem:s1+$0x0];
	v52 =	vsub.f32 v27, v51;
	v57 =	vmul.f32 $1.442695020e+00, v54;
	(erf) = vpow2.f32 v53  }
0x1a6: {  	s13 =	sor.u32 s8, s22;
	v13 =	vld [tilespmem:s11+$0x0];
	v54 =	vsub.f32 v30, v51;
	v53 =	vmul.f32 $1.442695020e+00, v56;
	(erf) = vpow2.f32 v55  }
0x1a7: {  	s22 =	sor.u32 s8, s21;
	v15 =	vld [tilespmem:s13+$0x0];
	v56 =	vsub.f32 v18, v51;
	v55 =	vmul.f32 $1.442695020e+00, v52;
	(erf) = vpow2.f32 v57  }
0x1a8: {  	s24 =	sor.u32 s8, s19;
	v4 =	vadd.f32 v21, v16;
	v27 =	vld [tilespmem:s22+$0x0];
	v6 =	vmul.f32 $1.442695020e+00, v54;
	(erf) = vpow2.f32 v53  }
0x1a9: {  	s28 =	sor.u32 s8, s9;
	v16 =	vsel vm15, v23, v20;
	v18 =	vld [tilespmem:s24+$0x0];
	v7 =	vmul.f32 $1.442695020e+00, v56;
	(erf) = vpow2.f32 v55  }
0x1aa: {  	s30 =	sor.u32 s8, s7;
	vm15 =	vgt.f32 v14, v12;
	v57 =	vmul.f32 $1.442695020e+00, v17;
	v17 =	vld [tilespmem:s28+$0x0];
	(erf) = vpow2.f32 v6  }
0x1ab: {  	vm5 =	vgt.f32 v10, v8;
	v3 =	vpop (erf);
	vm2 =	vgt.f32 v13, v11;
	(erf) = vpow2.f32 v7;
	v7 =	vld [tilespmem:s30+$0x0]  }
0x1ac: {  	vm14 =	vgt.f32 v26, v24;
	v21 =	vsel vm2, v13, v11;
	v30 =	vsel vm4, v22, v29  }
0x1ad: {  	v52 =	vsel vm6, v16, v19;
	v16 =	vsel vm14, v26, v24;
	v19 =	vsel vm5, v10, v8  }
0x1ae: {  	vm10 =	vgt.f32 v21, v19;
	v53 =	vsel vm15, v14, v12;
	vm3 =	vgt.f32 v27, v15  }
0x1af: {  	v19 =	vsel vm10, v21, v19;
	v23 =	vsel vm3, v27, v15;
	vm1 =	vgt.f32 v18, v28  }
0x1b0: {  	vm13 =	vgt.f32 v16, v53;
	v25 =	vsel vm1, v18, v28;
	vm0 =	vgt.f32 v7, v17  }
0x1b1: {  	v6 =	vsel vm13, v16, v53;
	vm8 =	vgt.f32 v25, v23;
	v16 =	vsel vm0, v7, v17  }
0x1b2: {  	v4 =	vadd.f32 v5, v4;
	v21 =	vsel vm8, v25, v23;
	vm6 =	vgt.f32 v16, v30  }
0x1b3: {  	v3 =	vmul.f32 v3, v49;
	v20 =	vpop (erf);
	vm9 =	vgt.f32 v19, v6;
	v16 =	vsel vm6, v16, v30  }
0x1b4: {  	v1 =	vmul.f32 $1.442695020e+00, v1;
	v6 =	vsel vm9, v19, v6;
	v19 =	vpop (erf);
	vm7 =	vgt.f32 v16, v21  }
0x1b5: {  	v3 =	vadd.f32 v4, v3;
	(erf) = vpow2.f32 v57;
	v16 =	vsel vm7, v16, v21;
	v21 =	vpop (erf)  }
0x1b6: {  	(erf) = vpow2.f32 v0;
	v9 =	vadd.f32 v19, v20;
	vm11 =	vgt.f32 v16, v6;
	v55 =	vpop (erf)  }
0x1b7: {  	v19 =	vsub.f32 v50, v51;
	(erf) = vpow2.f32 v2;
	v54 =	vsel vm11, v16, v6;
	v56 =	vpop (erf)  }
0x1b8: {  	(erf) = vpow2.f32 v1;
	v1 =	vadd.f32 v55, v21;
	vm12 =	vgt.f32 v54, v51;
	v16 =	vpop (erf)  }
0x1b9: {  	v19 =	vmul.f32 $1.442695020e+00, v19;
	v0 =	vsel vm12, v54, v51;
	v2 =	vadd.f32 v16, v56  }
0x1ba: {  	v25 =	vimm.s32 $0x2A;
	v1 =	vadd.f32 v1, v9;
	v12 =	vsub.f32 v12, v0  }
0x1bb: {  	(erf) = vpow2.f32 v19;
	v14 =	vsub.f32 v14, v0;
	v19 =	vsub.f32 v26, v0  }
0x1bc: {  	v50 =	vimm.s32 $0x40;
	v57 =	vpop (erf);
	v8 =	vsub.f32 v8, v0;
	v10 =	vsub.f32 v10, v0  }
0x1bd: {  	v30 =	vimm.s32 $0x36;
	v16 =	vpop (erf);
	v11 =	vsub.f32 v11, v0;
	v13 =	vsub.f32 v13, v0  }
0x1be: {  	v6 =	vadd.f32 v16, v57;
	v16 =	vsub.f32 v24, v0;
	v12 =	vmul.f32 $1.442695020e+00, v12  }
0x1bf: {  	v26 =	vimm.s32 $0x2C;
	v15 =	vsub.f32 v15, v0;
	v20 =	vsub.f32 v27, v0  }
0x1c0: {  	v27 =	vimm.s32 $0x2E;
	v14 =	vmul.f32 $1.442695020e+00, v14;
	v16 =	vmul.f32 $1.442695020e+00, v16  }
0x1c1: {  	v21 =	vsub.f32 v28, v0;
	v19 =	vmul.f32 $1.442695020e+00, v19;
	v8 =	vmul.f32 $1.442695020e+00, v8  }
0x1c2: {  	v28 =	vimm.s32 $0x32;
	v10 =	vmul.f32 $1.442695020e+00, v10;
	(erf) = vpow2.f32 v12;
	v12 =	vpop (erf)  }
0x1c3: {  	v18 =	vsub.f32 v18, v0;
	v11 =	vmul.f32 $1.442695020e+00, v11;
	(erf) = vpow2.f32 v14;
	v53 =	vpop (erf)  }
0x1c4: {  	v23 =	vsub.f32 v29, v0;
	v13 =	vmul.f32 $1.442695020e+00, v13;
	(erf) = vpow2.f32 v16;
	v16 =	vpop (erf)  }
0x1c5: {  	v29 =	vimm.s32 $0x34;
	v15 =	vmul.f32 $1.442695020e+00, v15;
	(erf) = vpow2.f32 v19;
	v19 =	vpop (erf)  }
0x1c6: {  	v22 =	vsub.f32 v22, v0;
	v20 =	vmul.f32 $1.442695020e+00, v20;
	(erf) = vpow2.f32 v8;
	v54 =	vpop (erf)  }
0x1c7: {  	v17 =	vsub.f32 v17, v0;
	v21 =	vmul.f32 $1.442695020e+00, v21;
	(erf) = vpow2.f32 v10;
	v55 =	vpop (erf)  }
0x1c8: {  	v7 =	vsub.f32 v7, v0;
	v18 =	vmul.f32 $1.442695020e+00, v18;
	(erf) = vpow2.f32 v11;
	v56 =	vpop (erf)  }
0x1c9: {  	v51 =	vsub.f32 v51, v0;
	v23 =	vmul.f32 $1.442695020e+00, v23;
	(erf) = vpow2.f32 v13;
	v57 =	vpop (erf)  }
0x1ca: {  	v22 =	vmul.f32 $1.442695020e+00, v22;
	v2 =	vadd.f32 v6, v2;
	(erf) = vpow2.f32 v15;
	v15 =	vpop (erf)  }
0x1cb: {  	v24 =	vimm.s32 $0x28;
	v17 =	vmul.f32 $1.442695020e+00, v17;
	(erf) = vpow2.f32 v20;
	v20 =	vpop (erf)  }
0x1cc: {  	v7 =	vmul.f32 $1.442695020e+00, v7;
	v1 =	vadd.f32 v2, v1;
	(erf) = vpow2.f32 v21;
	v21 =	vpop (erf)  }
0x1cd: {  	v8 =	vadd.f32 v55, v54;
	v13 =	vadd.f32 v57, v56;
	(erf) = vpow2.f32 v18;
	v18 =	vpop (erf)  }
0x1ce: {  	s0 =	sor.u32 s8, s0;
	v12 =	vadd.f32 v53, v12;
	v16 =	vadd.f32 v19, v16;
	(erf) = vpow2.f32 v23;
	v14 =	vpop (erf)  }
0x1cf: {  	v55 =	vmul.f32 $1.442695020e+00, v51;
	v8 =	vadd.f32 v13, v8;
	(erf) = vpow2.f32 v22;
	v22 =	vld [tilespmem:s0+$0x0];
	v19 =	vpop (erf)  }
0x1d0: {  	v23 =	vimm.s32 $0x1E;
	(erf) = vpow2.f32 v17;
	v17 =	vadd.f32 v21, v20;
	v11 =	vpop (erf)  }
0x1d1: {  	v21 =	vimm.s32 $0x16;
	v20 =	vimm.s32 $0x12;
	v6 =	vpop (erf);
	(erf) = vpow2.f32 v7  }
0x1d2: {  	v7 =	vsel vm15, $0x41, v50;
	v50 =	vadd.f32 v16, v12;
	v16 =	vimm.s32 $0x42  }
0x1d3: {  	v11 =	vadd.f32 v11, v19;
	v19 =	vimm.s32 $0xD;
	v10 =	vpop (erf);
	v12 =	vsel vm14, $0x43, v16  }
0x1d4: {  	(erf) = vpow2.f32 v55;
	v5 =	vpop (erf);
	v54 =	vadd.f32 v8, v50;
	vm15 =	vgt.f32 v22, v0  }
0x1d5: {  	v50 =	vadd.f32 v14, v18;
	v6 =	vadd.f32 v10, v6;
	v53 =	vpop (erf);
	v56 =	vsel vm15, v22, v0  }
0x1d6: {  	v55 =	vlaneseq.u32;
	v8 =	vpop (erf);
	v1 =	vadd.f32 v54, v1;
	v16 =	vsub.f32 v22, v56  }
0x1d7: {  	v0 =	vsub.f32 v0, v56;
	v5 =	vadd.f32 v53, v5;
	v53 =	vimm.s32 $0x44;
	v57 =	vpop (erf)  }
0x1d8: {  	v22 =	vimm.s32 $0x1A;
	v9 =	vadd.f32 v50, v17;
	v50 =	vsel vm5, $0x45, v53;
	v49 =	vpop (erf)  }
0x1d9: {  	s31 =	rddreg [dreg:$0x3];
	v53 =	vimm.s32 $0x48;
	v16 =	vmul.f32 $1.442695020e+00, v16;
	v0 =	vmul.f32 $1.442695020e+00, v0;
	v51 =	vpop (erf)  }
0x1da: {  	s0 =	sadd.s32 s14, s31;
	v2 =	vadd.f32 v57, v8;
	v57 =	vmul.f32 v15, v3;
	v15 =	vadd.f32 v6, v11;
	v54 =	vpop (erf)  }
0x1db: {  	v6 =	vor.u32 s0, v55;
	v4 =	vadd.f32 v51, v49;
	(erf) = vpow2.f32 v16;
	v56 =	vpop (erf)  }
0x1dc: {  	v2 =	vadd.f32 v2, v5;
	(erf) = vpow2.f32 v0;
	v8 =	vadd.f32 v56, v54  }
0x1dd: {  	v5 =	vmov s0;
	v49 =	vmul.f32 v45, v48;
	v3 =	vadd.f32 v15, v9  }
0x1de: {  	s0 =	sadd.s32 $0x10, s0;
	v51 =	vimm.s32 $0x4A;
	v48 =	vimm.s32 $0x4C;
	v4 =	vadd.f32 v8, v4  }
0x1df: {  	v0 =	vadd.f32 v1, v57;
	v1 =	vmov s0;
	v10 =	vor.u32 s0, v55  }
0x1e0: {  	v57 =	vsel vm3, $0x49, v53;
	v45 =	vsel vm1, $0x4B, v51;
	v2 =	vadd.f32 v4, v2  }
0x1e1: {  	v54 =	vimm.s32 $0x46;
	v55 =	vpop (erf);
	v9 =	vsel vm8, v45, v57;
	v57 =	vld [tilespmem:$0x1FFF0];
	v8 =	vadd.f32 v47, v49  }
0x1e2: {  	v56 =	vsel vm2, $0x47, v54;
	v0 =	vmul.f32 v55, v0;
	v2 =	vadd.f32 v2, v3  }
0x1e3: {  	v47 =	vimm.s32 $0x4E;
	v49 =	vsel vm4, $0x4D, v48;
	v8 =	vmul.f32 v8, v44  }
0x1e4: {  	v51 =	vsel vm0, $0x4F, v47;
	v3 =	vsel vm10, v56, v50;
	v50 =	vpop (erf);
	v0 =	vadd.f32 v2, v0  }
0x1e5: {  	v4 =	vsel vm13, v12, v7;
	v7 =	vsel vm6, v51, v49;
	v8 =	vadd.f32 v8, v43;
	v53 =	vpop (erf)  }
0x1e6: {  	s29 =	sadd.s32 $0x2, s29;
	v54 =	vsel vm7, v7, v9;
	vm13 =	vnez.u8 v57;
	v0 =	vmul.f32 v0, v53  }
0x1e7: {  	p0 =	slt.u32 s29, $0x26;
	v3 =	vsel vm9, v3, v4;
	vm9 =	vlt.u32 v5, $0x4E20;
	vm10 =	vlt.f32 v8, v41  }
.Ltmp0:
0x1e8: {  	v3 =	vsel vm11, v54, v3;
	vm0 =	vmand vm9, vm10;
	v0 =	vadd.f32 v0, v50;
	(pc) =	sbr.rel @p0 .LBB2_2-.Ltmp0, $4  }
0x1e9: {  	v3 =	vsel vm12, v3, v52;
	vm12 =	vlt.u32 v1, $0x4E20;
	v55 =	vsel vm0, v8, v41  }
0x1ea: {  	v1 =	vsel vm13, $0x50, v46;
	v56 =	vsel vm0, v6, v40;
	vm14 =	vlt.f32 v0, v55  }
0x1eb: {  	s15 =	sadd.s32 $0x1, s15;
	v1 =	vsel vm0, v1, v42;
	v3 =	vsel vm15, $0x50, v3;
	vm15 =	vmand vm12, vm14  }
0x1ec: {  	s16 =	sadd.s32 $0x2, s16;
	s17 =	sadd.s32 $0x100, s17;
	s14 =	sadd.s32 $0x20, s14;
	v41 =	vsel vm15, v0, v55;
	v40 =	vsel vm15, v10, v56;
	v42 =	vsel vm15, v3, v1  }
0x1ed: {  	(xrf0) =	vmin.scan.msk.f32 $0xffff, v41;
	_ =	sdelay $0x5  }
0x1ee: {  	v0, _, _ =	vpop (xrf0)  }
0x1ef: {  	v0 =	vbroadcast v0, $0xF;
	_ =	sdelay $0x1  }
0x1f0: {  	vm0 =	veq.f32 v41, v0  }
0x1f1: {  	v0 =	vnsel vm0, $0x40000000, v40  }
0x1f2: {  	v1 =	vxor.u32 $0x80000000, v0  }
0x1f3: {  	(xrf0) =	vmin.scan.msk.u32 $0xffff, v1;
	_ =	sdelay $0x5  }
0x1f4: {  	v1, _, _ =	vpop (xrf0)  }
0x1f5: {  	(v2sf) =	vpush v1, $0xF;
	_ =	sdelay $0xe  }
0x1f6: {  	s0 =	spop (v2sf)  }
0x1f7: {  	s1 =	sxor.u32 $0x80000000, s0  }
0x1f8: {  	v54 =	vxor.u32 $0x80000000, v42;
	vm1 =	veq.s32 v0, s1  }
0x1f9: {  	v0 =	vnsel vm1, $0xC0000000, v54  }
0x1fa: {  	(xrf0) =	vmin.scan.msk.u32 $0xffff, v0;
	_ =	sdelay $0x4  }
0x1fb: {  	(erf) = vrcp.f32 v41  }
0x1fc: {  	v0, _, _ =	vpop (xrf0)  }
0x1fd: {  	(v2sf) =	vpush v0, $0xF;
	_ =	sdelay $0x5  }
0x1fe: {  	vm13 =	veq.s32 v40, s1  }
0x1ff: {  	v55 =	vpop (erf);
	vm0 =	vmand vm0, vm13  }
0x200: {  	v0 =	vnsel vm0, $0xFF800000, v55  }
0x201: {  	(xrf0) =	vmax.scan.msk.f32 $0xffff, v0;
	_ =	sdelay $0x5  }
0x202: {  	s0 =	sshll.u32 s0, $0x7;
	v0, _, _ =	vpop (xrf0);
	s24 =	spop (v2sf)  }
0x203: {  	v0 =	vbroadcast v0, $0xF;
	s0 =	sadd.s32 s24, s0  }
0x204: {  	vm14 =	vmmov $0x1;
	s0 =	sadd.s32 $0x80000000, s0  }
0x205: {  	vm15 =	vcmask $0x300;
	v0 =	vnsel vm14, $0x0, v0;
	v56 =	vmov s0  }
0x206: {  	s7 =	simm.s32 $0x0;
	[tilespmem:$0xDC00] =	vst v0;
	v57 =	vnsel vm15, $0x0, v56  }
0x207: {  	s25 =	rddreg [dreg:$0x5];
	s26 =	simm.s32 $0xDC00;
	s3 =	simm.s32 $0x1;
	[tilespmem:$0xDC80] =	vst v57  }
0x208: {  	[hbm4b:s25+s7] =	stream.linear.scatter [tilespmem:s26], [sflag:$0x1], $0x10, $0x38;
	[tilespmem:$0xDD00] =	vst v63  }
0x209: {  	_ =	swait.ge [sflag:s3], $0x10  }
0x20a: {  	[sflag:s3] =	ssyncset.done $0x0  }
0x20b: {  	s29 =	simm.s32 $0xDC80;
	s28 =	rddreg [dreg:$0x6];
	[sflag:s3] =	ssyncadd.s32 $0xFFFFFFF0  }
0x20c: {  	[hbm4b:s28+s7] =	stream.linear.scatter [tilespmem:s29], [sflag:$0x1], $0x10, $0x38;
	[tilespmem:$0xDD00] =	vst v63  }
0x20d: {  	_ =	swait.ge [sflag:s3], $0x10  }
0x20e: {  	s30 =	rddreg [dreg:$0x8]  }
0x20f: {  	s31 =	rddreg [dreg:$0x7];
	s1 =	sadd.s32 $0x1, s30  }
0x210: {  	p0 =	sne.s32 s1, s31  }
.Ltmp1:
0x211: {  	_ = 	snop;
	(pc) =	sbr.rel @p0 .LBB2_1-.Ltmp1, $3  }
0x212: {  	_ =	sdelay $0x1  }
0x213: {  	[sflag:s3] =	ssyncset.done $0x0  }
0x214: {  	[sflag:s3] =	ssyncadd.s32 $0xFFFFFFF0  }
0x215: {  	_ =	sfence.sel $0x180000  }
0x216: {  	[bflag:$0x0] =	sbarrier.arrive $0xFFFF  }
0x217: {  	_ =	strace $0x90000047  }
0x218: {  	s0 =	stileid.u32;
	[bflag:$0x2] =	sbarrier.arrive $0xFFFF  }
0x219: {  	p0 =	sne.s32 s0, $0x0;
	s0 =	rddreg [dreg:$0x2]  }
0x21a: {  	s0 =	sadd.s32 @!p0 $0x100000, s0  }
0x21b: {  	[sflag:s0] =	ssyncadd.tile.s32 @!p0 $0x1;
	_ =	shalt  }
.Lfunc_end2:
_tile_overlayer_lowered:
.L_overlay_start_2:
0x21c: {  	(tag) =	ssettag $0x2  }
0x21d: {  	s0 =	rddreg [dreg:$0x0];
	s2 =	stileid.u32  }
0x21e: {  	s1 =	rddreg [dreg:$0x1];
	p0 =	sne.s32 s2, $0x0  }
0x21f: {  	s3 =	rddreg [dreg:$0x2];
	[bflag:$0x3] =	sbarrier.arrive $0xFFFF;
	s2 =	simm.s32 @!p0 $0x1C01  }
0x220: {  	[timem:s3], [sflag:s2] =	dma.local @!p0 [hbm:s0], s1  }
0x221: {  	s0 =	simm.s32 @!p0 $0x1  }
0x222: {  	_ =	swait.ge @!p0 [sflag:s0], s1  }
0x223: {  	s1 =	ssub.s32 @!p0 $0x0, s1;
	[sflag:s0] =	ssyncset.done @!p0 $0x0  }
0x224: {  	[sflag:s0] =	ssyncadd.s32 @!p0 s1  }
0x225: {  	[bflag:$0x3] =	sbarrier.arrive $0xFFFF  }
0x226: {  	_ =	shalt  }

</sc_bundles>
